<compile_context>
chip_gen: v7x
topology: tpu7x:2x2x1
jax: 0.10.2.dev20260603
libtpu: 0.0.44.dev20260713+nightly
codegen_flags: <defaults>
</compile_context>

<pallas_src>
import functools

import jax
import jax.numpy as jnp
from jax import lax
from jax.experimental import pallas as pl
from jax.experimental.pallas import tpu as pltpu
from jax.experimental.pallas import tpu_sc as plsc

NW = 32
NCORE = 2
NSUB = 16
CHUNK = 400


def _scatter_add_rows(rows_ref, acc_ref, idx_ref):
  pltpu.sync_copy(rows_ref, acc_ref.at[idx_ref], add=True)


def _make_edge_pass(n_nodes, n_edges, with_deg):
  per_tile = n_edges // NW
  n_chunks = per_tile // CHUNK
  ztiles = 5
  rows_per_tile = n_nodes // ztiles
  mesh = plsc.VectorSubcoreMesh(
      core_axis_name="c", subcore_axis_name="s",
      num_cores=NCORE, num_subcores=NSUB)

  out_type = [jax.ShapeDtypeStruct((NCORE * n_nodes, 16), jnp.float32)]
  scratch = [
      pltpu.VMEM((per_tile,), jnp.int32),
      pltpu.VMEM((per_tile,), jnp.int32),
      pltpu.VMEM((per_tile,), jnp.float32),
      pltpu.VMEM((CHUNK,), jnp.int32),
      pltpu.VMEM((CHUNK,), jnp.int32),
      pltpu.VMEM((CHUNK, 32), jnp.float32),
      pltpu.VMEM((CHUNK, 16), jnp.float32),
      pltpu.VMEM((rows_per_tile, 16), jnp.float32),
      pltpu.VMEM_SHARED((n_nodes, 16), jnp.float32),
      pltpu.SemaphoreType.DMA,
  ]
  if with_deg:
    out_type.append(jax.ShapeDtypeStruct((NCORE * n_nodes,), jnp.float32))
    scratch += [
        pltpu.VMEM((CHUNK,), jnp.float32),
        pltpu.VMEM((rows_per_tile,), jnp.float32),
        pltpu.VMEM_SHARED((n_nodes,), jnp.float32),
    ]

  def body(ab_hbm, src_hbm, dst_hbm, p_hbm, acc_out, *rest):
    if with_deg:
      (deg_out, src_t, dst_t, p_t, idxr, idxw, rows_v, msg_v, zb, acc_sh, sem,
       ones_v, zdeg, deg_sh) = rest
    else:
      (src_t, dst_t, p_t, idxr, idxw, rows_v, msg_v, zb, acc_sh, sem) = rest
      deg_out = ones_v = zdeg = deg_sh = None

    cid = lax.axis_index("c")
    sid = lax.axis_index("s")
    wid = cid * NSUB + sid
    ebase = wid * per_tile

    pltpu.sync_copy(src_hbm.at[pl.ds(ebase, per_tile)], src_t)
    pltpu.sync_copy(dst_hbm.at[pl.ds(ebase, per_tile)], dst_t)
    pltpu.sync_copy(p_hbm.at[pl.ds(ebase, per_tile)], p_t)

    @pl.when(sid < ztiles)
    def _():
      @functools.partial(lax.fori_loop, 0, rows_per_tile, init_val=None)
      def _(i, _):
        zb[i, :] = jnp.zeros((16,), jnp.float32)

      pltpu.sync_copy(zb, acc_sh.at[pl.ds(sid * rows_per_tile, rows_per_tile)])
      if with_deg:
        @functools.partial(lax.fori_loop, 0, rows_per_tile // 16, init_val=None)
        def _(i, _):
          zdeg[pl.ds(i * 16, 16)] = jnp.zeros((16,), jnp.float32)
        pltpu.sync_copy(
            zdeg, deg_sh.at[pl.ds(sid * rows_per_tile, rows_per_tile)])

    if with_deg:
      @functools.partial(lax.fori_loop, 0, CHUNK // 16, init_val=None)
      def _(i, _):
        ones_v[pl.ds(i * 16, 16)] = jnp.ones((16,), jnp.float32)

    plsc.subcore_barrier()

    @functools.partial(lax.fori_loop, 0, n_chunks, init_val=None)
    def _(j, _):
      base = j * CHUNK
      for u in range(CHUNK // 16):
        idxr[pl.ds(u * 16, 16)] = src_t[pl.ds(base + u * 16, 16)]
        idxw[pl.ds(u * 16, 16)] = dst_t[pl.ds(base + u * 16, 16)]
      pltpu.async_copy(ab_hbm.at[idxr], rows_v, sem).wait()

      @functools.partial(lax.fori_loop, 0, CHUNK // 16, init_val=None)
      def _(g, _):
        pv = p_t[pl.ds(base + g * 16, 16)]
        pv = jnp.minimum(jnp.maximum(pv, 0.0), 1.0)
        for l in range(16):
          i = g * 16 + l
          a = rows_v[i, pl.ds(0, 16)]
          b = rows_v[i, pl.ds(16, 16)]
          msg_v[i, :] = a + pv[l] * (b - a)

      _scatter_add_rows(msg_v, acc_sh, idxw)
      if with_deg:
        _scatter_add_rows(ones_v, deg_sh, idxw)

    plsc.subcore_barrier()

    @pl.when(sid < ztiles)
    def _():
      r0 = sid * rows_per_tile
      pltpu.sync_copy(
          acc_sh.at[pl.ds(r0, rows_per_tile)],
          acc_out.at[pl.ds(cid * n_nodes + r0, rows_per_tile)])
    if with_deg:
      @pl.when(sid == 0)
      def _():
        pltpu.sync_copy(deg_sh, deg_out.at[pl.ds(cid * n_nodes, n_nodes)])

  return pl.kernel(
      body, out_type=out_type, mesh=mesh, scratch_types=scratch,
      compiler_params=pltpu.CompilerParams(use_tc_tiling_on_sc=False))


def _prep_kernel(x_ref, w1a_ref, w1b_ref, wr1_ref, b1_ref, ab_ref, root_ref):
  x = x_ref[...]
  ab_ref[:, :16] = jnp.dot(x, w1a_ref[...], preferred_element_type=jnp.float32)
  ab_ref[:, 16:] = jnp.dot(x, w1b_ref[...], preferred_element_type=jnp.float32)
  root_ref[...] = (
      jnp.dot(x, wr1_ref[...], preferred_element_type=jnp.float32)
      + b1_ref[...])


def _mid_kernel(acc_ref, deg_ref, root_ref, w2a_ref, w2b_ref, wr2_ref, b2_ref,
                ab2_ref, root2_ref):
  agg = acc_ref[0] + acc_ref[1]
  d = jnp.maximum(deg_ref[0, :, 0:1] + deg_ref[1, :, 0:1], 1.0)
  h = agg / d + root_ref[...]
  h = jnp.where(h > 0.0, h, jnp.exp(h) - 1.0)
  ab2_ref[:, :16] = jnp.dot(h, w2a_ref[...], preferred_element_type=jnp.float32)
  ab2_ref[:, 16:] = jnp.dot(h, w2b_ref[...], preferred_element_type=jnp.float32)
  root2_ref[...] = (
      jnp.dot(h, wr2_ref[...], preferred_element_type=jnp.float32)
      + b2_ref[...])


def _final_kernel(acc_ref, deg_ref, root2_ref, out_ref):
  agg = acc_ref[0] + acc_ref[1]
  d = jnp.maximum(deg_ref[0, :, 0:1] + deg_ref[1, :, 0:1], 1.0)
  o = agg / d + root2_ref[...]
  lane = lax.broadcasted_iota(jnp.int32, o.shape, 1)
  o = jnp.where(lane >= 7, -1e30, o)
  m = jnp.max(o, axis=1, keepdims=True)
  s = jnp.log(jnp.sum(jnp.exp(o - m), axis=1, keepdims=True))
  out_ref[...] = (o - m) - s


def kernel(x, edge_index, edge_attr, W1, Wroot1, b1, W2, Wroot2, b2):
  n, f_in = x.shape
  e = edge_index.shape[1]
  hid = Wroot1.shape[1]
  c = Wroot2.shape[1]

  src = edge_index[0].astype(jnp.int32)
  dst = edge_index[1].astype(jnp.int32)
  p = edge_attr[:, 0]

  w2a = jnp.zeros((hid, 16), jnp.float32).at[:, :c].set(W2[0])
  w2b = jnp.zeros((hid, 16), jnp.float32).at[:, :c].set(W2[1])
  wr2 = jnp.zeros((hid, 16), jnp.float32).at[:, :c].set(Wroot2)
  b2p = jnp.zeros((16,), jnp.float32).at[:c].set(b2)

  blk = 2000
  grid = n // blk

  ab1, root1 = pl.pallas_call(
      _prep_kernel,
      grid=(grid,),
      in_specs=[
          pl.BlockSpec((blk, f_in), lambda i: (i, 0)),
          pl.BlockSpec((f_in, hid), lambda i: (0, 0)),
          pl.BlockSpec((f_in, hid), lambda i: (0, 0)),
          pl.BlockSpec((f_in, hid), lambda i: (0, 0)),
          pl.BlockSpec((1, hid), lambda i: (0, 0)),
      ],
      out_specs=[
          pl.BlockSpec((blk, 2 * hid), lambda i: (i, 0)),
          pl.BlockSpec((blk, hid), lambda i: (i, 0)),
      ],
      out_shape=[
          jax.ShapeDtypeStruct((n, 2 * hid), jnp.float32),
          jax.ShapeDtypeStruct((n, hid), jnp.float32),
      ],
  )(x, W1[0], W1[1], Wroot1, b1.reshape(1, hid))

  edge1 = _make_edge_pass(n, e, with_deg=True)
  acc1, deg = edge1(ab1, src, dst, p)
  acc1 = acc1.reshape(NCORE, n, hid)
  deg3 = deg.reshape(NCORE, n, 1)

  ab2, root2 = pl.pallas_call(
      _mid_kernel,
      grid=(grid,),
      in_specs=[
          pl.BlockSpec((NCORE, blk, hid), lambda i: (0, i, 0)),
          pl.BlockSpec((NCORE, blk, 1), lambda i: (0, i, 0)),
          pl.BlockSpec((blk, hid), lambda i: (i, 0)),
          pl.BlockSpec((hid, 16), lambda i: (0, 0)),
          pl.BlockSpec((hid, 16), lambda i: (0, 0)),
          pl.BlockSpec((hid, 16), lambda i: (0, 0)),
          pl.BlockSpec((1, 16), lambda i: (0, 0)),
      ],
      out_specs=[
          pl.BlockSpec((blk, 32), lambda i: (i, 0)),
          pl.BlockSpec((blk, 16), lambda i: (i, 0)),
      ],
      out_shape=[
          jax.ShapeDtypeStruct((n, 32), jnp.float32),
          jax.ShapeDtypeStruct((n, 16), jnp.float32),
      ],
  )(acc1, deg3, root1, w2a, w2b, wr2, b2p.reshape(1, 16))

  edge2 = _make_edge_pass(n, e, with_deg=False)
  (acc2,) = edge2(ab2, src, dst, p)
  acc2 = acc2.reshape(NCORE, n, 16)

  out = pl.pallas_call(
      _final_kernel,
      grid=(grid,),
      in_specs=[
          pl.BlockSpec((NCORE, blk, 16), lambda i: (0, i, 0)),
          pl.BlockSpec((NCORE, blk, 1), lambda i: (0, i, 0)),
          pl.BlockSpec((blk, 16), lambda i: (i, 0)),
      ],
      out_specs=pl.BlockSpec((blk, 16), lambda i: (i, 0)),
      out_shape=jax.ShapeDtypeStruct((n, 16), jnp.float32),
  )(acc2, deg3, root2)

  return out[:, :c]

# --- scband reference (transcript-rebuilt; emitter-appended) ---
"""Pipeline reference for scband-net-21646635172355 (READ-ONLY COPY).

The authoritative reference and input builder live on the scoring server;
editing this copy changes nothing except your own understanding.
"""

import jax, jax.numpy as jnp
import numpy as np

N = 10000
E = 320000
F_IN = 128
HID = 16
C = 7


def setup_inputs(seed: int = 0) -> dict:
    key = jax.random.key(seed)
    ks = jax.random.split(key, 10)
    x = jax.random.normal(ks[0], (N, F_IN), dtype=jnp.float32)
    edge_index = jax.random.randint(ks[1], (2, E), 0, N)
    edge_attr = jax.random.uniform(ks[2], (E, 1), dtype=jnp.float32)
    W1 = jax.random.normal(ks[3], (2, F_IN, HID), dtype=jnp.float32) * (1.0 / np.sqrt(F_IN))
    Wroot1 = jax.random.normal(ks[4], (F_IN, HID), dtype=jnp.float32) * (1.0 / np.sqrt(F_IN))
    b1 = jnp.zeros((HID,), dtype=jnp.float32)
    W2 = jax.random.normal(ks[5], (2, HID, C), dtype=jnp.float32) * (1.0 / np.sqrt(HID))
    Wroot2 = jax.random.normal(ks[6], (HID, C), dtype=jnp.float32) * (1.0 / np.sqrt(HID))
    b2 = jnp.zeros((C,), dtype=jnp.float32)
    return {"x": x, "edge_index": edge_index, "edge_attr": edge_attr,
            "W1": W1, "Wroot1": Wroot1, "b1": b1,
            "W2": W2, "Wroot2": Wroot2, "b2": b2}


def _spline_conv(x, edge_index, edge_attr, Wk, Wroot, b):
    # SplineConv, dim=1, kernel_size=2, degree=1 (linear B-spline), aggr='mean', root weight + bias.
    src = edge_index[0]
    dst = edge_index[1]
    p = jnp.clip(edge_attr[:, 0], 0.0, 1.0)  # pseudo-coordinates in [0, 1]
    # degree-1 spline basis with 2 control points: basis0 = 1 - p, basis1 = p
    basis0 = (1.0 - p)[:, None]
    basis1 = p[:, None]
    xs = x[src]
    msg = basis0 * (xs @ Wk[0]) + basis1 * (xs @ Wk[1])
    agg = jax.ops.segment_sum(msg, dst, num_segments=x.shape[0])
    deg = jax.ops.segment_sum(jnp.ones((dst.shape[0],), dtype=jnp.float32), dst, num_segments=x.shape[0])
    agg = agg / jnp.maximum(deg, 1.0)[:, None]
    return agg + x @ Wroot + b


def reference(x, edge_index, edge_attr, W1, Wroot1, b1, W2, Wroot2, b2):
    # Dropout is identity in eval mode (F.dropout with training=False).
    h = jax.nn.elu(_spline_conv(x, edge_index, edge_attr, W1, Wroot1, b1))
    out = _spline_conv(h, edge_index, edge_attr, W2, Wroot2, b2)
    return jax.nn.log_softmax(out, axis=1)

if __name__ == "__main__":
    import jax
    _d = setup_inputs()
    print(jax.jit(kernel)(*tuple(_d.values())))

</pallas_src>

<mosaic_0001>
#map = affine_map<(d0, d1) -> (0, 0)>
#map1 = affine_map<(d0, d1) -> (0)>
module attributes {stable_mosaic.version = 14 : i64} {
  func.func @body(%arg0: i32, %arg1: i32, %arg2: memref<10000x32xf32, #tpu.memory_space<hbm>>, %arg3: memref<320000xi32, #tpu.memory_space<hbm>>, %arg4: memref<320000xi32, #tpu.memory_space<hbm>>, %arg5: memref<320000xf32, #tpu.memory_space<hbm>>, %arg6: memref<20000x16xf32, #tpu.memory_space<hbm>>, %arg7: memref<20000xf32, #tpu.memory_space<hbm>>, %arg8: memref<10000xi32, #tpu.memory_space<vmem>>, %arg9: memref<10000xi32, #tpu.memory_space<vmem>>, %arg10: memref<10000xf32, #tpu.memory_space<vmem>>, %arg11: memref<400xi32, #tpu.memory_space<vmem>>, %arg12: memref<400xi32, #tpu.memory_space<vmem>>, %arg13: memref<400x32xf32, #tpu.memory_space<vmem>>, %arg14: memref<400x16xf32, #tpu.memory_space<vmem>>, %arg15: memref<2000x16xf32, #tpu.memory_space<vmem>>, %arg16: memref<10000x16xf32, #tpu.memory_space<vmem_shared>>, %arg17: memref<!tpu.dma_semaphore, #tpu.memory_space<semaphore_mem>>, %arg18: memref<400xf32, #tpu.memory_space<vmem>>, %arg19: memref<2000xf32, #tpu.memory_space<vmem>>, %arg20: memref<10000xf32, #tpu.memory_space<vmem_shared>>) attributes {dimension_semantics = [#tpu.dimension_semantics<core_parallel>, #tpu.dimension_semantics<subcore_parallel>], iteration_bounds = array<i64: 2, 16>, scalar_prefetch = 0 : i64, scratch_operands = 13 : i64, tpu.core_type = #tpu.core_type<sc_vector_subcore>, window_params = [{transform_indices = #map}, {transform_indices = #map1}, {transform_indices = #map1}, {transform_indices = #map1}, {transform_indices = #map}, {transform_indices = #map1}]} {
    %mul3A = arith.constant 16 : i32
    %mul3A_0 = arith.muli %arg0, %mul3A : i32
    %add3A = arith.addi %mul3A_0, %arg1 : i32
    %mul3A_1 = arith.constant 10000 : i32
    %mul3A_2 = arith.muli %add3A, %mul3A_1 : i32
    "tpu.region"() ({
      %run_scoped3A = tpu.sem_alloc : memref<!tpu.dma_semaphore, #tpu.memory_space<semaphore_mem>>
      %dma_start3A = tpu.memref_slice %arg3[%mul3A_2] : memref<320000xi32, #tpu.memory_space<hbm>> -> memref<10000xi32, #tpu.memory_space<hbm>>
      %dma_start3A_24 = tpu.memref_slice %arg3[%mul3A_2] : memref<320000xi32, #tpu.memory_space<hbm>> -> memref<10000xi32, #tpu.memory_space<hbm>>
      tpu.enqueue_dma source(%dma_start3A_24 : memref<10000xi32, #tpu.memory_space<hbm>>) target(%arg8 : memref<10000xi32, #tpu.memory_space<vmem>>) target_semaphore(%run_scoped3A : memref<!tpu.dma_semaphore, #tpu.memory_space<semaphore_mem>>)
      %dma_wait3A = tpu.memref_slice %arg3[%mul3A_2] : memref<320000xi32, #tpu.memory_space<hbm>> -> memref<10000xi32, #tpu.memory_space<hbm>>
      %dma_wait3A_25 = tpu.memref_slice %arg3[%mul3A_2] : memref<320000xi32, #tpu.memory_space<hbm>> -> memref<10000xi32, #tpu.memory_space<hbm>>
      tpu.wait_dma2 semaphore(%run_scoped3A : memref<!tpu.dma_semaphore, #tpu.memory_space<semaphore_mem>>) src(%dma_wait3A_25 : memref<10000xi32, #tpu.memory_space<hbm>>) dst(%arg8 : memref<10000xi32, #tpu.memory_space<vmem>>)
      tpu.yield
    }) : () -> ()
    "tpu.region"() ({
      %run_scoped3A = tpu.sem_alloc : memref<!tpu.dma_semaphore, #tpu.memory_space<semaphore_mem>>
      %dma_start3A = tpu.memref_slice %arg4[%mul3A_2] : memref<320000xi32, #tpu.memory_space<hbm>> -> memref<10000xi32, #tpu.memory_space<hbm>>
      %dma_start3A_24 = tpu.memref_slice %arg4[%mul3A_2] : memref<320000xi32, #tpu.memory_space<hbm>> -> memref<10000xi32, #tpu.memory_space<hbm>>
      tpu.enqueue_dma source(%dma_start3A_24 : memref<10000xi32, #tpu.memory_space<hbm>>) target(%arg9 : memref<10000xi32, #tpu.memory_space<vmem>>) target_semaphore(%run_scoped3A : memref<!tpu.dma_semaphore, #tpu.memory_space<semaphore_mem>>)
      %dma_wait3A = tpu.memref_slice %arg4[%mul3A_2] : memref<320000xi32, #tpu.memory_space<hbm>> -> memref<10000xi32, #tpu.memory_space<hbm>>
      %dma_wait3A_25 = tpu.memref_slice %arg4[%mul3A_2] : memref<320000xi32, #tpu.memory_space<hbm>> -> memref<10000xi32, #tpu.memory_space<hbm>>
      tpu.wait_dma2 semaphore(%run_scoped3A : memref<!tpu.dma_semaphore, #tpu.memory_space<semaphore_mem>>) src(%dma_wait3A_25 : memref<10000xi32, #tpu.memory_space<hbm>>) dst(%arg9 : memref<10000xi32, #tpu.memory_space<vmem>>)
      tpu.yield
    }) : () -> ()
    "tpu.region"() ({
      %run_scoped3A = tpu.sem_alloc : memref<!tpu.dma_semaphore, #tpu.memory_space<semaphore_mem>>
      %dma_start3A = tpu.memref_slice %arg5[%mul3A_2] : memref<320000xf32, #tpu.memory_space<hbm>> -> memref<10000xf32, #tpu.memory_space<hbm>>
      %dma_start3A_24 = tpu.memref_slice %arg5[%mul3A_2] : memref<320000xf32, #tpu.memory_space<hbm>> -> memref<10000xf32, #tpu.memory_space<hbm>>
      tpu.enqueue_dma source(%dma_start3A_24 : memref<10000xf32, #tpu.memory_space<hbm>>) target(%arg10 : memref<10000xf32, #tpu.memory_space<vmem>>) target_semaphore(%run_scoped3A : memref<!tpu.dma_semaphore, #tpu.memory_space<semaphore_mem>>)
      %dma_wait3A = tpu.memref_slice %arg5[%mul3A_2] : memref<320000xf32, #tpu.memory_space<hbm>> -> memref<10000xf32, #tpu.memory_space<hbm>>
      %dma_wait3A_25 = tpu.memref_slice %arg5[%mul3A_2] : memref<320000xf32, #tpu.memory_space<hbm>> -> memref<10000xf32, #tpu.memory_space<hbm>>
      tpu.wait_dma2 semaphore(%run_scoped3A : memref<!tpu.dma_semaphore, #tpu.memory_space<semaphore_mem>>) src(%dma_wait3A_25 : memref<10000xf32, #tpu.memory_space<hbm>>) dst(%arg10 : memref<10000xf32, #tpu.memory_space<vmem>>)
      tpu.yield
    }) : () -> ()
    %lt3A = arith.constant 5 : i32
    %lt3A_3 = arith.cmpi slt, %arg1, %lt3A : i32
    %convert_element_type3A = arith.extui %lt3A_3 : i1 to i32
    %cond3A = arith.constant 0 : i32
    %cond3A_4 = arith.cmpi ne, %convert_element_type3A, %cond3A : i32
    scf.if %cond3A_4 {
      %scan3A_24 = arith.constant 0 : i32
      %scan3A_25 = arith.constant 2000 : i32
      %scan3A_26 = arith.addi %scan3A_24, %scan3A_25 : i32
      %scan3A_27 = arith.constant 1 : i32
      scf.for %scan3A_38 = %scan3A_24 to %scan3A_26 step %scan3A_27  : i32 {
        %broadcast_in_dim3A = arith.constant 0.000000e+00 : f32
        %broadcast_in_dim3A_39 = vector.broadcast %broadcast_in_dim3A : f32 to vector<16xf32>
        %swap3A = arith.index_cast %scan3A_38 : i32 to index
        %swap3A_40 = arith.constant 0 : index
        %swap3A_41 = tpu.vector_load %arg15[%swap3A, %swap3A_40] {strides = array<i32>} : memref<2000x16xf32, #tpu.memory_space<vmem>>, vector<1x16xf32>,
        %swap3A_42 = vector.shape_cast %swap3A_41 : vector<1x16xf32> to vector<16xf32>
        %swap3A_43 = vector.shape_cast %broadcast_in_dim3A_39 : vector<16xf32> to vector<1x16xf32>
        tpu.vector_store %arg15[%swap3A, %swap3A_40], %swap3A_43 {strides = array<i32>} : memref<2000x16xf32, #tpu.memory_space<vmem>>, vector<1x16xf32>,
      }
      %scan3A_28 = arith.constant 2000 : i32
      %mul3A_29 = arith.constant 2000 : i32
      %mul3A_30 = arith.muli %arg1, %mul3A_29 : i32
      "tpu.region"() ({
        %run_scoped3A = tpu.sem_alloc : memref<!tpu.dma_semaphore, #tpu.memory_space<semaphore_mem>>
        %dma_start3A = arith.constant 0 : i32
        %dma_start3A_38 = tpu.memref_slice %arg16[%mul3A_30, %dma_start3A] : memref<10000x16xf32, #tpu.memory_space<vmem_shared>> -> memref<2000x16xf32, #tpu.memory_space<vmem_shared>>
        %dma_start3A_39 = arith.constant 0 : i32
        %dma_start3A_40 = tpu.memref_slice %arg16[%mul3A_30, %dma_start3A_39] : memref<10000x16xf32, #tpu.memory_space<vmem_shared>> -> memref<2000x16xf32, #tpu.memory_space<vmem_shared>>
        tpu.enqueue_dma source(%arg15 : memref<2000x16xf32, #tpu.memory_space<vmem>>) target(%dma_start3A_40 : memref<2000x16xf32, #tpu.memory_space<vmem_shared>>) target_semaphore(%run_scoped3A : memref<!tpu.dma_semaphore, #tpu.memory_space<semaphore_mem>>)
        %dma_wait3A = arith.constant 0 : i32
        %dma_wait3A_41 = tpu.memref_slice %arg16[%mul3A_30, %dma_wait3A] : memref<10000x16xf32, #tpu.memory_space<vmem_shared>> -> memref<2000x16xf32, #tpu.memory_space<vmem_shared>>
        %dma_wait3A_42 = arith.constant 0 : i32
        %dma_wait3A_43 = tpu.memref_slice %arg16[%mul3A_30, %dma_wait3A_42] : memref<10000x16xf32, #tpu.memory_space<vmem_shared>> -> memref<2000x16xf32, #tpu.memory_space<vmem_shared>>
        tpu.wait_dma2 semaphore(%run_scoped3A : memref<!tpu.dma_semaphore, #tpu.memory_space<semaphore_mem>>) src(%arg15 : memref<2000x16xf32, #tpu.memory_space<vmem>>) dst(%dma_wait3A_43 : memref<2000x16xf32, #tpu.memory_space<vmem_shared>>)
        tpu.yield
      }) : () -> ()
      %scan3A_31 = arith.constant 0 : i32
      %scan3A_32 = arith.constant 125 : i32
      %scan3A_33 = arith.addi %scan3A_31, %scan3A_32 : i32
      %scan3A_34 = arith.constant 1 : i32
      scf.for %scan3A_38 = %scan3A_31 to %scan3A_33 step %scan3A_34  : i32 {
        %broadcast_in_dim3A = arith.constant 0.000000e+00 : f32
        %broadcast_in_dim3A_39 = vector.broadcast %broadcast_in_dim3A : f32 to vector<16xf32>
        %mul3A_40 = arith.constant 16 : i32
        %mul3A_41 = arith.muli %scan3A_38, %mul3A_40 : i32
        %swap3A = arith.index_cast %mul3A_41 : i32 to index
        %swap3A_42 = tpu.vector_load %arg19[%swap3A] {strides = array<i32>} : memref<2000xf32, #tpu.memory_space<vmem>>, vector<16xf32>,
        %swap3A_43 = vector.shape_cast %swap3A_42 : vector<16xf32> to vector<16xf32>
        %swap3A_44 = vector.shape_cast %broadcast_in_dim3A_39 : vector<16xf32> to vector<16xf32>
        tpu.vector_store %arg19[%swap3A], %swap3A_44 {strides = array<i32>} : memref<2000xf32, #tpu.memory_space<vmem>>, vector<16xf32>,
      }
      %scan3A_35 = arith.constant 125 : i32
      %mul3A_36 = arith.constant 2000 : i32
      %mul3A_37 = arith.muli %arg1, %mul3A_36 : i32
      "tpu.region"() ({
        %run_scoped3A = tpu.sem_alloc : memref<!tpu.dma_semaphore, #tpu.memory_space<semaphore_mem>>
        %dma_start3A = tpu.memref_slice %arg20[%mul3A_37] : memref<10000xf32, #tpu.memory_space<vmem_shared>> -> memref<2000xf32, #tpu.memory_space<vmem_shared>>
        %dma_start3A_38 = tpu.memref_slice %arg20[%mul3A_37] : memref<10000xf32, #tpu.memory_space<vmem_shared>> -> memref<2000xf32, #tpu.memory_space<vmem_shared>>
        tpu.enqueue_dma source(%arg19 : memref<2000xf32, #tpu.memory_space<vmem>>) target(%dma_start3A_38 : memref<2000xf32, #tpu.memory_space<vmem_shared>>) target_semaphore(%run_scoped3A : memref<!tpu.dma_semaphore, #tpu.memory_space<semaphore_mem>>)
        %dma_wait3A = tpu.memref_slice %arg20[%mul3A_37] : memref<10000xf32, #tpu.memory_space<vmem_shared>> -> memref<2000xf32, #tpu.memory_space<vmem_shared>>
        %dma_wait3A_39 = tpu.memref_slice %arg20[%mul3A_37] : memref<10000xf32, #tpu.memory_space<vmem_shared>> -> memref<2000xf32, #tpu.memory_space<vmem_shared>>
        tpu.wait_dma2 semaphore(%run_scoped3A : memref<!tpu.dma_semaphore, #tpu.memory_space<semaphore_mem>>) src(%arg19 : memref<2000xf32, #tpu.memory_space<vmem>>) dst(%dma_wait3A_39 : memref<2000xf32, #tpu.memory_space<vmem_shared>>)
        tpu.yield
      }) : () -> ()
    } else {
    }
    %scan3A = arith.constant 0 : i32
    %scan3A_5 = arith.constant 25 : i32
    %scan3A_6 = arith.addi %scan3A, %scan3A_5 : i32
    %scan3A_7 = arith.constant 1 : i32
    scf.for %scan3A_24 = %scan3A to %scan3A_6 step %scan3A_7  : i32 {
      %broadcast_in_dim3A = arith.constant 1.000000e+00 : f32
      %broadcast_in_dim3A_25 = vector.broadcast %broadcast_in_dim3A : f32 to vector<16xf32>
      %mul3A_26 = arith.constant 16 : i32
      %mul3A_27 = arith.muli %scan3A_24, %mul3A_26 : i32
      %swap3A = arith.index_cast %mul3A_27 : i32 to index
      %swap3A_28 = tpu.vector_load %arg18[%swap3A] {strides = array<i32>} : memref<400xf32, #tpu.memory_space<vmem>>, vector<16xf32>,
      %swap3A_29 = vector.shape_cast %swap3A_28 : vector<16xf32> to vector<16xf32>
      %swap3A_30 = vector.shape_cast %broadcast_in_dim3A_25 : vector<16xf32> to vector<16xf32>
      tpu.vector_store %arg18[%swap3A], %swap3A_30 {strides = array<i32>} : memref<400xf32, #tpu.memory_space<vmem>>, vector<16xf32>,
    }
    %scan3A_8 = arith.constant 25 : i32
    %barrier3A = arith.constant 0 : index
    tpu.barrier barrier_id(%barrier3A)
    %scan3A_9 = arith.constant 0 : i32
    %scan3A_10 = arith.constant 25 : i32
    %scan3A_11 = arith.addi %scan3A_9, %scan3A_10 : i32
    %scan3A_12 = arith.constant 1 : i32
    scf.for %scan3A_24 = %scan3A_9 to %scan3A_11 step %scan3A_12  : i32 {
      %mul3A_25 = arith.constant 400 : i32
      %mul3A_26 = arith.muli %scan3A_24, %mul3A_25 : i32
      %add3A_27 = arith.constant 0 : i32
      %add3A_28 = arith.addi %mul3A_26, %add3A_27 : i32
      %get3A = arith.index_cast %add3A_28 : i32 to index
      %get3A_29 = tpu.vector_load %arg8[%get3A] {strides = array<i32>} : memref<10000xi32, #tpu.memory_space<vmem>>, vector<16xi32>,
      %get3A_30 = vector.shape_cast %get3A_29 : vector<16xi32> to vector<16xi32>
      %swap3A = arith.constant 0 : index
      %swap3A_31 = tpu.vector_load %arg11[%swap3A] {strides = array<i32>} : memref<400xi32, #tpu.memory_space<vmem>>, vector<16xi32>,
      %swap3A_32 = vector.shape_cast %swap3A_31 : vector<16xi32> to vector<16xi32>
      %swap3A_33 = vector.shape_cast %get3A_30 : vector<16xi32> to vector<16xi32>
      tpu.vector_store %arg11[%swap3A], %swap3A_33 {strides = array<i32>} : memref<400xi32, #tpu.memory_space<vmem>>, vector<16xi32>,
      %add3A_34 = arith.constant 0 : i32
      %add3A_35 = arith.addi %mul3A_26, %add3A_34 : i32
      %get3A_36 = arith.index_cast %add3A_35 : i32 to index
      %get3A_37 = tpu.vector_load %arg9[%get3A_36] {strides = array<i32>} : memref<10000xi32, #tpu.memory_space<vmem>>, vector<16xi32>,
      %get3A_38 = vector.shape_cast %get3A_37 : vector<16xi32> to vector<16xi32>
      %swap3A_39 = arith.constant 0 : index
      %swap3A_40 = tpu.vector_load %arg12[%swap3A_39] {strides = array<i32>} : memref<400xi32, #tpu.memory_space<vmem>>, vector<16xi32>,
      %swap3A_41 = vector.shape_cast %swap3A_40 : vector<16xi32> to vector<16xi32>
      %swap3A_42 = vector.shape_cast %get3A_38 : vector<16xi32> to vector<16xi32>
      tpu.vector_store %arg12[%swap3A_39], %swap3A_42 {strides = array<i32>} : memref<400xi32, #tpu.memory_space<vmem>>, vector<16xi32>,
      %add3A_43 = arith.constant 16 : i32
      %add3A_44 = arith.addi %mul3A_26, %add3A_43 : i32
      %get3A_45 = arith.index_cast %add3A_44 : i32 to index
      %get3A_46 = tpu.vector_load %arg8[%get3A_45] {strides = array<i32>} : memref<10000xi32, #tpu.memory_space<vmem>>, vector<16xi32>,
      %get3A_47 = vector.shape_cast %get3A_46 : vector<16xi32> to vector<16xi32>
      %swap3A_48 = arith.constant 16 : index
      %swap3A_49 = tpu.vector_load %arg11[%swap3A_48] {strides = array<i32>} : memref<400xi32, #tpu.memory_space<vmem>>, vector<16xi32>,
      %swap3A_50 = vector.shape_cast %swap3A_49 : vector<16xi32> to vector<16xi32>
      %swap3A_51 = vector.shape_cast %get3A_47 : vector<16xi32> to vector<16xi32>
      tpu.vector_store %arg11[%swap3A_48], %swap3A_51 {strides = array<i32>} : memref<400xi32, #tpu.memory_space<vmem>>, vector<16xi32>,
      %add3A_52 = arith.constant 16 : i32
      %add3A_53 = arith.addi %mul3A_26, %add3A_52 : i32
      %get3A_54 = arith.index_cast %add3A_53 : i32 to index
      %get3A_55 = tpu.vector_load %arg9[%get3A_54] {strides = array<i32>} : memref<10000xi32, #tpu.memory_space<vmem>>, vector<16xi32>,
      %get3A_56 = vector.shape_cast %get3A_55 : vector<16xi32> to vector<16xi32>
      %swap3A_57 = arith.constant 16 : index
      %swap3A_58 = tpu.vector_load %arg12[%swap3A_57] {strides = array<i32>} : memref<400xi32, #tpu.memory_space<vmem>>, vector<16xi32>,
      %swap3A_59 = vector.shape_cast %swap3A_58 : vector<16xi32> to vector<16xi32>
      %swap3A_60 = vector.shape_cast %get3A_56 : vector<16xi32> to vector<16xi32>
      tpu.vector_store %arg12[%swap3A_57], %swap3A_60 {strides = array<i32>} : memref<400xi32, #tpu.memory_space<vmem>>, vector<16xi32>,
      %add3A_61 = arith.constant 32 : i32
      %add3A_62 = arith.addi %mul3A_26, %add3A_61 : i32
      %get3A_63 = arith.index_cast %add3A_62 : i32 to index
      %get3A_64 = tpu.vector_load %arg8[%get3A_63] {strides = array<i32>} : memref<10000xi32, #tpu.memory_space<vmem>>, vector<16xi32>,
      %get3A_65 = vector.shape_cast %get3A_64 : vector<16xi32> to vector<16xi32>
      %swap3A_66 = arith.constant 32 : index
      %swap3A_67 = tpu.vector_load %arg11[%swap3A_66] {strides = array<i32>} : memref<400xi32, #tpu.memory_space<vmem>>, vector<16xi32>,
      %swap3A_68 = vector.shape_cast %swap3A_67 : vector<16xi32> to vector<16xi32>
      %swap3A_69 = vector.shape_cast %get3A_65 : vector<16xi32> to vector<16xi32>
      tpu.vector_store %arg11[%swap3A_66], %swap3A_69 {strides = array<i32>} : memref<400xi32, #tpu.memory_space<vmem>>, vector<16xi32>,
      %add3A_70 = arith.constant 32 : i32
      %add3A_71 = arith.addi %mul3A_26, %add3A_70 : i32
      %get3A_72 = arith.index_cast %add3A_71 : i32 to index
      %get3A_73 = tpu.vector_load %arg9[%get3A_72] {strides = array<i32>} : memref<10000xi32, #tpu.memory_space<vmem>>, vector<16xi32>,
      %get3A_74 = vector.shape_cast %get3A_73 : vector<16xi32> to vector<16xi32>
      %swap3A_75 = arith.constant 32 : index
      %swap3A_76 = tpu.vector_load %arg12[%swap3A_75] {strides = array<i32>} : memref<400xi32, #tpu.memory_space<vmem>>, vector<16xi32>,
      %swap3A_77 = vector.shape_cast %swap3A_76 : vector<16xi32> to vector<16xi32>
      %swap3A_78 = vector.shape_cast %get3A_74 : vector<16xi32> to vector<16xi32>
      tpu.vector_store %arg12[%swap3A_75], %swap3A_78 {strides = array<i32>} : memref<400xi32, #tpu.memory_space<vmem>>, vector<16xi32>,
      %add3A_79 = arith.constant 48 : i32
      %add3A_80 = arith.addi %mul3A_26, %add3A_79 : i32
      %get3A_81 = arith.index_cast %add3A_80 : i32 to index
      %get3A_82 = tpu.vector_load %arg8[%get3A_81] {strides = array<i32>} : memref<10000xi32, #tpu.memory_space<vmem>>, vector<16xi32>,
      %get3A_83 = vector.shape_cast %get3A_82 : vector<16xi32> to vector<16xi32>
      %swap3A_84 = arith.constant 48 : index
      %swap3A_85 = tpu.vector_load %arg11[%swap3A_84] {strides = array<i32>} : memref<400xi32, #tpu.memory_space<vmem>>, vector<16xi32>,
      %swap3A_86 = vector.shape_cast %swap3A_85 : vector<16xi32> to vector<16xi32>
      %swap3A_87 = vector.shape_cast %get3A_83 : vector<16xi32> to vector<16xi32>
      tpu.vector_store %arg11[%swap3A_84], %swap3A_87 {strides = array<i32>} : memref<400xi32, #tpu.memory_space<vmem>>, vector<16xi32>,
      %add3A_88 = arith.constant 48 : i32
      %add3A_89 = arith.addi %mul3A_26, %add3A_88 : i32
      %get3A_90 = arith.index_cast %add3A_89 : i32 to index
      %get3A_91 = tpu.vector_load %arg9[%get3A_90] {strides = array<i32>} : memref<10000xi32, #tpu.memory_space<vmem>>, vector<16xi32>,
      %get3A_92 = vector.shape_cast %get3A_91 : vector<16xi32> to vector<16xi32>
      %swap3A_93 = arith.constant 48 : index
      %swap3A_94 = tpu.vector_load %arg12[%swap3A_93] {strides = array<i32>} : memref<400xi32, #tpu.memory_space<vmem>>, vector<16xi32>,
      %swap3A_95 = vector.shape_cast %swap3A_94 : vector<16xi32> to vector<16xi32>
      %swap3A_96 = vector.shape_cast %get3A_92 : vector<16xi32> to vector<16xi32>
      tpu.vector_store %arg12[%swap3A_93], %swap3A_96 {strides = array<i32>} : memref<400xi32, #tpu.memory_space<vmem>>, vector<16xi32>,
      %add3A_97 = arith.constant 64 : i32
      %add3A_98 = arith.addi %mul3A_26, %add3A_97 : i32
      %get3A_99 = arith.index_cast %add3A_98 : i32 to index
      %get3A_100 = tpu.vector_load %arg8[%get3A_99] {strides = array<i32>} : memref<10000xi32, #tpu.memory_space<vmem>>, vector<16xi32>,
      %get3A_101 = vector.shape_cast %get3A_100 : vector<16xi32> to vector<16xi32>
      %swap3A_102 = arith.constant 64 : index
      %swap3A_103 = tpu.vector_load %arg11[%swap3A_102] {strides = array<i32>} : memref<400xi32, #tpu.memory_space<vmem>>, vector<16xi32>,
      %swap3A_104 = vector.shape_cast %swap3A_103 : vector<16xi32> to vector<16xi32>
      %swap3A_105 = vector.shape_cast %get3A_101 : vector<16xi32> to vector<16xi32>
      tpu.vector_store %arg11[%swap3A_102], %swap3A_105 {strides = array<i32>} : memref<400xi32, #tpu.memory_space<vmem>>, vector<16xi32>,
      %add3A_106 = arith.constant 64 : i32
      %add3A_107 = arith.addi %mul3A_26, %add3A_106 : i32
      %get3A_108 = arith.index_cast %add3A_107 : i32 to index
      %get3A_109 = tpu.vector_load %arg9[%get3A_108] {strides = array<i32>} : memref<10000xi32, #tpu.memory_space<vmem>>, vector<16xi32>,
      %get3A_110 = vector.shape_cast %get3A_109 : vector<16xi32> to vector<16xi32>
      %swap3A_111 = arith.constant 64 : index
      %swap3A_112 = tpu.vector_load %arg12[%swap3A_111] {strides = array<i32>} : memref<400xi32, #tpu.memory_space<vmem>>, vector<16xi32>,
      %swap3A_113 = vector.shape_cast %swap3A_112 : vector<16xi32> to vector<16xi32>
      %swap3A_114 = vector.shape_cast %get3A_110 : vector<16xi32> to vector<16xi32>
      tpu.vector_store %arg12[%swap3A_111], %swap3A_114 {strides = array<i32>} : memref<400xi32, #tpu.memory_space<vmem>>, vector<16xi32>,
      %add3A_115 = arith.constant 80 : i32
      %add3A_116 = arith.addi %mul3A_26, %add3A_115 : i32
      %get3A_117 = arith.index_cast %add3A_116 : i32 to index
      %get3A_118 = tpu.vector_load %arg8[%get3A_117] {strides = array<i32>} : memref<10000xi32, #tpu.memory_space<vmem>>, vector<16xi32>,
      %get3A_119 = vector.shape_cast %get3A_118 : vector<16xi32> to vector<16xi32>
      %swap3A_120 = arith.constant 80 : index
      %swap3A_121 = tpu.vector_load %arg11[%swap3A_120] {strides = array<i32>} : memref<400xi32, #tpu.memory_space<vmem>>, vector<16xi32>,
      %swap3A_122 = vector.shape_cast %swap3A_121 : vector<16xi32> to vector<16xi32>
      %swap3A_123 = vector.shape_cast %get3A_119 : vector<16xi32> to vector<16xi32>
      tpu.vector_store %arg11[%swap3A_120], %swap3A_123 {strides = array<i32>} : memref<400xi32, #tpu.memory_space<vmem>>, vector<16xi32>,
      %add3A_124 = arith.constant 80 : i32
      %add3A_125 = arith.addi %mul3A_26, %add3A_124 : i32
      %get3A_126 = arith.index_cast %add3A_125 : i32 to index
      %get3A_127 = tpu.vector_load %arg9[%get3A_126] {strides = array<i32>} : memref<10000xi32, #tpu.memory_space<vmem>>, vector<16xi32>,
      %get3A_128 = vector.shape_cast %get3A_127 : vector<16xi32> to vector<16xi32>
      %swap3A_129 = arith.constant 80 : index
      %swap3A_130 = tpu.vector_load %arg12[%swap3A_129] {strides = array<i32>} : memref<400xi32, #tpu.memory_space<vmem>>, vector<16xi32>,
      %swap3A_131 = vector.shape_cast %swap3A_130 : vector<16xi32> to vector<16xi32>
      %swap3A_132 = vector.shape_cast %get3A_128 : vector<16xi32> to vector<16xi32>
      tpu.vector_store %arg12[%swap3A_129], %swap3A_132 {strides = array<i32>} : memref<400xi32, #tpu.memory_space<vmem>>, vector<16xi32>,
      %add3A_133 = arith.constant 96 : i32
      %add3A_134 = arith.addi %mul3A_26, %add3A_133 : i32
      %get3A_135 = arith.index_cast %add3A_134 : i32 to index
      %get3A_136 = tpu.vector_load %arg8[%get3A_135] {strides = array<i32>} : memref<10000xi32, #tpu.memory_space<vmem>>, vector<16xi32>,
      %get3A_137 = vector.shape_cast %get3A_136 : vector<16xi32> to vector<16xi32>
      %swap3A_138 = arith.constant 96 : index
      %swap3A_139 = tpu.vector_load %arg11[%swap3A_138] {strides = array<i32>} : memref<400xi32, #tpu.memory_space<vmem>>, vector<16xi32>,
      %swap3A_140 = vector.shape_cast %swap3A_139 : vector<16xi32> to vector<16xi32>
      %swap3A_141 = vector.shape_cast %get3A_137 : vector<16xi32> to vector<16xi32>
      tpu.vector_store %arg11[%swap3A_138], %swap3A_141 {strides = array<i32>} : memref<400xi32, #tpu.memory_space<vmem>>, vector<16xi32>,
      %add3A_142 = arith.constant 96 : i32
      %add3A_143 = arith.addi %mul3A_26, %add3A_142 : i32
      %get3A_144 = arith.index_cast %add3A_143 : i32 to index
      %get3A_145 = tpu.vector_load %arg9[%get3A_144] {strides = array<i32>} : memref<10000xi32, #tpu.memory_space<vmem>>, vector<16xi32>,
      %get3A_146 = vector.shape_cast %get3A_145 : vector<16xi32> to vector<16xi32>
      %swap3A_147 = arith.constant 96 : index
      %swap3A_148 = tpu.vector_load %arg12[%swap3A_147] {strides = array<i32>} : memref<400xi32, #tpu.memory_space<vmem>>, vector<16xi32>,
      %swap3A_149 = vector.shape_cast %swap3A_148 : vector<16xi32> to vector<16xi32>
      %swap3A_150 = vector.shape_cast %get3A_146 : vector<16xi32> to vector<16xi32>
      tpu.vector_store %arg12[%swap3A_147], %swap3A_150 {strides = array<i32>} : memref<400xi32, #tpu.memory_space<vmem>>, vector<16xi32>,
      %add3A_151 = arith.constant 112 : i32
      %add3A_152 = arith.addi %mul3A_26, %add3A_151 : i32
      %get3A_153 = arith.index_cast %add3A_152 : i32 to index
      %get3A_154 = tpu.vector_load %arg8[%get3A_153] {strides = array<i32>} : memref<10000xi32, #tpu.memory_space<vmem>>, vector<16xi32>,
      %get3A_155 = vector.shape_cast %get3A_154 : vector<16xi32> to vector<16xi32>
      %swap3A_156 = arith.constant 112 : index
      %swap3A_157 = tpu.vector_load %arg11[%swap3A_156] {strides = array<i32>} : memref<400xi32, #tpu.memory_space<vmem>>, vector<16xi32>,
      %swap3A_158 = vector.shape_cast %swap3A_157 : vector<16xi32> to vector<16xi32>
      %swap3A_159 = vector.shape_cast %get3A_155 : vector<16xi32> to vector<16xi32>
      tpu.vector_store %arg11[%swap3A_156], %swap3A_159 {strides = array<i32>} : memref<400xi32, #tpu.memory_space<vmem>>, vector<16xi32>,
      %add3A_160 = arith.constant 112 : i32
      %add3A_161 = arith.addi %mul3A_26, %add3A_160 : i32
      %get3A_162 = arith.index_cast %add3A_161 : i32 to index
      %get3A_163 = tpu.vector_load %arg9[%get3A_162] {strides = array<i32>} : memref<10000xi32, #tpu.memory_space<vmem>>, vector<16xi32>,
      %get3A_164 = vector.shape_cast %get3A_163 : vector<16xi32> to vector<16xi32>
      %swap3A_165 = arith.constant 112 : index
      %swap3A_166 = tpu.vector_load %arg12[%swap3A_165] {strides = array<i32>} : memref<400xi32, #tpu.memory_space<vmem>>, vector<16xi32>,
      %swap3A_167 = vector.shape_cast %swap3A_166 : vector<16xi32> to vector<16xi32>
      %swap3A_168 = vector.shape_cast %get3A_164 : vector<16xi32> to vector<16xi32>
      tpu.vector_store %arg12[%swap3A_165], %swap3A_168 {strides = array<i32>} : memref<400xi32, #tpu.memory_space<vmem>>, vector<16xi32>,
      %add3A_169 = arith.constant 128 : i32
      %add3A_170 = arith.addi %mul3A_26, %add3A_169 : i32
      %get3A_171 = arith.index_cast %add3A_170 : i32 to index
      %get3A_172 = tpu.vector_load %arg8[%get3A_171] {strides = array<i32>} : memref<10000xi32, #tpu.memory_space<vmem>>, vector<16xi32>,
      %get3A_173 = vector.shape_cast %get3A_172 : vector<16xi32> to vector<16xi32>
      %swap3A_174 = arith.constant 128 : index
      %swap3A_175 = tpu.vector_load %arg11[%swap3A_174] {strides = array<i32>} : memref<400xi32, #tpu.memory_space<vmem>>, vector<16xi32>,
      %swap3A_176 = vector.shape_cast %swap3A_175 : vector<16xi32> to vector<16xi32>
      %swap3A_177 = vector.shape_cast %get3A_173 : vector<16xi32> to vector<16xi32>
      tpu.vector_store %arg11[%swap3A_174], %swap3A_177 {strides = array<i32>} : memref<400xi32, #tpu.memory_space<vmem>>, vector<16xi32>,
      %add3A_178 = arith.constant 128 : i32
      %add3A_179 = arith.addi %mul3A_26, %add3A_178 : i32
      %get3A_180 = arith.index_cast %add3A_179 : i32 to index
      %get3A_181 = tpu.vector_load %arg9[%get3A_180] {strides = array<i32>} : memref<10000xi32, #tpu.memory_space<vmem>>, vector<16xi32>,
      %get3A_182 = vector.shape_cast %get3A_181 : vector<16xi32> to vector<16xi32>
      %swap3A_183 = arith.constant 128 : index
      %swap3A_184 = tpu.vector_load %arg12[%swap3A_183] {strides = array<i32>} : memref<400xi32, #tpu.memory_space<vmem>>, vector<16xi32>,
      %swap3A_185 = vector.shape_cast %swap3A_184 : vector<16xi32> to vector<16xi32>
      %swap3A_186 = vector.shape_cast %get3A_182 : vector<16xi32> to vector<16xi32>
      tpu.vector_store %arg12[%swap3A_183], %swap3A_186 {strides = array<i32>} : memref<400xi32, #tpu.memory_space<vmem>>, vector<16xi32>,
      %add3A_187 = arith.constant 144 : i32
      %add3A_188 = arith.addi %mul3A_26, %add3A_187 : i32
      %get3A_189 = arith.index_cast %add3A_188 : i32 to index
      %get3A_190 = tpu.vector_load %arg8[%get3A_189] {strides = array<i32>} : memref<10000xi32, #tpu.memory_space<vmem>>, vector<16xi32>,
      %get3A_191 = vector.shape_cast %get3A_190 : vector<16xi32> to vector<16xi32>
      %swap3A_192 = arith.constant 144 : index
      %swap3A_193 = tpu.vector_load %arg11[%swap3A_192] {strides = array<i32>} : memref<400xi32, #tpu.memory_space<vmem>>, vector<16xi32>,
      %swap3A_194 = vector.shape_cast %swap3A_193 : vector<16xi32> to vector<16xi32>
      %swap3A_195 = vector.shape_cast %get3A_191 : vector<16xi32> to vector<16xi32>
      tpu.vector_store %arg11[%swap3A_192], %swap3A_195 {strides = array<i32>} : memref<400xi32, #tpu.memory_space<vmem>>, vector<16xi32>,
      %add3A_196 = arith.constant 144 : i32
      %add3A_197 = arith.addi %mul3A_26, %add3A_196 : i32
      %get3A_198 = arith.index_cast %add3A_197 : i32 to index
      %get3A_199 = tpu.vector_load %arg9[%get3A_198] {strides = array<i32>} : memref<10000xi32, #tpu.memory_space<vmem>>, vector<16xi32>,
      %get3A_200 = vector.shape_cast %get3A_199 : vector<16xi32> to vector<16xi32>
      %swap3A_201 = arith.constant 144 : index
      %swap3A_202 = tpu.vector_load %arg12[%swap3A_201] {strides = array<i32>} : memref<400xi32, #tpu.memory_space<vmem>>, vector<16xi32>,
      %swap3A_203 = vector.shape_cast %swap3A_202 : vector<16xi32> to vector<16xi32>
      %swap3A_204 = vector.shape_cast %get3A_200 : vector<16xi32> to vector<16xi32>
      tpu.vector_store %arg12[%swap3A_201], %swap3A_204 {strides = array<i32>} : memref<400xi32, #tpu.memory_space<vmem>>, vector<16xi32>,
      %add3A_205 = arith.constant 160 : i32
      %add3A_206 = arith.addi %mul3A_26, %add3A_205 : i32
      %get3A_207 = arith.index_cast %add3A_206 : i32 to index
      %get3A_208 = tpu.vector_load %arg8[%get3A_207] {strides = array<i32>} : memref<10000xi32, #tpu.memory_space<vmem>>, vector<16xi32>,
      %get3A_209 = vector.shape_cast %get3A_208 : vector<16xi32> to vector<16xi32>
      %swap3A_210 = arith.constant 160 : index
      %swap3A_211 = tpu.vector_load %arg11[%swap3A_210] {strides = array<i32>} : memref<400xi32, #tpu.memory_space<vmem>>, vector<16xi32>,
      %swap3A_212 = vector.shape_cast %swap3A_211 : vector<16xi32> to vector<16xi32>
      %swap3A_213 = vector.shape_cast %get3A_209 : vector<16xi32> to vector<16xi32>
      tpu.vector_store %arg11[%swap3A_210], %swap3A_213 {strides = array<i32>} : memref<400xi32, #tpu.memory_space<vmem>>, vector<16xi32>,
      %add3A_214 = arith.constant 160 : i32
      %add3A_215 = arith.addi %mul3A_26, %add3A_214 : i32
      %get3A_216 = arith.index_cast %add3A_215 : i32 to index
      %get3A_217 = tpu.vector_load %arg9[%get3A_216] {strides = array<i32>} : memref<10000xi32, #tpu.memory_space<vmem>>, vector<16xi32>,
      %get3A_218 = vector.shape_cast %get3A_217 : vector<16xi32> to vector<16xi32>
      %swap3A_219 = arith.constant 160 : index
      %swap3A_220 = tpu.vector_load %arg12[%swap3A_219] {strides = array<i32>} : memref<400xi32, #tpu.memory_space<vmem>>, vector<16xi32>,
      %swap3A_221 = vector.shape_cast %swap3A_220 : vector<16xi32> to vector<16xi32>
      %swap3A_222 = vector.shape_cast %get3A_218 : vector<16xi32> to vector<16xi32>
      tpu.vector_store %arg12[%swap3A_219], %swap3A_222 {strides = array<i32>} : memref<400xi32, #tpu.memory_space<vmem>>, vector<16xi32>,
      %add3A_223 = arith.constant 176 : i32
      %add3A_224 = arith.addi %mul3A_26, %add3A_223 : i32
      %get3A_225 = arith.index_cast %add3A_224 : i32 to index
      %get3A_226 = tpu.vector_load %arg8[%get3A_225] {strides = array<i32>} : memref<10000xi32, #tpu.memory_space<vmem>>, vector<16xi32>,
      %get3A_227 = vector.shape_cast %get3A_226 : vector<16xi32> to vector<16xi32>
      %swap3A_228 = arith.constant 176 : index
      %swap3A_229 = tpu.vector_load %arg11[%swap3A_228] {strides = array<i32>} : memref<400xi32, #tpu.memory_space<vmem>>, vector<16xi32>,
      %swap3A_230 = vector.shape_cast %swap3A_229 : vector<16xi32> to vector<16xi32>
      %swap3A_231 = vector.shape_cast %get3A_227 : vector<16xi32> to vector<16xi32>
      tpu.vector_store %arg11[%swap3A_228], %swap3A_231 {strides = array<i32>} : memref<400xi32, #tpu.memory_space<vmem>>, vector<16xi32>,
      %add3A_232 = arith.constant 176 : i32
      %add3A_233 = arith.addi %mul3A_26, %add3A_232 : i32
      %get3A_234 = arith.index_cast %add3A_233 : i32 to index
      %get3A_235 = tpu.vector_load %arg9[%get3A_234] {strides = array<i32>} : memref<10000xi32, #tpu.memory_space<vmem>>, vector<16xi32>,
      %get3A_236 = vector.shape_cast %get3A_235 : vector<16xi32> to vector<16xi32>
      %swap3A_237 = arith.constant 176 : index
      %swap3A_238 = tpu.vector_load %arg12[%swap3A_237] {strides = array<i32>} : memref<400xi32, #tpu.memory_space<vmem>>, vector<16xi32>,
      %swap3A_239 = vector.shape_cast %swap3A_238 : vector<16xi32> to vector<16xi32>
      %swap3A_240 = vector.shape_cast %get3A_236 : vector<16xi32> to vector<16xi32>
      tpu.vector_store %arg12[%swap3A_237], %swap3A_240 {strides = array<i32>} : memref<400xi32, #tpu.memory_space<vmem>>, vector<16xi32>,
      %add3A_241 = arith.constant 192 : i32
      %add3A_242 = arith.addi %mul3A_26, %add3A_241 : i32
      %get3A_243 = arith.index_cast %add3A_242 : i32 to index
      %get3A_244 = tpu.vector_load %arg8[%get3A_243] {strides = array<i32>} : memref<10000xi32, #tpu.memory_space<vmem>>, vector<16xi32>,
      %get3A_245 = vector.shape_cast %get3A_244 : vector<16xi32> to vector<16xi32>
      %swap3A_246 = arith.constant 192 : index
      %swap3A_247 = tpu.vector_load %arg11[%swap3A_246] {strides = array<i32>} : memref<400xi32, #tpu.memory_space<vmem>>, vector<16xi32>,
      %swap3A_248 = vector.shape_cast %swap3A_247 : vector<16xi32> to vector<16xi32>
      %swap3A_249 = vector.shape_cast %get3A_245 : vector<16xi32> to vector<16xi32>
      tpu.vector_store %arg11[%swap3A_246], %swap3A_249 {strides = array<i32>} : memref<400xi32, #tpu.memory_space<vmem>>, vector<16xi32>,
      %add3A_250 = arith.constant 192 : i32
      %add3A_251 = arith.addi %mul3A_26, %add3A_250 : i32
      %get3A_252 = arith.index_cast %add3A_251 : i32 to index
      %get3A_253 = tpu.vector_load %arg9[%get3A_252] {strides = array<i32>} : memref<10000xi32, #tpu.memory_space<vmem>>, vector<16xi32>,
      %get3A_254 = vector.shape_cast %get3A_253 : vector<16xi32> to vector<16xi32>
      %swap3A_255 = arith.constant 192 : index
      %swap3A_256 = tpu.vector_load %arg12[%swap3A_255] {strides = array<i32>} : memref<400xi32, #tpu.memory_space<vmem>>, vector<16xi32>,
      %swap3A_257 = vector.shape_cast %swap3A_256 : vector<16xi32> to vector<16xi32>
      %swap3A_258 = vector.shape_cast %get3A_254 : vector<16xi32> to vector<16xi32>
      tpu.vector_store %arg12[%swap3A_255], %swap3A_258 {strides = array<i32>} : memref<400xi32, #tpu.memory_space<vmem>>, vector<16xi32>,
      %add3A_259 = arith.constant 208 : i32
      %add3A_260 = arith.addi %mul3A_26, %add3A_259 : i32
      %get3A_261 = arith.index_cast %add3A_260 : i32 to index
      %get3A_262 = tpu.vector_load %arg8[%get3A_261] {strides = array<i32>} : memref<10000xi32, #tpu.memory_space<vmem>>, vector<16xi32>,
      %get3A_263 = vector.shape_cast %get3A_262 : vector<16xi32> to vector<16xi32>
      %swap3A_264 = arith.constant 208 : index
      %swap3A_265 = tpu.vector_load %arg11[%swap3A_264] {strides = array<i32>} : memref<400xi32, #tpu.memory_space<vmem>>, vector<16xi32>,
      %swap3A_266 = vector.shape_cast %swap3A_265 : vector<16xi32> to vector<16xi32>
      %swap3A_267 = vector.shape_cast %get3A_263 : vector<16xi32> to vector<16xi32>
      tpu.vector_store %arg11[%swap3A_264], %swap3A_267 {strides = array<i32>} : memref<400xi32, #tpu.memory_space<vmem>>, vector<16xi32>,
      %add3A_268 = arith.constant 208 : i32
      %add3A_269 = arith.addi %mul3A_26, %add3A_268 : i32
      %get3A_270 = arith.index_cast %add3A_269 : i32 to index
      %get3A_271 = tpu.vector_load %arg9[%get3A_270] {strides = array<i32>} : memref<10000xi32, #tpu.memory_space<vmem>>, vector<16xi32>,
      %get3A_272 = vector.shape_cast %get3A_271 : vector<16xi32> to vector<16xi32>
      %swap3A_273 = arith.constant 208 : index
      %swap3A_274 = tpu.vector_load %arg12[%swap3A_273] {strides = array<i32>} : memref<400xi32, #tpu.memory_space<vmem>>, vector<16xi32>,
      %swap3A_275 = vector.shape_cast %swap3A_274 : vector<16xi32> to vector<16xi32>
      %swap3A_276 = vector.shape_cast %get3A_272 : vector<16xi32> to vector<16xi32>
      tpu.vector_store %arg12[%swap3A_273], %swap3A_276 {strides = array<i32>} : memref<400xi32, #tpu.memory_space<vmem>>, vector<16xi32>,
      %add3A_277 = arith.constant 224 : i32
      %add3A_278 = arith.addi %mul3A_26, %add3A_277 : i32
      %get3A_279 = arith.index_cast %add3A_278 : i32 to index
      %get3A_280 = tpu.vector_load %arg8[%get3A_279] {strides = array<i32>} : memref<10000xi32, #tpu.memory_space<vmem>>, vector<16xi32>,
      %get3A_281 = vector.shape_cast %get3A_280 : vector<16xi32> to vector<16xi32>
      %swap3A_282 = arith.constant 224 : index
      %swap3A_283 = tpu.vector_load %arg11[%swap3A_282] {strides = array<i32>} : memref<400xi32, #tpu.memory_space<vmem>>, vector<16xi32>,
      %swap3A_284 = vector.shape_cast %swap3A_283 : vector<16xi32> to vector<16xi32>
      %swap3A_285 = vector.shape_cast %get3A_281 : vector<16xi32> to vector<16xi32>
      tpu.vector_store %arg11[%swap3A_282], %swap3A_285 {strides = array<i32>} : memref<400xi32, #tpu.memory_space<vmem>>, vector<16xi32>,
      %add3A_286 = arith.constant 224 : i32
      %add3A_287 = arith.addi %mul3A_26, %add3A_286 : i32
      %get3A_288 = arith.index_cast %add3A_287 : i32 to index
      %get3A_289 = tpu.vector_load %arg9[%get3A_288] {strides = array<i32>} : memref<10000xi32, #tpu.memory_space<vmem>>, vector<16xi32>,
      %get3A_290 = vector.shape_cast %get3A_289 : vector<16xi32> to vector<16xi32>
      %swap3A_291 = arith.constant 224 : index
      %swap3A_292 = tpu.vector_load %arg12[%swap3A_291] {strides = array<i32>} : memref<400xi32, #tpu.memory_space<vmem>>, vector<16xi32>,
      %swap3A_293 = vector.shape_cast %swap3A_292 : vector<16xi32> to vector<16xi32>
      %swap3A_294 = vector.shape_cast %get3A_290 : vector<16xi32> to vector<16xi32>
      tpu.vector_store %arg12[%swap3A_291], %swap3A_294 {strides = array<i32>} : memref<400xi32, #tpu.memory_space<vmem>>, vector<16xi32>,
      %add3A_295 = arith.constant 240 : i32
      %add3A_296 = arith.addi %mul3A_26, %add3A_295 : i32
      %get3A_297 = arith.index_cast %add3A_296 : i32 to index
      %get3A_298 = tpu.vector_load %arg8[%get3A_297] {strides = array<i32>} : memref<10000xi32, #tpu.memory_space<vmem>>, vector<16xi32>,
      %get3A_299 = vector.shape_cast %get3A_298 : vector<16xi32> to vector<16xi32>
      %swap3A_300 = arith.constant 240 : index
      %swap3A_301 = tpu.vector_load %arg11[%swap3A_300] {strides = array<i32>} : memref<400xi32, #tpu.memory_space<vmem>>, vector<16xi32>,
      %swap3A_302 = vector.shape_cast %swap3A_301 : vector<16xi32> to vector<16xi32>
      %swap3A_303 = vector.shape_cast %get3A_299 : vector<16xi32> to vector<16xi32>
      tpu.vector_store %arg11[%swap3A_300], %swap3A_303 {strides = array<i32>} : memref<400xi32, #tpu.memory_space<vmem>>, vector<16xi32>,
      %add3A_304 = arith.constant 240 : i32
      %add3A_305 = arith.addi %mul3A_26, %add3A_304 : i32
      %get3A_306 = arith.index_cast %add3A_305 : i32 to index
      %get3A_307 = tpu.vector_load %arg9[%get3A_306] {strides = array<i32>} : memref<10000xi32, #tpu.memory_space<vmem>>, vector<16xi32>,
      %get3A_308 = vector.shape_cast %get3A_307 : vector<16xi32> to vector<16xi32>
      %swap3A_309 = arith.constant 240 : index
      %swap3A_310 = tpu.vector_load %arg12[%swap3A_309] {strides = array<i32>} : memref<400xi32, #tpu.memory_space<vmem>>, vector<16xi32>,
      %swap3A_311 = vector.shape_cast %swap3A_310 : vector<16xi32> to vector<16xi32>
      %swap3A_312 = vector.shape_cast %get3A_308 : vector<16xi32> to vector<16xi32>
      tpu.vector_store %arg12[%swap3A_309], %swap3A_312 {strides = array<i32>} : memref<400xi32, #tpu.memory_space<vmem>>, vector<16xi32>,
      %add3A_313 = arith.constant 256 : i32
      %add3A_314 = arith.addi %mul3A_26, %add3A_313 : i32
      %get3A_315 = arith.index_cast %add3A_314 : i32 to index
      %get3A_316 = tpu.vector_load %arg8[%get3A_315] {strides = array<i32>} : memref<10000xi32, #tpu.memory_space<vmem>>, vector<16xi32>,
      %get3A_317 = vector.shape_cast %get3A_316 : vector<16xi32> to vector<16xi32>
      %swap3A_318 = arith.constant 256 : index
      %swap3A_319 = tpu.vector_load %arg11[%swap3A_318] {strides = array<i32>} : memref<400xi32, #tpu.memory_space<vmem>>, vector<16xi32>,
      %swap3A_320 = vector.shape_cast %swap3A_319 : vector<16xi32> to vector<16xi32>
      %swap3A_321 = vector.shape_cast %get3A_317 : vector<16xi32> to vector<16xi32>
      tpu.vector_store %arg11[%swap3A_318], %swap3A_321 {strides = array<i32>} : memref<400xi32, #tpu.memory_space<vmem>>, vector<16xi32>,
      %add3A_322 = arith.constant 256 : i32
      %add3A_323 = arith.addi %mul3A_26, %add3A_322 : i32
      %get3A_324 = arith.index_cast %add3A_323 : i32 to index
      %get3A_325 = tpu.vector_load %arg9[%get3A_324] {strides = array<i32>} : memref<10000xi32, #tpu.memory_space<vmem>>, vector<16xi32>,
      %get3A_326 = vector.shape_cast %get3A_325 : vector<16xi32> to vector<16xi32>
      %swap3A_327 = arith.constant 256 : index
      %swap3A_328 = tpu.vector_load %arg12[%swap3A_327] {strides = array<i32>} : memref<400xi32, #tpu.memory_space<vmem>>, vector<16xi32>,
      %swap3A_329 = vector.shape_cast %swap3A_328 : vector<16xi32> to vector<16xi32>
      %swap3A_330 = vector.shape_cast %get3A_326 : vector<16xi32> to vector<16xi32>
      tpu.vector_store %arg12[%swap3A_327], %swap3A_330 {strides = array<i32>} : memref<400xi32, #tpu.memory_space<vmem>>, vector<16xi32>,
      %add3A_331 = arith.constant 272 : i32
      %add3A_332 = arith.addi %mul3A_26, %add3A_331 : i32
      %get3A_333 = arith.index_cast %add3A_332 : i32 to index
      %get3A_334 = tpu.vector_load %arg8[%get3A_333] {strides = array<i32>} : memref<10000xi32, #tpu.memory_space<vmem>>, vector<16xi32>,
      %get3A_335 = vector.shape_cast %get3A_334 : vector<16xi32> to vector<16xi32>
      %swap3A_336 = arith.constant 272 : index
      %swap3A_337 = tpu.vector_load %arg11[%swap3A_336] {strides = array<i32>} : memref<400xi32, #tpu.memory_space<vmem>>, vector<16xi32>,
      %swap3A_338 = vector.shape_cast %swap3A_337 : vector<16xi32> to vector<16xi32>
      %swap3A_339 = vector.shape_cast %get3A_335 : vector<16xi32> to vector<16xi32>
      tpu.vector_store %arg11[%swap3A_336], %swap3A_339 {strides = array<i32>} : memref<400xi32, #tpu.memory_space<vmem>>, vector<16xi32>,
      %add3A_340 = arith.constant 272 : i32
      %add3A_341 = arith.addi %mul3A_26, %add3A_340 : i32
      %get3A_342 = arith.index_cast %add3A_341 : i32 to index
      %get3A_343 = tpu.vector_load %arg9[%get3A_342] {strides = array<i32>} : memref<10000xi32, #tpu.memory_space<vmem>>, vector<16xi32>,
      %get3A_344 = vector.shape_cast %get3A_343 : vector<16xi32> to vector<16xi32>
      %swap3A_345 = arith.constant 272 : index
      %swap3A_346 = tpu.vector_load %arg12[%swap3A_345] {strides = array<i32>} : memref<400xi32, #tpu.memory_space<vmem>>, vector<16xi32>,
      %swap3A_347 = vector.shape_cast %swap3A_346 : vector<16xi32> to vector<16xi32>
      %swap3A_348 = vector.shape_cast %get3A_344 : vector<16xi32> to vector<16xi32>
      tpu.vector_store %arg12[%swap3A_345], %swap3A_348 {strides = array<i32>} : memref<400xi32, #tpu.memory_space<vmem>>, vector<16xi32>,
      %add3A_349 = arith.constant 288 : i32
      %add3A_350 = arith.addi %mul3A_26, %add3A_349 : i32
      %get3A_351 = arith.index_cast %add3A_350 : i32 to index
      %get3A_352 = tpu.vector_load %arg8[%get3A_351] {strides = array<i32>} : memref<10000xi32, #tpu.memory_space<vmem>>, vector<16xi32>,
      %get3A_353 = vector.shape_cast %get3A_352 : vector<16xi32> to vector<16xi32>
      %swap3A_354 = arith.constant 288 : index
      %swap3A_355 = tpu.vector_load %arg11[%swap3A_354] {strides = array<i32>} : memref<400xi32, #tpu.memory_space<vmem>>, vector<16xi32>,
      %swap3A_356 = vector.shape_cast %swap3A_355 : vector<16xi32> to vector<16xi32>
      %swap3A_357 = vector.shape_cast %get3A_353 : vector<16xi32> to vector<16xi32>
      tpu.vector_store %arg11[%swap3A_354], %swap3A_357 {strides = array<i32>} : memref<400xi32, #tpu.memory_space<vmem>>, vector<16xi32>,
      %add3A_358 = arith.constant 288 : i32
      %add3A_359 = arith.addi %mul3A_26, %add3A_358 : i32
      %get3A_360 = arith.index_cast %add3A_359 : i32 to index
      %get3A_361 = tpu.vector_load %arg9[%get3A_360] {strides = array<i32>} : memref<10000xi32, #tpu.memory_space<vmem>>, vector<16xi32>,
      %get3A_362 = vector.shape_cast %get3A_361 : vector<16xi32> to vector<16xi32>
      %swap3A_363 = arith.constant 288 : index
      %swap3A_364 = tpu.vector_load %arg12[%swap3A_363] {strides = array<i32>} : memref<400xi32, #tpu.memory_space<vmem>>, vector<16xi32>,
      %swap3A_365 = vector.shape_cast %swap3A_364 : vector<16xi32> to vector<16xi32>
      %swap3A_366 = vector.shape_cast %get3A_362 : vector<16xi32> to vector<16xi32>
      tpu.vector_store %arg12[%swap3A_363], %swap3A_366 {strides = array<i32>} : memref<400xi32, #tpu.memory_space<vmem>>, vector<16xi32>,
      %add3A_367 = arith.constant 304 : i32
      %add3A_368 = arith.addi %mul3A_26, %add3A_367 : i32
      %get3A_369 = arith.index_cast %add3A_368 : i32 to index
      %get3A_370 = tpu.vector_load %arg8[%get3A_369] {strides = array<i32>} : memref<10000xi32, #tpu.memory_space<vmem>>, vector<16xi32>,
      %get3A_371 = vector.shape_cast %get3A_370 : vector<16xi32> to vector<16xi32>
      %swap3A_372 = arith.constant 304 : index
      %swap3A_373 = tpu.vector_load %arg11[%swap3A_372] {strides = array<i32>} : memref<400xi32, #tpu.memory_space<vmem>>, vector<16xi32>,
      %swap3A_374 = vector.shape_cast %swap3A_373 : vector<16xi32> to vector<16xi32>
      %swap3A_375 = vector.shape_cast %get3A_371 : vector<16xi32> to vector<16xi32>
      tpu.vector_store %arg11[%swap3A_372], %swap3A_375 {strides = array<i32>} : memref<400xi32, #tpu.memory_space<vmem>>, vector<16xi32>,
      %add3A_376 = arith.constant 304 : i32
      %add3A_377 = arith.addi %mul3A_26, %add3A_376 : i32
      %get3A_378 = arith.index_cast %add3A_377 : i32 to index
      %get3A_379 = tpu.vector_load %arg9[%get3A_378] {strides = array<i32>} : memref<10000xi32, #tpu.memory_space<vmem>>, vector<16xi32>,
      %get3A_380 = vector.shape_cast %get3A_379 : vector<16xi32> to vector<16xi32>
      %swap3A_381 = arith.constant 304 : index
      %swap3A_382 = tpu.vector_load %arg12[%swap3A_381] {strides = array<i32>} : memref<400xi32, #tpu.memory_space<vmem>>, vector<16xi32>,
      %swap3A_383 = vector.shape_cast %swap3A_382 : vector<16xi32> to vector<16xi32>
      %swap3A_384 = vector.shape_cast %get3A_380 : vector<16xi32> to vector<16xi32>
      tpu.vector_store %arg12[%swap3A_381], %swap3A_384 {strides = array<i32>} : memref<400xi32, #tpu.memory_space<vmem>>, vector<16xi32>,
      %add3A_385 = arith.constant 320 : i32
      %add3A_386 = arith.addi %mul3A_26, %add3A_385 : i32
      %get3A_387 = arith.index_cast %add3A_386 : i32 to index
      %get3A_388 = tpu.vector_load %arg8[%get3A_387] {strides = array<i32>} : memref<10000xi32, #tpu.memory_space<vmem>>, vector<16xi32>,
      %get3A_389 = vector.shape_cast %get3A_388 : vector<16xi32> to vector<16xi32>
      %swap3A_390 = arith.constant 320 : index
      %swap3A_391 = tpu.vector_load %arg11[%swap3A_390] {strides = array<i32>} : memref<400xi32, #tpu.memory_space<vmem>>, vector<16xi32>,
      %swap3A_392 = vector.shape_cast %swap3A_391 : vector<16xi32> to vector<16xi32>
      %swap3A_393 = vector.shape_cast %get3A_389 : vector<16xi32> to vector<16xi32>
      tpu.vector_store %arg11[%swap3A_390], %swap3A_393 {strides = array<i32>} : memref<400xi32, #tpu.memory_space<vmem>>, vector<16xi32>,
      %add3A_394 = arith.constant 320 : i32
      %add3A_395 = arith.addi %mul3A_26, %add3A_394 : i32
      %get3A_396 = arith.index_cast %add3A_395 : i32 to index
      %get3A_397 = tpu.vector_load %arg9[%get3A_396] {strides = array<i32>} : memref<10000xi32, #tpu.memory_space<vmem>>, vector<16xi32>,
      %get3A_398 = vector.shape_cast %get3A_397 : vector<16xi32> to vector<16xi32>
      %swap3A_399 = arith.constant 320 : index
      %swap3A_400 = tpu.vector_load %arg12[%swap3A_399] {strides = array<i32>} : memref<400xi32, #tpu.memory_space<vmem>>, vector<16xi32>,
      %swap3A_401 = vector.shape_cast %swap3A_400 : vector<16xi32> to vector<16xi32>
      %swap3A_402 = vector.shape_cast %get3A_398 : vector<16xi32> to vector<16xi32>
      tpu.vector_store %arg12[%swap3A_399], %swap3A_402 {strides = array<i32>} : memref<400xi32, #tpu.memory_space<vmem>>, vector<16xi32>,
      %add3A_403 = arith.constant 336 : i32
      %add3A_404 = arith.addi %mul3A_26, %add3A_403 : i32
      %get3A_405 = arith.index_cast %add3A_404 : i32 to index
      %get3A_406 = tpu.vector_load %arg8[%get3A_405] {strides = array<i32>} : memref<10000xi32, #tpu.memory_space<vmem>>, vector<16xi32>,
      %get3A_407 = vector.shape_cast %get3A_406 : vector<16xi32> to vector<16xi32>
      %swap3A_408 = arith.constant 336 : index
      %swap3A_409 = tpu.vector_load %arg11[%swap3A_408] {strides = array<i32>} : memref<400xi32, #tpu.memory_space<vmem>>, vector<16xi32>,
      %swap3A_410 = vector.shape_cast %swap3A_409 : vector<16xi32> to vector<16xi32>
      %swap3A_411 = vector.shape_cast %get3A_407 : vector<16xi32> to vector<16xi32>
      tpu.vector_store %arg11[%swap3A_408], %swap3A_411 {strides = array<i32>} : memref<400xi32, #tpu.memory_space<vmem>>, vector<16xi32>,
      %add3A_412 = arith.constant 336 : i32
      %add3A_413 = arith.addi %mul3A_26, %add3A_412 : i32
      %get3A_414 = arith.index_cast %add3A_413 : i32 to index
      %get3A_415 = tpu.vector_load %arg9[%get3A_414] {strides = array<i32>} : memref<10000xi32, #tpu.memory_space<vmem>>, vector<16xi32>,
      %get3A_416 = vector.shape_cast %get3A_415 : vector<16xi32> to vector<16xi32>
      %swap3A_417 = arith.constant 336 : index
      %swap3A_418 = tpu.vector_load %arg12[%swap3A_417] {strides = array<i32>} : memref<400xi32, #tpu.memory_space<vmem>>, vector<16xi32>,
      %swap3A_419 = vector.shape_cast %swap3A_418 : vector<16xi32> to vector<16xi32>
      %swap3A_420 = vector.shape_cast %get3A_416 : vector<16xi32> to vector<16xi32>
      tpu.vector_store %arg12[%swap3A_417], %swap3A_420 {strides = array<i32>} : memref<400xi32, #tpu.memory_space<vmem>>, vector<16xi32>,
      %add3A_421 = arith.constant 352 : i32
      %add3A_422 = arith.addi %mul3A_26, %add3A_421 : i32
      %get3A_423 = arith.index_cast %add3A_422 : i32 to index
      %get3A_424 = tpu.vector_load %arg8[%get3A_423] {strides = array<i32>} : memref<10000xi32, #tpu.memory_space<vmem>>, vector<16xi32>,
      %get3A_425 = vector.shape_cast %get3A_424 : vector<16xi32> to vector<16xi32>
      %swap3A_426 = arith.constant 352 : index
      %swap3A_427 = tpu.vector_load %arg11[%swap3A_426] {strides = array<i32>} : memref<400xi32, #tpu.memory_space<vmem>>, vector<16xi32>,
      %swap3A_428 = vector.shape_cast %swap3A_427 : vector<16xi32> to vector<16xi32>
      %swap3A_429 = vector.shape_cast %get3A_425 : vector<16xi32> to vector<16xi32>
      tpu.vector_store %arg11[%swap3A_426], %swap3A_429 {strides = array<i32>} : memref<400xi32, #tpu.memory_space<vmem>>, vector<16xi32>,
      %add3A_430 = arith.constant 352 : i32
      %add3A_431 = arith.addi %mul3A_26, %add3A_430 : i32
      %get3A_432 = arith.index_cast %add3A_431 : i32 to index
      %get3A_433 = tpu.vector_load %arg9[%get3A_432] {strides = array<i32>} : memref<10000xi32, #tpu.memory_space<vmem>>, vector<16xi32>,
      %get3A_434 = vector.shape_cast %get3A_433 : vector<16xi32> to vector<16xi32>
      %swap3A_435 = arith.constant 352 : index
      %swap3A_436 = tpu.vector_load %arg12[%swap3A_435] {strides = array<i32>} : memref<400xi32, #tpu.memory_space<vmem>>, vector<16xi32>,
      %swap3A_437 = vector.shape_cast %swap3A_436 : vector<16xi32> to vector<16xi32>
      %swap3A_438 = vector.shape_cast %get3A_434 : vector<16xi32> to vector<16xi32>
      tpu.vector_store %arg12[%swap3A_435], %swap3A_438 {strides = array<i32>} : memref<400xi32, #tpu.memory_space<vmem>>, vector<16xi32>,
      %add3A_439 = arith.constant 368 : i32
      %add3A_440 = arith.addi %mul3A_26, %add3A_439 : i32
      %get3A_441 = arith.index_cast %add3A_440 : i32 to index
      %get3A_442 = tpu.vector_load %arg8[%get3A_441] {strides = array<i32>} : memref<10000xi32, #tpu.memory_space<vmem>>, vector<16xi32>,
      %get3A_443 = vector.shape_cast %get3A_442 : vector<16xi32> to vector<16xi32>
      %swap3A_444 = arith.constant 368 : index
      %swap3A_445 = tpu.vector_load %arg11[%swap3A_444] {strides = array<i32>} : memref<400xi32, #tpu.memory_space<vmem>>, vector<16xi32>,
      %swap3A_446 = vector.shape_cast %swap3A_445 : vector<16xi32> to vector<16xi32>
      %swap3A_447 = vector.shape_cast %get3A_443 : vector<16xi32> to vector<16xi32>
      tpu.vector_store %arg11[%swap3A_444], %swap3A_447 {strides = array<i32>} : memref<400xi32, #tpu.memory_space<vmem>>, vector<16xi32>,
      %add3A_448 = arith.constant 368 : i32
      %add3A_449 = arith.addi %mul3A_26, %add3A_448 : i32
      %get3A_450 = arith.index_cast %add3A_449 : i32 to index
      %get3A_451 = tpu.vector_load %arg9[%get3A_450] {strides = array<i32>} : memref<10000xi32, #tpu.memory_space<vmem>>, vector<16xi32>,
      %get3A_452 = vector.shape_cast %get3A_451 : vector<16xi32> to vector<16xi32>
      %swap3A_453 = arith.constant 368 : index
      %swap3A_454 = tpu.vector_load %arg12[%swap3A_453] {strides = array<i32>} : memref<400xi32, #tpu.memory_space<vmem>>, vector<16xi32>,
      %swap3A_455 = vector.shape_cast %swap3A_454 : vector<16xi32> to vector<16xi32>
      %swap3A_456 = vector.shape_cast %get3A_452 : vector<16xi32> to vector<16xi32>
      tpu.vector_store %arg12[%swap3A_453], %swap3A_456 {strides = array<i32>} : memref<400xi32, #tpu.memory_space<vmem>>, vector<16xi32>,
      %add3A_457 = arith.constant 384 : i32
      %add3A_458 = arith.addi %mul3A_26, %add3A_457 : i32
      %get3A_459 = arith.index_cast %add3A_458 : i32 to index
      %get3A_460 = tpu.vector_load %arg8[%get3A_459] {strides = array<i32>} : memref<10000xi32, #tpu.memory_space<vmem>>, vector<16xi32>,
      %get3A_461 = vector.shape_cast %get3A_460 : vector<16xi32> to vector<16xi32>
      %swap3A_462 = arith.constant 384 : index
      %swap3A_463 = tpu.vector_load %arg11[%swap3A_462] {strides = array<i32>} : memref<400xi32, #tpu.memory_space<vmem>>, vector<16xi32>,
      %swap3A_464 = vector.shape_cast %swap3A_463 : vector<16xi32> to vector<16xi32>
      %swap3A_465 = vector.shape_cast %get3A_461 : vector<16xi32> to vector<16xi32>
      tpu.vector_store %arg11[%swap3A_462], %swap3A_465 {strides = array<i32>} : memref<400xi32, #tpu.memory_space<vmem>>, vector<16xi32>,
      %add3A_466 = arith.constant 384 : i32
      %add3A_467 = arith.addi %mul3A_26, %add3A_466 : i32
      %get3A_468 = arith.index_cast %add3A_467 : i32 to index
      %get3A_469 = tpu.vector_load %arg9[%get3A_468] {strides = array<i32>} : memref<10000xi32, #tpu.memory_space<vmem>>, vector<16xi32>,
      %get3A_470 = vector.shape_cast %get3A_469 : vector<16xi32> to vector<16xi32>
      %swap3A_471 = arith.constant 384 : index
      %swap3A_472 = tpu.vector_load %arg12[%swap3A_471] {strides = array<i32>} : memref<400xi32, #tpu.memory_space<vmem>>, vector<16xi32>,
      %swap3A_473 = vector.shape_cast %swap3A_472 : vector<16xi32> to vector<16xi32>
      %swap3A_474 = vector.shape_cast %get3A_470 : vector<16xi32> to vector<16xi32>
      tpu.vector_store %arg12[%swap3A_471], %swap3A_474 {strides = array<i32>} : memref<400xi32, #tpu.memory_space<vmem>>, vector<16xi32>,
      %dma_start3A = arith.constant 0 : i32
      %dma_start3A_475 = arith.constant 0 : i32
      %dma_start3A_476 = tpu.memref_slice %arg2[%dma_start3A, %dma_start3A_475] : memref<10000x32xf32, #tpu.memory_space<hbm>> -> memref<10000x32xf32, #tpu.memory_space<hbm>>
      tpu.enqueue_indirect_dma source(%dma_start3A_476 : memref<10000x32xf32, #tpu.memory_space<hbm>>) target(%arg13 : memref<400x32xf32, #tpu.memory_space<vmem>>) offsets(%arg11 : memref<400xi32, #tpu.memory_space<vmem>>) semaphore(%arg17 : memref<!tpu.dma_semaphore, #tpu.memory_space<semaphore_mem>>)
      %dma_wait3A = arith.constant 0 : i32
      %dma_wait3A_477 = arith.constant 0 : i32
      %dma_wait3A_478 = tpu.memref_slice %arg2[%dma_wait3A, %dma_wait3A_477] : memref<10000x32xf32, #tpu.memory_space<hbm>> -> memref<10000x32xf32, #tpu.memory_space<hbm>>
      tpu.wait_indirect_dma semaphore(%arg17 : memref<!tpu.dma_semaphore, #tpu.memory_space<semaphore_mem>>) src(%dma_wait3A_478 : memref<10000x32xf32, #tpu.memory_space<hbm>>) dst(%arg13 : memref<400x32xf32, #tpu.memory_space<vmem>>)
      %scan3A_479 = arith.constant 0 : i32
      %scan3A_480 = arith.constant 25 : i32
      %scan3A_481 = arith.addi %scan3A_479, %scan3A_480 : i32
      %scan3A_482 = arith.constant 1 : i32
      scf.for %scan3A_484 = %scan3A_479 to %scan3A_481 step %scan3A_482  : i32 {
        %mul3A_485 = arith.constant 16 : i32
        %mul3A_486 = arith.muli %scan3A_484, %mul3A_485 : i32
        %add3A_487 = arith.addi %mul3A_26, %mul3A_486 : i32
        %get3A_488 = arith.index_cast %add3A_487 : i32 to index
        %get3A_489 = tpu.vector_load %arg10[%get3A_488] {strides = array<i32>} : memref<10000xf32, #tpu.memory_space<vmem>>, vector<16xf32>,
        %get3A_490 = vector.shape_cast %get3A_489 : vector<16xf32> to vector<16xf32>
        %max3A = arith.constant 0.000000e+00 : f32
        %max3A_491 = vector.broadcast %max3A : f32 to vector<16xf32>
        %max3A_492 = arith.maximumf %get3A_490, %max3A_491 : vector<16xf32>
        %min3A = arith.constant 1.000000e+00 : f32
        %min3A_493 = vector.broadcast %min3A : f32 to vector<16xf32>
        %min3A_494 = arith.minimumf %max3A_492, %min3A_493 : vector<16xf32>
        %mul3A_495 = arith.constant 16 : i32
        %mul3A_496 = arith.muli %scan3A_484, %mul3A_495 : i32
        %add3A_497 = arith.constant 0 : i32
        %add3A_498 = arith.addi %mul3A_496, %add3A_497 : i32
        %get3A_499 = arith.index_cast %add3A_498 : i32 to index
        %get3A_500 = arith.constant 0 : index
        %get3A_501 = tpu.vector_load %arg13[%get3A_499, %get3A_500] {strides = array<i32>} : memref<400x32xf32, #tpu.memory_space<vmem>>, vector<1x16xf32>,
        %get3A_502 = vector.shape_cast %get3A_501 : vector<1x16xf32> to vector<16xf32>
        %get3A_503 = arith.index_cast %add3A_498 : i32 to index
        %get3A_504 = arith.constant 16 : index
        %get3A_505 = tpu.vector_load %arg13[%get3A_503, %get3A_504] {strides = array<i32>} : memref<400x32xf32, #tpu.memory_space<vmem>>, vector<1x16xf32>,
        %get3A_506 = vector.shape_cast %get3A_505 : vector<1x16xf32> to vector<16xf32>
        %slice3A = vector.extract_strided_slice %min3A_494 {offsets = [0], sizes = [1], strides = [1]} : vector<16xf32> to vector<1xf32>
        %squeeze3A = vector.extract %slice3A[0] : f32 from vector<1xf32>
        %sub3A = arith.subf %get3A_506, %get3A_502 : vector<16xf32>
        %mul3A_507 = vector.broadcast %squeeze3A : f32 to vector<16xf32>
        %mul3A_508 = arith.mulf %mul3A_507, %sub3A : vector<16xf32>
        %add3A_509 = arith.addf %get3A_502, %mul3A_508 : vector<16xf32>
        %swap3A_510 = arith.index_cast %add3A_498 : i32 to index
        %swap3A_511 = arith.constant 0 : index
        %swap3A_512 = tpu.vector_load %arg14[%swap3A_510, %swap3A_511] {strides = array<i32>} : memref<400x16xf32, #tpu.memory_space<vmem>>, vector<1x16xf32>,
        %swap3A_513 = vector.shape_cast %swap3A_512 : vector<1x16xf32> to vector<16xf32>
        %swap3A_514 = vector.shape_cast %add3A_509 : vector<16xf32> to vector<1x16xf32>
        tpu.vector_store %arg14[%swap3A_510, %swap3A_511], %swap3A_514 {strides = array<i32>} : memref<400x16xf32, #tpu.memory_space<vmem>>, vector<1x16xf32>,
        %mul3A_515 = arith.constant 16 : i32
        %mul3A_516 = arith.muli %scan3A_484, %mul3A_515 : i32
        %add3A_517 = arith.constant 1 : i32
        %add3A_518 = arith.addi %mul3A_516, %add3A_517 : i32
        %get3A_519 = arith.index_cast %add3A_518 : i32 to index
        %get3A_520 = arith.constant 0 : index
        %get3A_521 = tpu.vector_load %arg13[%get3A_519, %get3A_520] {strides = array<i32>} : memref<400x32xf32, #tpu.memory_space<vmem>>, vector<1x16xf32>,
        %get3A_522 = vector.shape_cast %get3A_521 : vector<1x16xf32> to vector<16xf32>
        %get3A_523 = arith.index_cast %add3A_518 : i32 to index
        %get3A_524 = arith.constant 16 : index
        %get3A_525 = tpu.vector_load %arg13[%get3A_523, %get3A_524] {strides = array<i32>} : memref<400x32xf32, #tpu.memory_space<vmem>>, vector<1x16xf32>,
        %get3A_526 = vector.shape_cast %get3A_525 : vector<1x16xf32> to vector<16xf32>
        %slice3A_527 = vector.extract_strided_slice %min3A_494 {offsets = [1], sizes = [1], strides = [1]} : vector<16xf32> to vector<1xf32>
        %squeeze3A_528 = vector.extract %slice3A_527[0] : f32 from vector<1xf32>
        %sub3A_529 = arith.subf %get3A_526, %get3A_522 : vector<16xf32>
        %mul3A_530 = vector.broadcast %squeeze3A_528 : f32 to vector<16xf32>
        %mul3A_531 = arith.mulf %mul3A_530, %sub3A_529 : vector<16xf32>
        %add3A_532 = arith.addf %get3A_522, %mul3A_531 : vector<16xf32>
        %swap3A_533 = arith.index_cast %add3A_518 : i32 to index
        %swap3A_534 = arith.constant 0 : index
        %swap3A_535 = tpu.vector_load %arg14[%swap3A_533, %swap3A_534] {strides = array<i32>} : memref<400x16xf32, #tpu.memory_space<vmem>>, vector<1x16xf32>,
        %swap3A_536 = vector.shape_cast %swap3A_535 : vector<1x16xf32> to vector<16xf32>
        %swap3A_537 = vector.shape_cast %add3A_532 : vector<16xf32> to vector<1x16xf32>
        tpu.vector_store %arg14[%swap3A_533, %swap3A_534], %swap3A_537 {strides = array<i32>} : memref<400x16xf32, #tpu.memory_space<vmem>>, vector<1x16xf32>,
        %mul3A_538 = arith.constant 16 : i32
        %mul3A_539 = arith.muli %scan3A_484, %mul3A_538 : i32
        %add3A_540 = arith.constant 2 : i32
        %add3A_541 = arith.addi %mul3A_539, %add3A_540 : i32
        %get3A_542 = arith.index_cast %add3A_541 : i32 to index
        %get3A_543 = arith.constant 0 : index
        %get3A_544 = tpu.vector_load %arg13[%get3A_542, %get3A_543] {strides = array<i32>} : memref<400x32xf32, #tpu.memory_space<vmem>>, vector<1x16xf32>,
        %get3A_545 = vector.shape_cast %get3A_544 : vector<1x16xf32> to vector<16xf32>
        %get3A_546 = arith.index_cast %add3A_541 : i32 to index
        %get3A_547 = arith.constant 16 : index
        %get3A_548 = tpu.vector_load %arg13[%get3A_546, %get3A_547] {strides = array<i32>} : memref<400x32xf32, #tpu.memory_space<vmem>>, vector<1x16xf32>,
        %get3A_549 = vector.shape_cast %get3A_548 : vector<1x16xf32> to vector<16xf32>
        %slice3A_550 = vector.extract_strided_slice %min3A_494 {offsets = [2], sizes = [1], strides = [1]} : vector<16xf32> to vector<1xf32>
        %squeeze3A_551 = vector.extract %slice3A_550[0] : f32 from vector<1xf32>
        %sub3A_552 = arith.subf %get3A_549, %get3A_545 : vector<16xf32>
        %mul3A_553 = vector.broadcast %squeeze3A_551 : f32 to vector<16xf32>
        %mul3A_554 = arith.mulf %mul3A_553, %sub3A_552 : vector<16xf32>
        %add3A_555 = arith.addf %get3A_545, %mul3A_554 : vector<16xf32>
        %swap3A_556 = arith.index_cast %add3A_541 : i32 to index
        %swap3A_557 = arith.constant 0 : index
        %swap3A_558 = tpu.vector_load %arg14[%swap3A_556, %swap3A_557] {strides = array<i32>} : memref<400x16xf32, #tpu.memory_space<vmem>>, vector<1x16xf32>,
        %swap3A_559 = vector.shape_cast %swap3A_558 : vector<1x16xf32> to vector<16xf32>
        %swap3A_560 = vector.shape_cast %add3A_555 : vector<16xf32> to vector<1x16xf32>
        tpu.vector_store %arg14[%swap3A_556, %swap3A_557], %swap3A_560 {strides = array<i32>} : memref<400x16xf32, #tpu.memory_space<vmem>>, vector<1x16xf32>,
        %mul3A_561 = arith.constant 16 : i32
        %mul3A_562 = arith.muli %scan3A_484, %mul3A_561 : i32
        %add3A_563 = arith.constant 3 : i32
        %add3A_564 = arith.addi %mul3A_562, %add3A_563 : i32
        %get3A_565 = arith.index_cast %add3A_564 : i32 to index
        %get3A_566 = arith.constant 0 : index
        %get3A_567 = tpu.vector_load %arg13[%get3A_565, %get3A_566] {strides = array<i32>} : memref<400x32xf32, #tpu.memory_space<vmem>>, vector<1x16xf32>,
        %get3A_568 = vector.shape_cast %get3A_567 : vector<1x16xf32> to vector<16xf32>
        %get3A_569 = arith.index_cast %add3A_564 : i32 to index
        %get3A_570 = arith.constant 16 : index
        %get3A_571 = tpu.vector_load %arg13[%get3A_569, %get3A_570] {strides = array<i32>} : memref<400x32xf32, #tpu.memory_space<vmem>>, vector<1x16xf32>,
        %get3A_572 = vector.shape_cast %get3A_571 : vector<1x16xf32> to vector<16xf32>
        %slice3A_573 = vector.extract_strided_slice %min3A_494 {offsets = [3], sizes = [1], strides = [1]} : vector<16xf32> to vector<1xf32>
        %squeeze3A_574 = vector.extract %slice3A_573[0] : f32 from vector<1xf32>
        %sub3A_575 = arith.subf %get3A_572, %get3A_568 : vector<16xf32>
        %mul3A_576 = vector.broadcast %squeeze3A_574 : f32 to vector<16xf32>
        %mul3A_577 = arith.mulf %mul3A_576, %sub3A_575 : vector<16xf32>
        %add3A_578 = arith.addf %get3A_568, %mul3A_577 : vector<16xf32>
        %swap3A_579 = arith.index_cast %add3A_564 : i32 to index
        %swap3A_580 = arith.constant 0 : index
        %swap3A_581 = tpu.vector_load %arg14[%swap3A_579, %swap3A_580] {strides = array<i32>} : memref<400x16xf32, #tpu.memory_space<vmem>>, vector<1x16xf32>,
        %swap3A_582 = vector.shape_cast %swap3A_581 : vector<1x16xf32> to vector<16xf32>
        %swap3A_583 = vector.shape_cast %add3A_578 : vector<16xf32> to vector<1x16xf32>
        tpu.vector_store %arg14[%swap3A_579, %swap3A_580], %swap3A_583 {strides = array<i32>} : memref<400x16xf32, #tpu.memory_space<vmem>>, vector<1x16xf32>,
        %mul3A_584 = arith.constant 16 : i32
        %mul3A_585 = arith.muli %scan3A_484, %mul3A_584 : i32
        %add3A_586 = arith.constant 4 : i32
        %add3A_587 = arith.addi %mul3A_585, %add3A_586 : i32
        %get3A_588 = arith.index_cast %add3A_587 : i32 to index
        %get3A_589 = arith.constant 0 : index
        %get3A_590 = tpu.vector_load %arg13[%get3A_588, %get3A_589] {strides = array<i32>} : memref<400x32xf32, #tpu.memory_space<vmem>>, vector<1x16xf32>,
        %get3A_591 = vector.shape_cast %get3A_590 : vector<1x16xf32> to vector<16xf32>
        %get3A_592 = arith.index_cast %add3A_587 : i32 to index
        %get3A_593 = arith.constant 16 : index
        %get3A_594 = tpu.vector_load %arg13[%get3A_592, %get3A_593] {strides = array<i32>} : memref<400x32xf32, #tpu.memory_space<vmem>>, vector<1x16xf32>,
        %get3A_595 = vector.shape_cast %get3A_594 : vector<1x16xf32> to vector<16xf32>
        %slice3A_596 = vector.extract_strided_slice %min3A_494 {offsets = [4], sizes = [1], strides = [1]} : vector<16xf32> to vector<1xf32>
        %squeeze3A_597 = vector.extract %slice3A_596[0] : f32 from vector<1xf32>
        %sub3A_598 = arith.subf %get3A_595, %get3A_591 : vector<16xf32>
        %mul3A_599 = vector.broadcast %squeeze3A_597 : f32 to vector<16xf32>
        %mul3A_600 = arith.mulf %mul3A_599, %sub3A_598 : vector<16xf32>
        %add3A_601 = arith.addf %get3A_591, %mul3A_600 : vector<16xf32>
        %swap3A_602 = arith.index_cast %add3A_587 : i32 to index
        %swap3A_603 = arith.constant 0 : index
        %swap3A_604 = tpu.vector_load %arg14[%swap3A_602, %swap3A_603] {strides = array<i32>} : memref<400x16xf32, #tpu.memory_space<vmem>>, vector<1x16xf32>,
        %swap3A_605 = vector.shape_cast %swap3A_604 : vector<1x16xf32> to vector<16xf32>
        %swap3A_606 = vector.shape_cast %add3A_601 : vector<16xf32> to vector<1x16xf32>
        tpu.vector_store %arg14[%swap3A_602, %swap3A_603], %swap3A_606 {strides = array<i32>} : memref<400x16xf32, #tpu.memory_space<vmem>>, vector<1x16xf32>,
        %mul3A_607 = arith.constant 16 : i32
        %mul3A_608 = arith.muli %scan3A_484, %mul3A_607 : i32
        %add3A_609 = arith.constant 5 : i32
        %add3A_610 = arith.addi %mul3A_608, %add3A_609 : i32
        %get3A_611 = arith.index_cast %add3A_610 : i32 to index
        %get3A_612 = arith.constant 0 : index
        %get3A_613 = tpu.vector_load %arg13[%get3A_611, %get3A_612] {strides = array<i32>} : memref<400x32xf32, #tpu.memory_space<vmem>>, vector<1x16xf32>,
        %get3A_614 = vector.shape_cast %get3A_613 : vector<1x16xf32> to vector<16xf32>
        %get3A_615 = arith.index_cast %add3A_610 : i32 to index
        %get3A_616 = arith.constant 16 : index
        %get3A_617 = tpu.vector_load %arg13[%get3A_615, %get3A_616] {strides = array<i32>} : memref<400x32xf32, #tpu.memory_space<vmem>>, vector<1x16xf32>,
        %get3A_618 = vector.shape_cast %get3A_617 : vector<1x16xf32> to vector<16xf32>
        %slice3A_619 = vector.extract_strided_slice %min3A_494 {offsets = [5], sizes = [1], strides = [1]} : vector<16xf32> to vector<1xf32>
        %squeeze3A_620 = vector.extract %slice3A_619[0] : f32 from vector<1xf32>
        %sub3A_621 = arith.subf %get3A_618, %get3A_614 : vector<16xf32>
        %mul3A_622 = vector.broadcast %squeeze3A_620 : f32 to vector<16xf32>
        %mul3A_623 = arith.mulf %mul3A_622, %sub3A_621 : vector<16xf32>
        %add3A_624 = arith.addf %get3A_614, %mul3A_623 : vector<16xf32>
        %swap3A_625 = arith.index_cast %add3A_610 : i32 to index
        %swap3A_626 = arith.constant 0 : index
        %swap3A_627 = tpu.vector_load %arg14[%swap3A_625, %swap3A_626] {strides = array<i32>} : memref<400x16xf32, #tpu.memory_space<vmem>>, vector<1x16xf32>,
        %swap3A_628 = vector.shape_cast %swap3A_627 : vector<1x16xf32> to vector<16xf32>
        %swap3A_629 = vector.shape_cast %add3A_624 : vector<16xf32> to vector<1x16xf32>
        tpu.vector_store %arg14[%swap3A_625, %swap3A_626], %swap3A_629 {strides = array<i32>} : memref<400x16xf32, #tpu.memory_space<vmem>>, vector<1x16xf32>,
        %mul3A_630 = arith.constant 16 : i32
        %mul3A_631 = arith.muli %scan3A_484, %mul3A_630 : i32
        %add3A_632 = arith.constant 6 : i32
        %add3A_633 = arith.addi %mul3A_631, %add3A_632 : i32
        %get3A_634 = arith.index_cast %add3A_633 : i32 to index
        %get3A_635 = arith.constant 0 : index
        %get3A_636 = tpu.vector_load %arg13[%get3A_634, %get3A_635] {strides = array<i32>} : memref<400x32xf32, #tpu.memory_space<vmem>>, vector<1x16xf32>,
        %get3A_637 = vector.shape_cast %get3A_636 : vector<1x16xf32> to vector<16xf32>
        %get3A_638 = arith.index_cast %add3A_633 : i32 to index
        %get3A_639 = arith.constant 16 : index
        %get3A_640 = tpu.vector_load %arg13[%get3A_638, %get3A_639] {strides = array<i32>} : memref<400x32xf32, #tpu.memory_space<vmem>>, vector<1x16xf32>,
        %get3A_641 = vector.shape_cast %get3A_640 : vector<1x16xf32> to vector<16xf32>
        %slice3A_642 = vector.extract_strided_slice %min3A_494 {offsets = [6], sizes = [1], strides = [1]} : vector<16xf32> to vector<1xf32>
        %squeeze3A_643 = vector.extract %slice3A_642[0] : f32 from vector<1xf32>
        %sub3A_644 = arith.subf %get3A_641, %get3A_637 : vector<16xf32>
        %mul3A_645 = vector.broadcast %squeeze3A_643 : f32 to vector<16xf32>
        %mul3A_646 = arith.mulf %mul3A_645, %sub3A_644 : vector<16xf32>
        %add3A_647 = arith.addf %get3A_637, %mul3A_646 : vector<16xf32>
        %swap3A_648 = arith.index_cast %add3A_633 : i32 to index
        %swap3A_649 = arith.constant 0 : index
        %swap3A_650 = tpu.vector_load %arg14[%swap3A_648, %swap3A_649] {strides = array<i32>} : memref<400x16xf32, #tpu.memory_space<vmem>>, vector<1x16xf32>,
        %swap3A_651 = vector.shape_cast %swap3A_650 : vector<1x16xf32> to vector<16xf32>
        %swap3A_652 = vector.shape_cast %add3A_647 : vector<16xf32> to vector<1x16xf32>
        tpu.vector_store %arg14[%swap3A_648, %swap3A_649], %swap3A_652 {strides = array<i32>} : memref<400x16xf32, #tpu.memory_space<vmem>>, vector<1x16xf32>,
        %mul3A_653 = arith.constant 16 : i32
        %mul3A_654 = arith.muli %scan3A_484, %mul3A_653 : i32
        %add3A_655 = arith.constant 7 : i32
        %add3A_656 = arith.addi %mul3A_654, %add3A_655 : i32
        %get3A_657 = arith.index_cast %add3A_656 : i32 to index
        %get3A_658 = arith.constant 0 : index
        %get3A_659 = tpu.vector_load %arg13[%get3A_657, %get3A_658] {strides = array<i32>} : memref<400x32xf32, #tpu.memory_space<vmem>>, vector<1x16xf32>,
        %get3A_660 = vector.shape_cast %get3A_659 : vector<1x16xf32> to vector<16xf32>
        %get3A_661 = arith.index_cast %add3A_656 : i32 to index
        %get3A_662 = arith.constant 16 : index
        %get3A_663 = tpu.vector_load %arg13[%get3A_661, %get3A_662] {strides = array<i32>} : memref<400x32xf32, #tpu.memory_space<vmem>>, vector<1x16xf32>,
        %get3A_664 = vector.shape_cast %get3A_663 : vector<1x16xf32> to vector<16xf32>
        %slice3A_665 = vector.extract_strided_slice %min3A_494 {offsets = [7], sizes = [1], strides = [1]} : vector<16xf32> to vector<1xf32>
        %squeeze3A_666 = vector.extract %slice3A_665[0] : f32 from vector<1xf32>
        %sub3A_667 = arith.subf %get3A_664, %get3A_660 : vector<16xf32>
        %mul3A_668 = vector.broadcast %squeeze3A_666 : f32 to vector<16xf32>
        %mul3A_669 = arith.mulf %mul3A_668, %sub3A_667 : vector<16xf32>
        %add3A_670 = arith.addf %get3A_660, %mul3A_669 : vector<16xf32>
        %swap3A_671 = arith.index_cast %add3A_656 : i32 to index
        %swap3A_672 = arith.constant 0 : index
        %swap3A_673 = tpu.vector_load %arg14[%swap3A_671, %swap3A_672] {strides = array<i32>} : memref<400x16xf32, #tpu.memory_space<vmem>>, vector<1x16xf32>,
        %swap3A_674 = vector.shape_cast %swap3A_673 : vector<1x16xf32> to vector<16xf32>
        %swap3A_675 = vector.shape_cast %add3A_670 : vector<16xf32> to vector<1x16xf32>
        tpu.vector_store %arg14[%swap3A_671, %swap3A_672], %swap3A_675 {strides = array<i32>} : memref<400x16xf32, #tpu.memory_space<vmem>>, vector<1x16xf32>,
        %mul3A_676 = arith.constant 16 : i32
        %mul3A_677 = arith.muli %scan3A_484, %mul3A_676 : i32
        %add3A_678 = arith.constant 8 : i32
        %add3A_679 = arith.addi %mul3A_677, %add3A_678 : i32
        %get3A_680 = arith.index_cast %add3A_679 : i32 to index
        %get3A_681 = arith.constant 0 : index
        %get3A_682 = tpu.vector_load %arg13[%get3A_680, %get3A_681] {strides = array<i32>} : memref<400x32xf32, #tpu.memory_space<vmem>>, vector<1x16xf32>,
        %get3A_683 = vector.shape_cast %get3A_682 : vector<1x16xf32> to vector<16xf32>
        %get3A_684 = arith.index_cast %add3A_679 : i32 to index
        %get3A_685 = arith.constant 16 : index
        %get3A_686 = tpu.vector_load %arg13[%get3A_684, %get3A_685] {strides = array<i32>} : memref<400x32xf32, #tpu.memory_space<vmem>>, vector<1x16xf32>,
        %get3A_687 = vector.shape_cast %get3A_686 : vector<1x16xf32> to vector<16xf32>
        %slice3A_688 = vector.extract_strided_slice %min3A_494 {offsets = [8], sizes = [1], strides = [1]} : vector<16xf32> to vector<1xf32>
        %squeeze3A_689 = vector.extract %slice3A_688[0] : f32 from vector<1xf32>
        %sub3A_690 = arith.subf %get3A_687, %get3A_683 : vector<16xf32>
        %mul3A_691 = vector.broadcast %squeeze3A_689 : f32 to vector<16xf32>
        %mul3A_692 = arith.mulf %mul3A_691, %sub3A_690 : vector<16xf32>
        %add3A_693 = arith.addf %get3A_683, %mul3A_692 : vector<16xf32>
        %swap3A_694 = arith.index_cast %add3A_679 : i32 to index
        %swap3A_695 = arith.constant 0 : index
        %swap3A_696 = tpu.vector_load %arg14[%swap3A_694, %swap3A_695] {strides = array<i32>} : memref<400x16xf32, #tpu.memory_space<vmem>>, vector<1x16xf32>,
        %swap3A_697 = vector.shape_cast %swap3A_696 : vector<1x16xf32> to vector<16xf32>
        %swap3A_698 = vector.shape_cast %add3A_693 : vector<16xf32> to vector<1x16xf32>
        tpu.vector_store %arg14[%swap3A_694, %swap3A_695], %swap3A_698 {strides = array<i32>} : memref<400x16xf32, #tpu.memory_space<vmem>>, vector<1x16xf32>,
        %mul3A_699 = arith.constant 16 : i32
        %mul3A_700 = arith.muli %scan3A_484, %mul3A_699 : i32
        %add3A_701 = arith.constant 9 : i32
        %add3A_702 = arith.addi %mul3A_700, %add3A_701 : i32
        %get3A_703 = arith.index_cast %add3A_702 : i32 to index
        %get3A_704 = arith.constant 0 : index
        %get3A_705 = tpu.vector_load %arg13[%get3A_703, %get3A_704] {strides = array<i32>} : memref<400x32xf32, #tpu.memory_space<vmem>>, vector<1x16xf32>,
        %get3A_706 = vector.shape_cast %get3A_705 : vector<1x16xf32> to vector<16xf32>
        %get3A_707 = arith.index_cast %add3A_702 : i32 to index
        %get3A_708 = arith.constant 16 : index
        %get3A_709 = tpu.vector_load %arg13[%get3A_707, %get3A_708] {strides = array<i32>} : memref<400x32xf32, #tpu.memory_space<vmem>>, vector<1x16xf32>,
        %get3A_710 = vector.shape_cast %get3A_709 : vector<1x16xf32> to vector<16xf32>
        %slice3A_711 = vector.extract_strided_slice %min3A_494 {offsets = [9], sizes = [1], strides = [1]} : vector<16xf32> to vector<1xf32>
        %squeeze3A_712 = vector.extract %slice3A_711[0] : f32 from vector<1xf32>
        %sub3A_713 = arith.subf %get3A_710, %get3A_706 : vector<16xf32>
        %mul3A_714 = vector.broadcast %squeeze3A_712 : f32 to vector<16xf32>
        %mul3A_715 = arith.mulf %mul3A_714, %sub3A_713 : vector<16xf32>
        %add3A_716 = arith.addf %get3A_706, %mul3A_715 : vector<16xf32>
        %swap3A_717 = arith.index_cast %add3A_702 : i32 to index
        %swap3A_718 = arith.constant 0 : index
        %swap3A_719 = tpu.vector_load %arg14[%swap3A_717, %swap3A_718] {strides = array<i32>} : memref<400x16xf32, #tpu.memory_space<vmem>>, vector<1x16xf32>,
        %swap3A_720 = vector.shape_cast %swap3A_719 : vector<1x16xf32> to vector<16xf32>
        %swap3A_721 = vector.shape_cast %add3A_716 : vector<16xf32> to vector<1x16xf32>
        tpu.vector_store %arg14[%swap3A_717, %swap3A_718], %swap3A_721 {strides = array<i32>} : memref<400x16xf32, #tpu.memory_space<vmem>>, vector<1x16xf32>,
        %mul3A_722 = arith.constant 16 : i32
        %mul3A_723 = arith.muli %scan3A_484, %mul3A_722 : i32
        %add3A_724 = arith.constant 10 : i32
        %add3A_725 = arith.addi %mul3A_723, %add3A_724 : i32
        %get3A_726 = arith.index_cast %add3A_725 : i32 to index
        %get3A_727 = arith.constant 0 : index
        %get3A_728 = tpu.vector_load %arg13[%get3A_726, %get3A_727] {strides = array<i32>} : memref<400x32xf32, #tpu.memory_space<vmem>>, vector<1x16xf32>,
        %get3A_729 = vector.shape_cast %get3A_728 : vector<1x16xf32> to vector<16xf32>
        %get3A_730 = arith.index_cast %add3A_725 : i32 to index
        %get3A_731 = arith.constant 16 : index
        %get3A_732 = tpu.vector_load %arg13[%get3A_730, %get3A_731] {strides = array<i32>} : memref<400x32xf32, #tpu.memory_space<vmem>>, vector<1x16xf32>,
        %get3A_733 = vector.shape_cast %get3A_732 : vector<1x16xf32> to vector<16xf32>
        %slice3A_734 = vector.extract_strided_slice %min3A_494 {offsets = [10], sizes = [1], strides = [1]} : vector<16xf32> to vector<1xf32>
        %squeeze3A_735 = vector.extract %slice3A_734[0] : f32 from vector<1xf32>
        %sub3A_736 = arith.subf %get3A_733, %get3A_729 : vector<16xf32>
        %mul3A_737 = vector.broadcast %squeeze3A_735 : f32 to vector<16xf32>
        %mul3A_738 = arith.mulf %mul3A_737, %sub3A_736 : vector<16xf32>
        %add3A_739 = arith.addf %get3A_729, %mul3A_738 : vector<16xf32>
        %swap3A_740 = arith.index_cast %add3A_725 : i32 to index
        %swap3A_741 = arith.constant 0 : index
        %swap3A_742 = tpu.vector_load %arg14[%swap3A_740, %swap3A_741] {strides = array<i32>} : memref<400x16xf32, #tpu.memory_space<vmem>>, vector<1x16xf32>,
        %swap3A_743 = vector.shape_cast %swap3A_742 : vector<1x16xf32> to vector<16xf32>
        %swap3A_744 = vector.shape_cast %add3A_739 : vector<16xf32> to vector<1x16xf32>
        tpu.vector_store %arg14[%swap3A_740, %swap3A_741], %swap3A_744 {strides = array<i32>} : memref<400x16xf32, #tpu.memory_space<vmem>>, vector<1x16xf32>,
        %mul3A_745 = arith.constant 16 : i32
        %mul3A_746 = arith.muli %scan3A_484, %mul3A_745 : i32
        %add3A_747 = arith.constant 11 : i32
        %add3A_748 = arith.addi %mul3A_746, %add3A_747 : i32
        %get3A_749 = arith.index_cast %add3A_748 : i32 to index
        %get3A_750 = arith.constant 0 : index
        %get3A_751 = tpu.vector_load %arg13[%get3A_749, %get3A_750] {strides = array<i32>} : memref<400x32xf32, #tpu.memory_space<vmem>>, vector<1x16xf32>,
        %get3A_752 = vector.shape_cast %get3A_751 : vector<1x16xf32> to vector<16xf32>
        %get3A_753 = arith.index_cast %add3A_748 : i32 to index
        %get3A_754 = arith.constant 16 : index
        %get3A_755 = tpu.vector_load %arg13[%get3A_753, %get3A_754] {strides = array<i32>} : memref<400x32xf32, #tpu.memory_space<vmem>>, vector<1x16xf32>,
        %get3A_756 = vector.shape_cast %get3A_755 : vector<1x16xf32> to vector<16xf32>
        %slice3A_757 = vector.extract_strided_slice %min3A_494 {offsets = [11], sizes = [1], strides = [1]} : vector<16xf32> to vector<1xf32>
        %squeeze3A_758 = vector.extract %slice3A_757[0] : f32 from vector<1xf32>
        %sub3A_759 = arith.subf %get3A_756, %get3A_752 : vector<16xf32>
        %mul3A_760 = vector.broadcast %squeeze3A_758 : f32 to vector<16xf32>
        %mul3A_761 = arith.mulf %mul3A_760, %sub3A_759 : vector<16xf32>
        %add3A_762 = arith.addf %get3A_752, %mul3A_761 : vector<16xf32>
        %swap3A_763 = arith.index_cast %add3A_748 : i32 to index
        %swap3A_764 = arith.constant 0 : index
        %swap3A_765 = tpu.vector_load %arg14[%swap3A_763, %swap3A_764] {strides = array<i32>} : memref<400x16xf32, #tpu.memory_space<vmem>>, vector<1x16xf32>,
        %swap3A_766 = vector.shape_cast %swap3A_765 : vector<1x16xf32> to vector<16xf32>
        %swap3A_767 = vector.shape_cast %add3A_762 : vector<16xf32> to vector<1x16xf32>
        tpu.vector_store %arg14[%swap3A_763, %swap3A_764], %swap3A_767 {strides = array<i32>} : memref<400x16xf32, #tpu.memory_space<vmem>>, vector<1x16xf32>,
        %mul3A_768 = arith.constant 16 : i32
        %mul3A_769 = arith.muli %scan3A_484, %mul3A_768 : i32
        %add3A_770 = arith.constant 12 : i32
        %add3A_771 = arith.addi %mul3A_769, %add3A_770 : i32
        %get3A_772 = arith.index_cast %add3A_771 : i32 to index
        %get3A_773 = arith.constant 0 : index
        %get3A_774 = tpu.vector_load %arg13[%get3A_772, %get3A_773] {strides = array<i32>} : memref<400x32xf32, #tpu.memory_space<vmem>>, vector<1x16xf32>,
        %get3A_775 = vector.shape_cast %get3A_774 : vector<1x16xf32> to vector<16xf32>
        %get3A_776 = arith.index_cast %add3A_771 : i32 to index
        %get3A_777 = arith.constant 16 : index
        %get3A_778 = tpu.vector_load %arg13[%get3A_776, %get3A_777] {strides = array<i32>} : memref<400x32xf32, #tpu.memory_space<vmem>>, vector<1x16xf32>,
        %get3A_779 = vector.shape_cast %get3A_778 : vector<1x16xf32> to vector<16xf32>
        %slice3A_780 = vector.extract_strided_slice %min3A_494 {offsets = [12], sizes = [1], strides = [1]} : vector<16xf32> to vector<1xf32>
        %squeeze3A_781 = vector.extract %slice3A_780[0] : f32 from vector<1xf32>
        %sub3A_782 = arith.subf %get3A_779, %get3A_775 : vector<16xf32>
        %mul3A_783 = vector.broadcast %squeeze3A_781 : f32 to vector<16xf32>
        %mul3A_784 = arith.mulf %mul3A_783, %sub3A_782 : vector<16xf32>
        %add3A_785 = arith.addf %get3A_775, %mul3A_784 : vector<16xf32>
        %swap3A_786 = arith.index_cast %add3A_771 : i32 to index
        %swap3A_787 = arith.constant 0 : index
        %swap3A_788 = tpu.vector_load %arg14[%swap3A_786, %swap3A_787] {strides = array<i32>} : memref<400x16xf32, #tpu.memory_space<vmem>>, vector<1x16xf32>,
        %swap3A_789 = vector.shape_cast %swap3A_788 : vector<1x16xf32> to vector<16xf32>
        %swap3A_790 = vector.shape_cast %add3A_785 : vector<16xf32> to vector<1x16xf32>
        tpu.vector_store %arg14[%swap3A_786, %swap3A_787], %swap3A_790 {strides = array<i32>} : memref<400x16xf32, #tpu.memory_space<vmem>>, vector<1x16xf32>,
        %mul3A_791 = arith.constant 16 : i32
        %mul3A_792 = arith.muli %scan3A_484, %mul3A_791 : i32
        %add3A_793 = arith.constant 13 : i32
        %add3A_794 = arith.addi %mul3A_792, %add3A_793 : i32
        %get3A_795 = arith.index_cast %add3A_794 : i32 to index
        %get3A_796 = arith.constant 0 : index
        %get3A_797 = tpu.vector_load %arg13[%get3A_795, %get3A_796] {strides = array<i32>} : memref<400x32xf32, #tpu.memory_space<vmem>>, vector<1x16xf32>,
        %get3A_798 = vector.shape_cast %get3A_797 : vector<1x16xf32> to vector<16xf32>
        %get3A_799 = arith.index_cast %add3A_794 : i32 to index
        %get3A_800 = arith.constant 16 : index
        %get3A_801 = tpu.vector_load %arg13[%get3A_799, %get3A_800] {strides = array<i32>} : memref<400x32xf32, #tpu.memory_space<vmem>>, vector<1x16xf32>,
        %get3A_802 = vector.shape_cast %get3A_801 : vector<1x16xf32> to vector<16xf32>
        %slice3A_803 = vector.extract_strided_slice %min3A_494 {offsets = [13], sizes = [1], strides = [1]} : vector<16xf32> to vector<1xf32>
        %squeeze3A_804 = vector.extract %slice3A_803[0] : f32 from vector<1xf32>
        %sub3A_805 = arith.subf %get3A_802, %get3A_798 : vector<16xf32>
        %mul3A_806 = vector.broadcast %squeeze3A_804 : f32 to vector<16xf32>
        %mul3A_807 = arith.mulf %mul3A_806, %sub3A_805 : vector<16xf32>
        %add3A_808 = arith.addf %get3A_798, %mul3A_807 : vector<16xf32>
        %swap3A_809 = arith.index_cast %add3A_794 : i32 to index
        %swap3A_810 = arith.constant 0 : index
        %swap3A_811 = tpu.vector_load %arg14[%swap3A_809, %swap3A_810] {strides = array<i32>} : memref<400x16xf32, #tpu.memory_space<vmem>>, vector<1x16xf32>,
        %swap3A_812 = vector.shape_cast %swap3A_811 : vector<1x16xf32> to vector<16xf32>
        %swap3A_813 = vector.shape_cast %add3A_808 : vector<16xf32> to vector<1x16xf32>
        tpu.vector_store %arg14[%swap3A_809, %swap3A_810], %swap3A_813 {strides = array<i32>} : memref<400x16xf32, #tpu.memory_space<vmem>>, vector<1x16xf32>,
        %mul3A_814 = arith.constant 16 : i32
        %mul3A_815 = arith.muli %scan3A_484, %mul3A_814 : i32
        %add3A_816 = arith.constant 14 : i32
        %add3A_817 = arith.addi %mul3A_815, %add3A_816 : i32
        %get3A_818 = arith.index_cast %add3A_817 : i32 to index
        %get3A_819 = arith.constant 0 : index
        %get3A_820 = tpu.vector_load %arg13[%get3A_818, %get3A_819] {strides = array<i32>} : memref<400x32xf32, #tpu.memory_space<vmem>>, vector<1x16xf32>,
        %get3A_821 = vector.shape_cast %get3A_820 : vector<1x16xf32> to vector<16xf32>
        %get3A_822 = arith.index_cast %add3A_817 : i32 to index
        %get3A_823 = arith.constant 16 : index
        %get3A_824 = tpu.vector_load %arg13[%get3A_822, %get3A_823] {strides = array<i32>} : memref<400x32xf32, #tpu.memory_space<vmem>>, vector<1x16xf32>,
        %get3A_825 = vector.shape_cast %get3A_824 : vector<1x16xf32> to vector<16xf32>
        %slice3A_826 = vector.extract_strided_slice %min3A_494 {offsets = [14], sizes = [1], strides = [1]} : vector<16xf32> to vector<1xf32>
        %squeeze3A_827 = vector.extract %slice3A_826[0] : f32 from vector<1xf32>
        %sub3A_828 = arith.subf %get3A_825, %get3A_821 : vector<16xf32>
        %mul3A_829 = vector.broadcast %squeeze3A_827 : f32 to vector<16xf32>
        %mul3A_830 = arith.mulf %mul3A_829, %sub3A_828 : vector<16xf32>
        %add3A_831 = arith.addf %get3A_821, %mul3A_830 : vector<16xf32>
        %swap3A_832 = arith.index_cast %add3A_817 : i32 to index
        %swap3A_833 = arith.constant 0 : index
        %swap3A_834 = tpu.vector_load %arg14[%swap3A_832, %swap3A_833] {strides = array<i32>} : memref<400x16xf32, #tpu.memory_space<vmem>>, vector<1x16xf32>,
        %swap3A_835 = vector.shape_cast %swap3A_834 : vector<1x16xf32> to vector<16xf32>
        %swap3A_836 = vector.shape_cast %add3A_831 : vector<16xf32> to vector<1x16xf32>
        tpu.vector_store %arg14[%swap3A_832, %swap3A_833], %swap3A_836 {strides = array<i32>} : memref<400x16xf32, #tpu.memory_space<vmem>>, vector<1x16xf32>,
        %mul3A_837 = arith.constant 16 : i32
        %mul3A_838 = arith.muli %scan3A_484, %mul3A_837 : i32
        %add3A_839 = arith.constant 15 : i32
        %add3A_840 = arith.addi %mul3A_838, %add3A_839 : i32
        %get3A_841 = arith.index_cast %add3A_840 : i32 to index
        %get3A_842 = arith.constant 0 : index
        %get3A_843 = tpu.vector_load %arg13[%get3A_841, %get3A_842] {strides = array<i32>} : memref<400x32xf32, #tpu.memory_space<vmem>>, vector<1x16xf32>,
        %get3A_844 = vector.shape_cast %get3A_843 : vector<1x16xf32> to vector<16xf32>
        %get3A_845 = arith.index_cast %add3A_840 : i32 to index
        %get3A_846 = arith.constant 16 : index
        %get3A_847 = tpu.vector_load %arg13[%get3A_845, %get3A_846] {strides = array<i32>} : memref<400x32xf32, #tpu.memory_space<vmem>>, vector<1x16xf32>,
        %get3A_848 = vector.shape_cast %get3A_847 : vector<1x16xf32> to vector<16xf32>
        %slice3A_849 = vector.extract_strided_slice %min3A_494 {offsets = [15], sizes = [1], strides = [1]} : vector<16xf32> to vector<1xf32>
        %squeeze3A_850 = vector.extract %slice3A_849[0] : f32 from vector<1xf32>
        %sub3A_851 = arith.subf %get3A_848, %get3A_844 : vector<16xf32>
        %mul3A_852 = vector.broadcast %squeeze3A_850 : f32 to vector<16xf32>
        %mul3A_853 = arith.mulf %mul3A_852, %sub3A_851 : vector<16xf32>
        %add3A_854 = arith.addf %get3A_844, %mul3A_853 : vector<16xf32>
        %swap3A_855 = arith.index_cast %add3A_840 : i32 to index
        %swap3A_856 = arith.constant 0 : index
        %swap3A_857 = tpu.vector_load %arg14[%swap3A_855, %swap3A_856] {strides = array<i32>} : memref<400x16xf32, #tpu.memory_space<vmem>>, vector<1x16xf32>,
        %swap3A_858 = vector.shape_cast %swap3A_857 : vector<1x16xf32> to vector<16xf32>
        %swap3A_859 = vector.shape_cast %add3A_854 : vector<16xf32> to vector<1x16xf32>
        tpu.vector_store %arg14[%swap3A_855, %swap3A_856], %swap3A_859 {strides = array<i32>} : memref<400x16xf32, #tpu.memory_space<vmem>>, vector<1x16xf32>,
      }
      %scan3A_483 = arith.constant 25 : i32
      "tpu.region"() ({
        %run_scoped3A = tpu.sem_alloc : memref<!tpu.dma_semaphore, #tpu.memory_space<semaphore_mem>>
        %dma_start3A_484 = arith.constant 0 : i32
        %dma_start3A_485 = arith.constant 0 : i32
        %dma_start3A_486 = tpu.memref_slice %arg16[%dma_start3A_484, %dma_start3A_485] : memref<10000x16xf32, #tpu.memory_space<vmem_shared>> -> memref<10000x16xf32, #tpu.memory_space<vmem_shared>>
        tpu.enqueue_indirect_dma source(%arg14 : memref<400x16xf32, #tpu.memory_space<vmem>>) target(%dma_start3A_486 : memref<10000x16xf32, #tpu.memory_space<vmem_shared>>) offsets(%arg12 : memref<400xi32, #tpu.memory_space<vmem>>) semaphore(%run_scoped3A : memref<!tpu.dma_semaphore, #tpu.memory_space<semaphore_mem>>) {add = true}
        %dma_wait3A_487 = arith.constant 0 : i32
        %dma_wait3A_488 = arith.constant 0 : i32
        %dma_wait3A_489 = tpu.memref_slice %arg16[%dma_wait3A_487, %dma_wait3A_488] : memref<10000x16xf32, #tpu.memory_space<vmem_shared>> -> memref<10000x16xf32, #tpu.memory_space<vmem_shared>>
        tpu.wait_indirect_dma semaphore(%run_scoped3A : memref<!tpu.dma_semaphore, #tpu.memory_space<semaphore_mem>>) src(%arg14 : memref<400x16xf32, #tpu.memory_space<vmem>>) dst(%dma_wait3A_489 : memref<10000x16xf32, #tpu.memory_space<vmem_shared>>)
        tpu.yield
      }) : () -> ()
      "tpu.region"() ({
        %run_scoped3A = tpu.sem_alloc : memref<!tpu.dma_semaphore, #tpu.memory_space<semaphore_mem>>
        %dma_start3A_484 = arith.constant 0 : i32
        %dma_start3A_485 = tpu.memref_slice %arg20[%dma_start3A_484] : memref<10000xf32, #tpu.memory_space<vmem_shared>> -> memref<10000xf32, #tpu.memory_space<vmem_shared>>
        tpu.enqueue_indirect_dma source(%arg18 : memref<400xf32, #tpu.memory_space<vmem>>) target(%dma_start3A_485 : memref<10000xf32, #tpu.memory_space<vmem_shared>>) offsets(%arg12 : memref<400xi32, #tpu.memory_space<vmem>>) semaphore(%run_scoped3A : memref<!tpu.dma_semaphore, #tpu.memory_space<semaphore_mem>>) {add = true}
        %dma_wait3A_486 = arith.constant 0 : i32
        %dma_wait3A_487 = tpu.memref_slice %arg20[%dma_wait3A_486] : memref<10000xf32, #tpu.memory_space<vmem_shared>> -> memref<10000xf32, #tpu.memory_space<vmem_shared>>
        tpu.wait_indirect_dma semaphore(%run_scoped3A : memref<!tpu.dma_semaphore, #tpu.memory_space<semaphore_mem>>) src(%arg18 : memref<400xf32, #tpu.memory_space<vmem>>) dst(%dma_wait3A_487 : memref<10000xf32, #tpu.memory_space<vmem_shared>>)
        tpu.yield
      }) : () -> ()
    }
    %scan3A_13 = arith.constant 25 : i32
    %barrier3A_14 = arith.constant 0 : index
    tpu.barrier barrier_id(%barrier3A_14)
    %lt3A_15 = arith.constant 5 : i32
    %lt3A_16 = arith.cmpi slt, %arg1, %lt3A_15 : i32
    %convert_element_type3A_17 = arith.extui %lt3A_16 : i1 to i32
    %cond3A_18 = arith.constant 0 : i32
    %cond3A_19 = arith.cmpi ne, %convert_element_type3A_17, %cond3A_18 : i32
    scf.if %cond3A_19 {
      %mul3A_24 = arith.constant 2000 : i32
      %mul3A_25 = arith.muli %arg1, %mul3A_24 : i32
      %mul3A_26 = arith.constant 10000 : i32
      %mul3A_27 = arith.muli %arg0, %mul3A_26 : i32
      %add3A_28 = arith.addi %mul3A_27, %mul3A_25 : i32
      "tpu.region"() ({
        %run_scoped3A = tpu.sem_alloc : memref<!tpu.dma_semaphore, #tpu.memory_space<semaphore_mem>>
        %dma_start3A = arith.constant 0 : i32
        %dma_start3A_29 = tpu.memref_slice %arg6[%add3A_28, %dma_start3A] : memref<20000x16xf32, #tpu.memory_space<hbm>> -> memref<2000x16xf32, #tpu.memory_space<hbm>>
        %dma_start3A_30 = arith.constant 0 : i32
        %dma_start3A_31 = tpu.memref_slice %arg16[%mul3A_25, %dma_start3A_30] : memref<10000x16xf32, #tpu.memory_space<vmem_shared>> -> memref<2000x16xf32, #tpu.memory_space<vmem_shared>>
        tpu.enqueue_dma source(%dma_start3A_31 : memref<2000x16xf32, #tpu.memory_space<vmem_shared>>) target(%dma_start3A_29 : memref<2000x16xf32, #tpu.memory_space<hbm>>) target_semaphore(%run_scoped3A : memref<!tpu.dma_semaphore, #tpu.memory_space<semaphore_mem>>)
        %dma_wait3A = arith.constant 0 : i32
        %dma_wait3A_32 = tpu.memref_slice %arg6[%add3A_28, %dma_wait3A] : memref<20000x16xf32, #tpu.memory_space<hbm>> -> memref<2000x16xf32, #tpu.memory_space<hbm>>
        %dma_wait3A_33 = arith.constant 0 : i32
        %dma_wait3A_34 = tpu.memref_slice %arg16[%mul3A_25, %dma_wait3A_33] : memref<10000x16xf32, #tpu.memory_space<vmem_shared>> -> memref<2000x16xf32, #tpu.memory_space<vmem_shared>>
        tpu.wait_dma2 semaphore(%run_scoped3A : memref<!tpu.dma_semaphore, #tpu.memory_space<semaphore_mem>>) src(%dma_wait3A_34 : memref<2000x16xf32, #tpu.memory_space<vmem_shared>>) dst(%dma_wait3A_32 : memref<2000x16xf32, #tpu.memory_space<hbm>>)
        tpu.yield
      }) : () -> ()
    } else {
    }
    %eq3A = arith.constant 0 : i32
    %eq3A_20 = arith.cmpi eq, %arg1, %eq3A : i32
    %convert_element_type3A_21 = arith.extui %eq3A_20 : i1 to i32
    %cond3A_22 = arith.constant 0 : i32
    %cond3A_23 = arith.cmpi ne, %convert_element_type3A_21, %cond3A_22 : i32
    scf.if %cond3A_23 {
      %mul3A_24 = arith.constant 10000 : i32
      %mul3A_25 = arith.muli %arg0, %mul3A_24 : i32
      "tpu.region"() ({
        %run_scoped3A = tpu.sem_alloc : memref<!tpu.dma_semaphore, #tpu.memory_space<semaphore_mem>>
        %dma_start3A = tpu.memref_slice %arg7[%mul3A_25] : memref<20000xf32, #tpu.memory_space<hbm>> -> memref<10000xf32, #tpu.memory_space<hbm>>
        tpu.enqueue_dma source(%arg20 : memref<10000xf32, #tpu.memory_space<vmem_shared>>) target(%dma_start3A : memref<10000xf32, #tpu.memory_space<hbm>>) target_semaphore(%run_scoped3A : memref<!tpu.dma_semaphore, #tpu.memory_space<semaphore_mem>>)
        %dma_wait3A = tpu.memref_slice %arg7[%mul3A_25] : memref<20000xf32, #tpu.memory_space<hbm>> -> memref<10000xf32, #tpu.memory_space<hbm>>
        tpu.wait_dma2 semaphore(%run_scoped3A : memref<!tpu.dma_semaphore, #tpu.memory_space<semaphore_mem>>) src(%arg20 : memref<10000xf32, #tpu.memory_space<vmem_shared>>) dst(%dma_wait3A : memref<10000xf32, #tpu.memory_space<hbm>>)
        tpu.yield
      }) : () -> ()
    } else {
    }
    return
  }
}

#map = affine_map<(d0, d1) -> (0, 0)>
#map1 = affine_map<(d0, d1) -> (0)>
module attributes {stable_mosaic.version = 14 : i64} {
  func.func @body(%arg0: i32, %arg1: i32, %arg2: memref<10000x32xf32, #tpu.memory_space<hbm>>, %arg3: memref<320000xi32, #tpu.memory_space<hbm>>, %arg4: memref<320000xi32, #tpu.memory_space<hbm>>, %arg5: memref<320000xf32, #tpu.memory_space<hbm>>, %arg6: memref<20000x16xf32, #tpu.memory_space<hbm>>, %arg7: memref<10000xi32, #tpu.memory_space<vmem>>, %arg8: memref<10000xi32, #tpu.memory_space<vmem>>, %arg9: memref<10000xf32, #tpu.memory_space<vmem>>, %arg10: memref<400xi32, #tpu.memory_space<vmem>>, %arg11: memref<400xi32, #tpu.memory_space<vmem>>, %arg12: memref<400x32xf32, #tpu.memory_space<vmem>>, %arg13: memref<400x16xf32, #tpu.memory_space<vmem>>, %arg14: memref<2000x16xf32, #tpu.memory_space<vmem>>, %arg15: memref<10000x16xf32, #tpu.memory_space<vmem_shared>>, %arg16: memref<!tpu.dma_semaphore, #tpu.memory_space<semaphore_mem>>) attributes {dimension_semantics = [#tpu.dimension_semantics<core_parallel>, #tpu.dimension_semantics<subcore_parallel>], iteration_bounds = array<i64: 2, 16>, scalar_prefetch = 0 : i64, scratch_operands = 10 : i64, tpu.core_type = #tpu.core_type<sc_vector_subcore>, window_params = [{transform_indices = #map}, {transform_indices = #map1}, {transform_indices = #map1}, {transform_indices = #map1}, {transform_indices = #map}]} {
    %mul3A = arith.constant 16 : i32
    %mul3A_0 = arith.muli %arg0, %mul3A : i32
    %add3A = arith.addi %mul3A_0, %arg1 : i32
    %mul3A_1 = arith.constant 10000 : i32
    %mul3A_2 = arith.muli %add3A, %mul3A_1 : i32
    "tpu.region"() ({
      %run_scoped3A = tpu.sem_alloc : memref<!tpu.dma_semaphore, #tpu.memory_space<semaphore_mem>>
      %dma_start3A = tpu.memref_slice %arg3[%mul3A_2] : memref<320000xi32, #tpu.memory_space<hbm>> -> memref<10000xi32, #tpu.memory_space<hbm>>
      %dma_start3A_15 = tpu.memref_slice %arg3[%mul3A_2] : memref<320000xi32, #tpu.memory_space<hbm>> -> memref<10000xi32, #tpu.memory_space<hbm>>
      tpu.enqueue_dma source(%dma_start3A_15 : memref<10000xi32, #tpu.memory_space<hbm>>) target(%arg7 : memref<10000xi32, #tpu.memory_space<vmem>>) target_semaphore(%run_scoped3A : memref<!tpu.dma_semaphore, #tpu.memory_space<semaphore_mem>>)
      %dma_wait3A = tpu.memref_slice %arg3[%mul3A_2] : memref<320000xi32, #tpu.memory_space<hbm>> -> memref<10000xi32, #tpu.memory_space<hbm>>
      %dma_wait3A_16 = tpu.memref_slice %arg3[%mul3A_2] : memref<320000xi32, #tpu.memory_space<hbm>> -> memref<10000xi32, #tpu.memory_space<hbm>>
      tpu.wait_dma2 semaphore(%run_scoped3A : memref<!tpu.dma_semaphore, #tpu.memory_space<semaphore_mem>>) src(%dma_wait3A_16 : memref<10000xi32, #tpu.memory_space<hbm>>) dst(%arg7 : memref<10000xi32, #tpu.memory_space<vmem>>)
      tpu.yield
    }) : () -> ()
    "tpu.region"() ({
      %run_scoped3A = tpu.sem_alloc : memref<!tpu.dma_semaphore, #tpu.memory_space<semaphore_mem>>
      %dma_start3A = tpu.memref_slice %arg4[%mul3A_2] : memref<320000xi32, #tpu.memory_space<hbm>> -> memref<10000xi32, #tpu.memory_space<hbm>>
      %dma_start3A_15 = tpu.memref_slice %arg4[%mul3A_2] : memref<320000xi32, #tpu.memory_space<hbm>> -> memref<10000xi32, #tpu.memory_space<hbm>>
      tpu.enqueue_dma source(%dma_start3A_15 : memref<10000xi32, #tpu.memory_space<hbm>>) target(%arg8 : memref<10000xi32, #tpu.memory_space<vmem>>) target_semaphore(%run_scoped3A : memref<!tpu.dma_semaphore, #tpu.memory_space<semaphore_mem>>)
      %dma_wait3A = tpu.memref_slice %arg4[%mul3A_2] : memref<320000xi32, #tpu.memory_space<hbm>> -> memref<10000xi32, #tpu.memory_space<hbm>>
      %dma_wait3A_16 = tpu.memref_slice %arg4[%mul3A_2] : memref<320000xi32, #tpu.memory_space<hbm>> -> memref<10000xi32, #tpu.memory_space<hbm>>
      tpu.wait_dma2 semaphore(%run_scoped3A : memref<!tpu.dma_semaphore, #tpu.memory_space<semaphore_mem>>) src(%dma_wait3A_16 : memref<10000xi32, #tpu.memory_space<hbm>>) dst(%arg8 : memref<10000xi32, #tpu.memory_space<vmem>>)
      tpu.yield
    }) : () -> ()
    "tpu.region"() ({
      %run_scoped3A = tpu.sem_alloc : memref<!tpu.dma_semaphore, #tpu.memory_space<semaphore_mem>>
      %dma_start3A = tpu.memref_slice %arg5[%mul3A_2] : memref<320000xf32, #tpu.memory_space<hbm>> -> memref<10000xf32, #tpu.memory_space<hbm>>
      %dma_start3A_15 = tpu.memref_slice %arg5[%mul3A_2] : memref<320000xf32, #tpu.memory_space<hbm>> -> memref<10000xf32, #tpu.memory_space<hbm>>
      tpu.enqueue_dma source(%dma_start3A_15 : memref<10000xf32, #tpu.memory_space<hbm>>) target(%arg9 : memref<10000xf32, #tpu.memory_space<vmem>>) target_semaphore(%run_scoped3A : memref<!tpu.dma_semaphore, #tpu.memory_space<semaphore_mem>>)
      %dma_wait3A = tpu.memref_slice %arg5[%mul3A_2] : memref<320000xf32, #tpu.memory_space<hbm>> -> memref<10000xf32, #tpu.memory_space<hbm>>
      %dma_wait3A_16 = tpu.memref_slice %arg5[%mul3A_2] : memref<320000xf32, #tpu.memory_space<hbm>> -> memref<10000xf32, #tpu.memory_space<hbm>>
      tpu.wait_dma2 semaphore(%run_scoped3A : memref<!tpu.dma_semaphore, #tpu.memory_space<semaphore_mem>>) src(%dma_wait3A_16 : memref<10000xf32, #tpu.memory_space<hbm>>) dst(%arg9 : memref<10000xf32, #tpu.memory_space<vmem>>)
      tpu.yield
    }) : () -> ()
    %lt3A = arith.constant 5 : i32
    %lt3A_3 = arith.cmpi slt, %arg1, %lt3A : i32
    %convert_element_type3A = arith.extui %lt3A_3 : i1 to i32
    %cond3A = arith.constant 0 : i32
    %cond3A_4 = arith.cmpi ne, %convert_element_type3A, %cond3A : i32
    scf.if %cond3A_4 {
      %scan3A_15 = arith.constant 0 : i32
      %scan3A_16 = arith.constant 2000 : i32
      %scan3A_17 = arith.addi %scan3A_15, %scan3A_16 : i32
      %scan3A_18 = arith.constant 1 : i32
      scf.for %scan3A_22 = %scan3A_15 to %scan3A_17 step %scan3A_18  : i32 {
        %broadcast_in_dim3A = arith.constant 0.000000e+00 : f32
        %broadcast_in_dim3A_23 = vector.broadcast %broadcast_in_dim3A : f32 to vector<16xf32>
        %swap3A = arith.index_cast %scan3A_22 : i32 to index
        %swap3A_24 = arith.constant 0 : index
        %swap3A_25 = tpu.vector_load %arg14[%swap3A, %swap3A_24] {strides = array<i32>} : memref<2000x16xf32, #tpu.memory_space<vmem>>, vector<1x16xf32>,
        %swap3A_26 = vector.shape_cast %swap3A_25 : vector<1x16xf32> to vector<16xf32>
        %swap3A_27 = vector.shape_cast %broadcast_in_dim3A_23 : vector<16xf32> to vector<1x16xf32>
        tpu.vector_store %arg14[%swap3A, %swap3A_24], %swap3A_27 {strides = array<i32>} : memref<2000x16xf32, #tpu.memory_space<vmem>>, vector<1x16xf32>,
      }
      %scan3A_19 = arith.constant 2000 : i32
      %mul3A_20 = arith.constant 2000 : i32
      %mul3A_21 = arith.muli %arg1, %mul3A_20 : i32
      "tpu.region"() ({
        %run_scoped3A = tpu.sem_alloc : memref<!tpu.dma_semaphore, #tpu.memory_space<semaphore_mem>>
        %dma_start3A = arith.constant 0 : i32
        %dma_start3A_22 = tpu.memref_slice %arg15[%mul3A_21, %dma_start3A] : memref<10000x16xf32, #tpu.memory_space<vmem_shared>> -> memref<2000x16xf32, #tpu.memory_space<vmem_shared>>
        %dma_start3A_23 = arith.constant 0 : i32
        %dma_start3A_24 = tpu.memref_slice %arg15[%mul3A_21, %dma_start3A_23] : memref<10000x16xf32, #tpu.memory_space<vmem_shared>> -> memref<2000x16xf32, #tpu.memory_space<vmem_shared>>
        tpu.enqueue_dma source(%arg14 : memref<2000x16xf32, #tpu.memory_space<vmem>>) target(%dma_start3A_24 : memref<2000x16xf32, #tpu.memory_space<vmem_shared>>) target_semaphore(%run_scoped3A : memref<!tpu.dma_semaphore, #tpu.memory_space<semaphore_mem>>)
        %dma_wait3A = arith.constant 0 : i32
        %dma_wait3A_25 = tpu.memref_slice %arg15[%mul3A_21, %dma_wait3A] : memref<10000x16xf32, #tpu.memory_space<vmem_shared>> -> memref<2000x16xf32, #tpu.memory_space<vmem_shared>>
        %dma_wait3A_26 = arith.constant 0 : i32
        %dma_wait3A_27 = tpu.memref_slice %arg15[%mul3A_21, %dma_wait3A_26] : memref<10000x16xf32, #tpu.memory_space<vmem_shared>> -> memref<2000x16xf32, #tpu.memory_space<vmem_shared>>
        tpu.wait_dma2 semaphore(%run_scoped3A : memref<!tpu.dma_semaphore, #tpu.memory_space<semaphore_mem>>) src(%arg14 : memref<2000x16xf32, #tpu.memory_space<vmem>>) dst(%dma_wait3A_27 : memref<2000x16xf32, #tpu.memory_space<vmem_shared>>)
        tpu.yield
      }) : () -> ()
    } else {
    }
    %barrier3A = arith.constant 0 : index
    tpu.barrier barrier_id(%barrier3A)
    %scan3A = arith.constant 0 : i32
    %scan3A_5 = arith.constant 25 : i32
    %scan3A_6 = arith.addi %scan3A, %scan3A_5 : i32
    %scan3A_7 = arith.constant 1 : i32
    scf.for %scan3A_15 = %scan3A to %scan3A_6 step %scan3A_7  : i32 {
      %mul3A_16 = arith.constant 400 : i32
      %mul3A_17 = arith.muli %scan3A_15, %mul3A_16 : i32
      %add3A_18 = arith.constant 0 : i32
      %add3A_19 = arith.addi %mul3A_17, %add3A_18 : i32
      %get3A = arith.index_cast %add3A_19 : i32 to index
      %get3A_20 = tpu.vector_load %arg7[%get3A] {strides = array<i32>} : memref<10000xi32, #tpu.memory_space<vmem>>, vector<16xi32>,
      %get3A_21 = vector.shape_cast %get3A_20 : vector<16xi32> to vector<16xi32>
      %swap3A = arith.constant 0 : index
      %swap3A_22 = tpu.vector_load %arg10[%swap3A] {strides = array<i32>} : memref<400xi32, #tpu.memory_space<vmem>>, vector<16xi32>,
      %swap3A_23 = vector.shape_cast %swap3A_22 : vector<16xi32> to vector<16xi32>
      %swap3A_24 = vector.shape_cast %get3A_21 : vector<16xi32> to vector<16xi32>
      tpu.vector_store %arg10[%swap3A], %swap3A_24 {strides = array<i32>} : memref<400xi32, #tpu.memory_space<vmem>>, vector<16xi32>,
      %add3A_25 = arith.constant 0 : i32
      %add3A_26 = arith.addi %mul3A_17, %add3A_25 : i32
      %get3A_27 = arith.index_cast %add3A_26 : i32 to index
      %get3A_28 = tpu.vector_load %arg8[%get3A_27] {strides = array<i32>} : memref<10000xi32, #tpu.memory_space<vmem>>, vector<16xi32>,
      %get3A_29 = vector.shape_cast %get3A_28 : vector<16xi32> to vector<16xi32>
      %swap3A_30 = arith.constant 0 : index
      %swap3A_31 = tpu.vector_load %arg11[%swap3A_30] {strides = array<i32>} : memref<400xi32, #tpu.memory_space<vmem>>, vector<16xi32>,
      %swap3A_32 = vector.shape_cast %swap3A_31 : vector<16xi32> to vector<16xi32>
      %swap3A_33 = vector.shape_cast %get3A_29 : vector<16xi32> to vector<16xi32>
      tpu.vector_store %arg11[%swap3A_30], %swap3A_33 {strides = array<i32>} : memref<400xi32, #tpu.memory_space<vmem>>, vector<16xi32>,
      %add3A_34 = arith.constant 16 : i32
      %add3A_35 = arith.addi %mul3A_17, %add3A_34 : i32
      %get3A_36 = arith.index_cast %add3A_35 : i32 to index
      %get3A_37 = tpu.vector_load %arg7[%get3A_36] {strides = array<i32>} : memref<10000xi32, #tpu.memory_space<vmem>>, vector<16xi32>,
      %get3A_38 = vector.shape_cast %get3A_37 : vector<16xi32> to vector<16xi32>
      %swap3A_39 = arith.constant 16 : index
      %swap3A_40 = tpu.vector_load %arg10[%swap3A_39] {strides = array<i32>} : memref<400xi32, #tpu.memory_space<vmem>>, vector<16xi32>,
      %swap3A_41 = vector.shape_cast %swap3A_40 : vector<16xi32> to vector<16xi32>
      %swap3A_42 = vector.shape_cast %get3A_38 : vector<16xi32> to vector<16xi32>
      tpu.vector_store %arg10[%swap3A_39], %swap3A_42 {strides = array<i32>} : memref<400xi32, #tpu.memory_space<vmem>>, vector<16xi32>,
      %add3A_43 = arith.constant 16 : i32
      %add3A_44 = arith.addi %mul3A_17, %add3A_43 : i32
      %get3A_45 = arith.index_cast %add3A_44 : i32 to index
      %get3A_46 = tpu.vector_load %arg8[%get3A_45] {strides = array<i32>} : memref<10000xi32, #tpu.memory_space<vmem>>, vector<16xi32>,
      %get3A_47 = vector.shape_cast %get3A_46 : vector<16xi32> to vector<16xi32>
      %swap3A_48 = arith.constant 16 : index
      %swap3A_49 = tpu.vector_load %arg11[%swap3A_48] {strides = array<i32>} : memref<400xi32, #tpu.memory_space<vmem>>, vector<16xi32>,
      %swap3A_50 = vector.shape_cast %swap3A_49 : vector<16xi32> to vector<16xi32>
      %swap3A_51 = vector.shape_cast %get3A_47 : vector<16xi32> to vector<16xi32>
      tpu.vector_store %arg11[%swap3A_48], %swap3A_51 {strides = array<i32>} : memref<400xi32, #tpu.memory_space<vmem>>, vector<16xi32>,
      %add3A_52 = arith.constant 32 : i32
      %add3A_53 = arith.addi %mul3A_17, %add3A_52 : i32
      %get3A_54 = arith.index_cast %add3A_53 : i32 to index
      %get3A_55 = tpu.vector_load %arg7[%get3A_54] {strides = array<i32>} : memref<10000xi32, #tpu.memory_space<vmem>>, vector<16xi32>,
      %get3A_56 = vector.shape_cast %get3A_55 : vector<16xi32> to vector<16xi32>
      %swap3A_57 = arith.constant 32 : index
      %swap3A_58 = tpu.vector_load %arg10[%swap3A_57] {strides = array<i32>} : memref<400xi32, #tpu.memory_space<vmem>>, vector<16xi32>,
      %swap3A_59 = vector.shape_cast %swap3A_58 : vector<16xi32> to vector<16xi32>
      %swap3A_60 = vector.shape_cast %get3A_56 : vector<16xi32> to vector<16xi32>
      tpu.vector_store %arg10[%swap3A_57], %swap3A_60 {strides = array<i32>} : memref<400xi32, #tpu.memory_space<vmem>>, vector<16xi32>,
      %add3A_61 = arith.constant 32 : i32
      %add3A_62 = arith.addi %mul3A_17, %add3A_61 : i32
      %get3A_63 = arith.index_cast %add3A_62 : i32 to index
      %get3A_64 = tpu.vector_load %arg8[%get3A_63] {strides = array<i32>} : memref<10000xi32, #tpu.memory_space<vmem>>, vector<16xi32>,
      %get3A_65 = vector.shape_cast %get3A_64 : vector<16xi32> to vector<16xi32>
      %swap3A_66 = arith.constant 32 : index
      %swap3A_67 = tpu.vector_load %arg11[%swap3A_66] {strides = array<i32>} : memref<400xi32, #tpu.memory_space<vmem>>, vector<16xi32>,
      %swap3A_68 = vector.shape_cast %swap3A_67 : vector<16xi32> to vector<16xi32>
      %swap3A_69 = vector.shape_cast %get3A_65 : vector<16xi32> to vector<16xi32>
      tpu.vector_store %arg11[%swap3A_66], %swap3A_69 {strides = array<i32>} : memref<400xi32, #tpu.memory_space<vmem>>, vector<16xi32>,
      %add3A_70 = arith.constant 48 : i32
      %add3A_71 = arith.addi %mul3A_17, %add3A_70 : i32
      %get3A_72 = arith.index_cast %add3A_71 : i32 to index
      %get3A_73 = tpu.vector_load %arg7[%get3A_72] {strides = array<i32>} : memref<10000xi32, #tpu.memory_space<vmem>>, vector<16xi32>,
      %get3A_74 = vector.shape_cast %get3A_73 : vector<16xi32> to vector<16xi32>
      %swap3A_75 = arith.constant 48 : index
      %swap3A_76 = tpu.vector_load %arg10[%swap3A_75] {strides = array<i32>} : memref<400xi32, #tpu.memory_space<vmem>>, vector<16xi32>,
      %swap3A_77 = vector.shape_cast %swap3A_76 : vector<16xi32> to vector<16xi32>
      %swap3A_78 = vector.shape_cast %get3A_74 : vector<16xi32> to vector<16xi32>
      tpu.vector_store %arg10[%swap3A_75], %swap3A_78 {strides = array<i32>} : memref<400xi32, #tpu.memory_space<vmem>>, vector<16xi32>,
      %add3A_79 = arith.constant 48 : i32
      %add3A_80 = arith.addi %mul3A_17, %add3A_79 : i32
      %get3A_81 = arith.index_cast %add3A_80 : i32 to index
      %get3A_82 = tpu.vector_load %arg8[%get3A_81] {strides = array<i32>} : memref<10000xi32, #tpu.memory_space<vmem>>, vector<16xi32>,
      %get3A_83 = vector.shape_cast %get3A_82 : vector<16xi32> to vector<16xi32>
      %swap3A_84 = arith.constant 48 : index
      %swap3A_85 = tpu.vector_load %arg11[%swap3A_84] {strides = array<i32>} : memref<400xi32, #tpu.memory_space<vmem>>, vector<16xi32>,
      %swap3A_86 = vector.shape_cast %swap3A_85 : vector<16xi32> to vector<16xi32>
      %swap3A_87 = vector.shape_cast %get3A_83 : vector<16xi32> to vector<16xi32>
      tpu.vector_store %arg11[%swap3A_84], %swap3A_87 {strides = array<i32>} : memref<400xi32, #tpu.memory_space<vmem>>, vector<16xi32>,
      %add3A_88 = arith.constant 64 : i32
      %add3A_89 = arith.addi %mul3A_17, %add3A_88 : i32
      %get3A_90 = arith.index_cast %add3A_89 : i32 to index
      %get3A_91 = tpu.vector_load %arg7[%get3A_90] {strides = array<i32>} : memref<10000xi32, #tpu.memory_space<vmem>>, vector<16xi32>,
      %get3A_92 = vector.shape_cast %get3A_91 : vector<16xi32> to vector<16xi32>
      %swap3A_93 = arith.constant 64 : index
      %swap3A_94 = tpu.vector_load %arg10[%swap3A_93] {strides = array<i32>} : memref<400xi32, #tpu.memory_space<vmem>>, vector<16xi32>,
      %swap3A_95 = vector.shape_cast %swap3A_94 : vector<16xi32> to vector<16xi32>
      %swap3A_96 = vector.shape_cast %get3A_92 : vector<16xi32> to vector<16xi32>
      tpu.vector_store %arg10[%swap3A_93], %swap3A_96 {strides = array<i32>} : memref<400xi32, #tpu.memory_space<vmem>>, vector<16xi32>,
      %add3A_97 = arith.constant 64 : i32
      %add3A_98 = arith.addi %mul3A_17, %add3A_97 : i32
      %get3A_99 = arith.index_cast %add3A_98 : i32 to index
      %get3A_100 = tpu.vector_load %arg8[%get3A_99] {strides = array<i32>} : memref<10000xi32, #tpu.memory_space<vmem>>, vector<16xi32>,
      %get3A_101 = vector.shape_cast %get3A_100 : vector<16xi32> to vector<16xi32>
      %swap3A_102 = arith.constant 64 : index
      %swap3A_103 = tpu.vector_load %arg11[%swap3A_102] {strides = array<i32>} : memref<400xi32, #tpu.memory_space<vmem>>, vector<16xi32>,
      %swap3A_104 = vector.shape_cast %swap3A_103 : vector<16xi32> to vector<16xi32>
      %swap3A_105 = vector.shape_cast %get3A_101 : vector<16xi32> to vector<16xi32>
      tpu.vector_store %arg11[%swap3A_102], %swap3A_105 {strides = array<i32>} : memref<400xi32, #tpu.memory_space<vmem>>, vector<16xi32>,
      %add3A_106 = arith.constant 80 : i32
      %add3A_107 = arith.addi %mul3A_17, %add3A_106 : i32
      %get3A_108 = arith.index_cast %add3A_107 : i32 to index
      %get3A_109 = tpu.vector_load %arg7[%get3A_108] {strides = array<i32>} : memref<10000xi32, #tpu.memory_space<vmem>>, vector<16xi32>,
      %get3A_110 = vector.shape_cast %get3A_109 : vector<16xi32> to vector<16xi32>
      %swap3A_111 = arith.constant 80 : index
      %swap3A_112 = tpu.vector_load %arg10[%swap3A_111] {strides = array<i32>} : memref<400xi32, #tpu.memory_space<vmem>>, vector<16xi32>,
      %swap3A_113 = vector.shape_cast %swap3A_112 : vector<16xi32> to vector<16xi32>
      %swap3A_114 = vector.shape_cast %get3A_110 : vector<16xi32> to vector<16xi32>
      tpu.vector_store %arg10[%swap3A_111], %swap3A_114 {strides = array<i32>} : memref<400xi32, #tpu.memory_space<vmem>>, vector<16xi32>,
      %add3A_115 = arith.constant 80 : i32
      %add3A_116 = arith.addi %mul3A_17, %add3A_115 : i32
      %get3A_117 = arith.index_cast %add3A_116 : i32 to index
      %get3A_118 = tpu.vector_load %arg8[%get3A_117] {strides = array<i32>} : memref<10000xi32, #tpu.memory_space<vmem>>, vector<16xi32>,
      %get3A_119 = vector.shape_cast %get3A_118 : vector<16xi32> to vector<16xi32>
      %swap3A_120 = arith.constant 80 : index
      %swap3A_121 = tpu.vector_load %arg11[%swap3A_120] {strides = array<i32>} : memref<400xi32, #tpu.memory_space<vmem>>, vector<16xi32>,
      %swap3A_122 = vector.shape_cast %swap3A_121 : vector<16xi32> to vector<16xi32>
      %swap3A_123 = vector.shape_cast %get3A_119 : vector<16xi32> to vector<16xi32>
      tpu.vector_store %arg11[%swap3A_120], %swap3A_123 {strides = array<i32>} : memref<400xi32, #tpu.memory_space<vmem>>, vector<16xi32>,
      %add3A_124 = arith.constant 96 : i32
      %add3A_125 = arith.addi %mul3A_17, %add3A_124 : i32
      %get3A_126 = arith.index_cast %add3A_125 : i32 to index
      %get3A_127 = tpu.vector_load %arg7[%get3A_126] {strides = array<i32>} : memref<10000xi32, #tpu.memory_space<vmem>>, vector<16xi32>,
      %get3A_128 = vector.shape_cast %get3A_127 : vector<16xi32> to vector<16xi32>
      %swap3A_129 = arith.constant 96 : index
      %swap3A_130 = tpu.vector_load %arg10[%swap3A_129] {strides = array<i32>} : memref<400xi32, #tpu.memory_space<vmem>>, vector<16xi32>,
      %swap3A_131 = vector.shape_cast %swap3A_130 : vector<16xi32> to vector<16xi32>
      %swap3A_132 = vector.shape_cast %get3A_128 : vector<16xi32> to vector<16xi32>
      tpu.vector_store %arg10[%swap3A_129], %swap3A_132 {strides = array<i32>} : memref<400xi32, #tpu.memory_space<vmem>>, vector<16xi32>,
      %add3A_133 = arith.constant 96 : i32
      %add3A_134 = arith.addi %mul3A_17, %add3A_133 : i32
      %get3A_135 = arith.index_cast %add3A_134 : i32 to index
      %get3A_136 = tpu.vector_load %arg8[%get3A_135] {strides = array<i32>} : memref<10000xi32, #tpu.memory_space<vmem>>, vector<16xi32>,
      %get3A_137 = vector.shape_cast %get3A_136 : vector<16xi32> to vector<16xi32>
      %swap3A_138 = arith.constant 96 : index
      %swap3A_139 = tpu.vector_load %arg11[%swap3A_138] {strides = array<i32>} : memref<400xi32, #tpu.memory_space<vmem>>, vector<16xi32>,
      %swap3A_140 = vector.shape_cast %swap3A_139 : vector<16xi32> to vector<16xi32>
      %swap3A_141 = vector.shape_cast %get3A_137 : vector<16xi32> to vector<16xi32>
      tpu.vector_store %arg11[%swap3A_138], %swap3A_141 {strides = array<i32>} : memref<400xi32, #tpu.memory_space<vmem>>, vector<16xi32>,
      %add3A_142 = arith.constant 112 : i32
      %add3A_143 = arith.addi %mul3A_17, %add3A_142 : i32
      %get3A_144 = arith.index_cast %add3A_143 : i32 to index
      %get3A_145 = tpu.vector_load %arg7[%get3A_144] {strides = array<i32>} : memref<10000xi32, #tpu.memory_space<vmem>>, vector<16xi32>,
      %get3A_146 = vector.shape_cast %get3A_145 : vector<16xi32> to vector<16xi32>
      %swap3A_147 = arith.constant 112 : index
      %swap3A_148 = tpu.vector_load %arg10[%swap3A_147] {strides = array<i32>} : memref<400xi32, #tpu.memory_space<vmem>>, vector<16xi32>,
      %swap3A_149 = vector.shape_cast %swap3A_148 : vector<16xi32> to vector<16xi32>
      %swap3A_150 = vector.shape_cast %get3A_146 : vector<16xi32> to vector<16xi32>
      tpu.vector_store %arg10[%swap3A_147], %swap3A_150 {strides = array<i32>} : memref<400xi32, #tpu.memory_space<vmem>>, vector<16xi32>,
      %add3A_151 = arith.constant 112 : i32
      %add3A_152 = arith.addi %mul3A_17, %add3A_151 : i32
      %get3A_153 = arith.index_cast %add3A_152 : i32 to index
      %get3A_154 = tpu.vector_load %arg8[%get3A_153] {strides = array<i32>} : memref<10000xi32, #tpu.memory_space<vmem>>, vector<16xi32>,
      %get3A_155 = vector.shape_cast %get3A_154 : vector<16xi32> to vector<16xi32>
      %swap3A_156 = arith.constant 112 : index
      %swap3A_157 = tpu.vector_load %arg11[%swap3A_156] {strides = array<i32>} : memref<400xi32, #tpu.memory_space<vmem>>, vector<16xi32>,
      %swap3A_158 = vector.shape_cast %swap3A_157 : vector<16xi32> to vector<16xi32>
      %swap3A_159 = vector.shape_cast %get3A_155 : vector<16xi32> to vector<16xi32>
      tpu.vector_store %arg11[%swap3A_156], %swap3A_159 {strides = array<i32>} : memref<400xi32, #tpu.memory_space<vmem>>, vector<16xi32>,
      %add3A_160 = arith.constant 128 : i32
      %add3A_161 = arith.addi %mul3A_17, %add3A_160 : i32
      %get3A_162 = arith.index_cast %add3A_161 : i32 to index
      %get3A_163 = tpu.vector_load %arg7[%get3A_162] {strides = array<i32>} : memref<10000xi32, #tpu.memory_space<vmem>>, vector<16xi32>,
      %get3A_164 = vector.shape_cast %get3A_163 : vector<16xi32> to vector<16xi32>
      %swap3A_165 = arith.constant 128 : index
      %swap3A_166 = tpu.vector_load %arg10[%swap3A_165] {strides = array<i32>} : memref<400xi32, #tpu.memory_space<vmem>>, vector<16xi32>,
      %swap3A_167 = vector.shape_cast %swap3A_166 : vector<16xi32> to vector<16xi32>
      %swap3A_168 = vector.shape_cast %get3A_164 : vector<16xi32> to vector<16xi32>
      tpu.vector_store %arg10[%swap3A_165], %swap3A_168 {strides = array<i32>} : memref<400xi32, #tpu.memory_space<vmem>>, vector<16xi32>,
      %add3A_169 = arith.constant 128 : i32
      %add3A_170 = arith.addi %mul3A_17, %add3A_169 : i32
      %get3A_171 = arith.index_cast %add3A_170 : i32 to index
      %get3A_172 = tpu.vector_load %arg8[%get3A_171] {strides = array<i32>} : memref<10000xi32, #tpu.memory_space<vmem>>, vector<16xi32>,
      %get3A_173 = vector.shape_cast %get3A_172 : vector<16xi32> to vector<16xi32>
      %swap3A_174 = arith.constant 128 : index
      %swap3A_175 = tpu.vector_load %arg11[%swap3A_174] {strides = array<i32>} : memref<400xi32, #tpu.memory_space<vmem>>, vector<16xi32>,
      %swap3A_176 = vector.shape_cast %swap3A_175 : vector<16xi32> to vector<16xi32>
      %swap3A_177 = vector.shape_cast %get3A_173 : vector<16xi32> to vector<16xi32>
      tpu.vector_store %arg11[%swap3A_174], %swap3A_177 {strides = array<i32>} : memref<400xi32, #tpu.memory_space<vmem>>, vector<16xi32>,
      %add3A_178 = arith.constant 144 : i32
      %add3A_179 = arith.addi %mul3A_17, %add3A_178 : i32
      %get3A_180 = arith.index_cast %add3A_179 : i32 to index
      %get3A_181 = tpu.vector_load %arg7[%get3A_180] {strides = array<i32>} : memref<10000xi32, #tpu.memory_space<vmem>>, vector<16xi32>,
      %get3A_182 = vector.shape_cast %get3A_181 : vector<16xi32> to vector<16xi32>
      %swap3A_183 = arith.constant 144 : index
      %swap3A_184 = tpu.vector_load %arg10[%swap3A_183] {strides = array<i32>} : memref<400xi32, #tpu.memory_space<vmem>>, vector<16xi32>,
      %swap3A_185 = vector.shape_cast %swap3A_184 : vector<16xi32> to vector<16xi32>
      %swap3A_186 = vector.shape_cast %get3A_182 : vector<16xi32> to vector<16xi32>
      tpu.vector_store %arg10[%swap3A_183], %swap3A_186 {strides = array<i32>} : memref<400xi32, #tpu.memory_space<vmem>>, vector<16xi32>,
      %add3A_187 = arith.constant 144 : i32
      %add3A_188 = arith.addi %mul3A_17, %add3A_187 : i32
      %get3A_189 = arith.index_cast %add3A_188 : i32 to index
      %get3A_190 = tpu.vector_load %arg8[%get3A_189] {strides = array<i32>} : memref<10000xi32, #tpu.memory_space<vmem>>, vector<16xi32>,
      %get3A_191 = vector.shape_cast %get3A_190 : vector<16xi32> to vector<16xi32>
      %swap3A_192 = arith.constant 144 : index
      %swap3A_193 = tpu.vector_load %arg11[%swap3A_192] {strides = array<i32>} : memref<400xi32, #tpu.memory_space<vmem>>, vector<16xi32>,
      %swap3A_194 = vector.shape_cast %swap3A_193 : vector<16xi32> to vector<16xi32>
      %swap3A_195 = vector.shape_cast %get3A_191 : vector<16xi32> to vector<16xi32>
      tpu.vector_store %arg11[%swap3A_192], %swap3A_195 {strides = array<i32>} : memref<400xi32, #tpu.memory_space<vmem>>, vector<16xi32>,
      %add3A_196 = arith.constant 160 : i32
      %add3A_197 = arith.addi %mul3A_17, %add3A_196 : i32
      %get3A_198 = arith.index_cast %add3A_197 : i32 to index
      %get3A_199 = tpu.vector_load %arg7[%get3A_198] {strides = array<i32>} : memref<10000xi32, #tpu.memory_space<vmem>>, vector<16xi32>,
      %get3A_200 = vector.shape_cast %get3A_199 : vector<16xi32> to vector<16xi32>
      %swap3A_201 = arith.constant 160 : index
      %swap3A_202 = tpu.vector_load %arg10[%swap3A_201] {strides = array<i32>} : memref<400xi32, #tpu.memory_space<vmem>>, vector<16xi32>,
      %swap3A_203 = vector.shape_cast %swap3A_202 : vector<16xi32> to vector<16xi32>
      %swap3A_204 = vector.shape_cast %get3A_200 : vector<16xi32> to vector<16xi32>
      tpu.vector_store %arg10[%swap3A_201], %swap3A_204 {strides = array<i32>} : memref<400xi32, #tpu.memory_space<vmem>>, vector<16xi32>,
      %add3A_205 = arith.constant 160 : i32
      %add3A_206 = arith.addi %mul3A_17, %add3A_205 : i32
      %get3A_207 = arith.index_cast %add3A_206 : i32 to index
      %get3A_208 = tpu.vector_load %arg8[%get3A_207] {strides = array<i32>} : memref<10000xi32, #tpu.memory_space<vmem>>, vector<16xi32>,
      %get3A_209 = vector.shape_cast %get3A_208 : vector<16xi32> to vector<16xi32>
      %swap3A_210 = arith.constant 160 : index
      %swap3A_211 = tpu.vector_load %arg11[%swap3A_210] {strides = array<i32>} : memref<400xi32, #tpu.memory_space<vmem>>, vector<16xi32>,
      %swap3A_212 = vector.shape_cast %swap3A_211 : vector<16xi32> to vector<16xi32>
      %swap3A_213 = vector.shape_cast %get3A_209 : vector<16xi32> to vector<16xi32>
      tpu.vector_store %arg11[%swap3A_210], %swap3A_213 {strides = array<i32>} : memref<400xi32, #tpu.memory_space<vmem>>, vector<16xi32>,
      %add3A_214 = arith.constant 176 : i32
      %add3A_215 = arith.addi %mul3A_17, %add3A_214 : i32
      %get3A_216 = arith.index_cast %add3A_215 : i32 to index
      %get3A_217 = tpu.vector_load %arg7[%get3A_216] {strides = array<i32>} : memref<10000xi32, #tpu.memory_space<vmem>>, vector<16xi32>,
      %get3A_218 = vector.shape_cast %get3A_217 : vector<16xi32> to vector<16xi32>
      %swap3A_219 = arith.constant 176 : index
      %swap3A_220 = tpu.vector_load %arg10[%swap3A_219] {strides = array<i32>} : memref<400xi32, #tpu.memory_space<vmem>>, vector<16xi32>,
      %swap3A_221 = vector.shape_cast %swap3A_220 : vector<16xi32> to vector<16xi32>
      %swap3A_222 = vector.shape_cast %get3A_218 : vector<16xi32> to vector<16xi32>
      tpu.vector_store %arg10[%swap3A_219], %swap3A_222 {strides = array<i32>} : memref<400xi32, #tpu.memory_space<vmem>>, vector<16xi32>,
      %add3A_223 = arith.constant 176 : i32
      %add3A_224 = arith.addi %mul3A_17, %add3A_223 : i32
      %get3A_225 = arith.index_cast %add3A_224 : i32 to index
      %get3A_226 = tpu.vector_load %arg8[%get3A_225] {strides = array<i32>} : memref<10000xi32, #tpu.memory_space<vmem>>, vector<16xi32>,
      %get3A_227 = vector.shape_cast %get3A_226 : vector<16xi32> to vector<16xi32>
      %swap3A_228 = arith.constant 176 : index
      %swap3A_229 = tpu.vector_load %arg11[%swap3A_228] {strides = array<i32>} : memref<400xi32, #tpu.memory_space<vmem>>, vector<16xi32>,
      %swap3A_230 = vector.shape_cast %swap3A_229 : vector<16xi32> to vector<16xi32>
      %swap3A_231 = vector.shape_cast %get3A_227 : vector<16xi32> to vector<16xi32>
      tpu.vector_store %arg11[%swap3A_228], %swap3A_231 {strides = array<i32>} : memref<400xi32, #tpu.memory_space<vmem>>, vector<16xi32>,
      %add3A_232 = arith.constant 192 : i32
      %add3A_233 = arith.addi %mul3A_17, %add3A_232 : i32
      %get3A_234 = arith.index_cast %add3A_233 : i32 to index
      %get3A_235 = tpu.vector_load %arg7[%get3A_234] {strides = array<i32>} : memref<10000xi32, #tpu.memory_space<vmem>>, vector<16xi32>,
      %get3A_236 = vector.shape_cast %get3A_235 : vector<16xi32> to vector<16xi32>
      %swap3A_237 = arith.constant 192 : index
      %swap3A_238 = tpu.vector_load %arg10[%swap3A_237] {strides = array<i32>} : memref<400xi32, #tpu.memory_space<vmem>>, vector<16xi32>,
      %swap3A_239 = vector.shape_cast %swap3A_238 : vector<16xi32> to vector<16xi32>
      %swap3A_240 = vector.shape_cast %get3A_236 : vector<16xi32> to vector<16xi32>
      tpu.vector_store %arg10[%swap3A_237], %swap3A_240 {strides = array<i32>} : memref<400xi32, #tpu.memory_space<vmem>>, vector<16xi32>,
      %add3A_241 = arith.constant 192 : i32
      %add3A_242 = arith.addi %mul3A_17, %add3A_241 : i32
      %get3A_243 = arith.index_cast %add3A_242 : i32 to index
      %get3A_244 = tpu.vector_load %arg8[%get3A_243] {strides = array<i32>} : memref<10000xi32, #tpu.memory_space<vmem>>, vector<16xi32>,
      %get3A_245 = vector.shape_cast %get3A_244 : vector<16xi32> to vector<16xi32>
      %swap3A_246 = arith.constant 192 : index
      %swap3A_247 = tpu.vector_load %arg11[%swap3A_246] {strides = array<i32>} : memref<400xi32, #tpu.memory_space<vmem>>, vector<16xi32>,
      %swap3A_248 = vector.shape_cast %swap3A_247 : vector<16xi32> to vector<16xi32>
      %swap3A_249 = vector.shape_cast %get3A_245 : vector<16xi32> to vector<16xi32>
      tpu.vector_store %arg11[%swap3A_246], %swap3A_249 {strides = array<i32>} : memref<400xi32, #tpu.memory_space<vmem>>, vector<16xi32>,
      %add3A_250 = arith.constant 208 : i32
      %add3A_251 = arith.addi %mul3A_17, %add3A_250 : i32
      %get3A_252 = arith.index_cast %add3A_251 : i32 to index
      %get3A_253 = tpu.vector_load %arg7[%get3A_252] {strides = array<i32>} : memref<10000xi32, #tpu.memory_space<vmem>>, vector<16xi32>,
      %get3A_254 = vector.shape_cast %get3A_253 : vector<16xi32> to vector<16xi32>
      %swap3A_255 = arith.constant 208 : index
      %swap3A_256 = tpu.vector_load %arg10[%swap3A_255] {strides = array<i32>} : memref<400xi32, #tpu.memory_space<vmem>>, vector<16xi32>,
      %swap3A_257 = vector.shape_cast %swap3A_256 : vector<16xi32> to vector<16xi32>
      %swap3A_258 = vector.shape_cast %get3A_254 : vector<16xi32> to vector<16xi32>
      tpu.vector_store %arg10[%swap3A_255], %swap3A_258 {strides = array<i32>} : memref<400xi32, #tpu.memory_space<vmem>>, vector<16xi32>,
      %add3A_259 = arith.constant 208 : i32
      %add3A_260 = arith.addi %mul3A_17, %add3A_259 : i32
      %get3A_261 = arith.index_cast %add3A_260 : i32 to index
      %get3A_262 = tpu.vector_load %arg8[%get3A_261] {strides = array<i32>} : memref<10000xi32, #tpu.memory_space<vmem>>, vector<16xi32>,
      %get3A_263 = vector.shape_cast %get3A_262 : vector<16xi32> to vector<16xi32>
      %swap3A_264 = arith.constant 208 : index
      %swap3A_265 = tpu.vector_load %arg11[%swap3A_264] {strides = array<i32>} : memref<400xi32, #tpu.memory_space<vmem>>, vector<16xi32>,
      %swap3A_266 = vector.shape_cast %swap3A_265 : vector<16xi32> to vector<16xi32>
      %swap3A_267 = vector.shape_cast %get3A_263 : vector<16xi32> to vector<16xi32>
      tpu.vector_store %arg11[%swap3A_264], %swap3A_267 {strides = array<i32>} : memref<400xi32, #tpu.memory_space<vmem>>, vector<16xi32>,
      %add3A_268 = arith.constant 224 : i32
      %add3A_269 = arith.addi %mul3A_17, %add3A_268 : i32
      %get3A_270 = arith.index_cast %add3A_269 : i32 to index
      %get3A_271 = tpu.vector_load %arg7[%get3A_270] {strides = array<i32>} : memref<10000xi32, #tpu.memory_space<vmem>>, vector<16xi32>,
      %get3A_272 = vector.shape_cast %get3A_271 : vector<16xi32> to vector<16xi32>
      %swap3A_273 = arith.constant 224 : index
      %swap3A_274 = tpu.vector_load %arg10[%swap3A_273] {strides = array<i32>} : memref<400xi32, #tpu.memory_space<vmem>>, vector<16xi32>,
      %swap3A_275 = vector.shape_cast %swap3A_274 : vector<16xi32> to vector<16xi32>
      %swap3A_276 = vector.shape_cast %get3A_272 : vector<16xi32> to vector<16xi32>
      tpu.vector_store %arg10[%swap3A_273], %swap3A_276 {strides = array<i32>} : memref<400xi32, #tpu.memory_space<vmem>>, vector<16xi32>,
      %add3A_277 = arith.constant 224 : i32
      %add3A_278 = arith.addi %mul3A_17, %add3A_277 : i32
      %get3A_279 = arith.index_cast %add3A_278 : i32 to index
      %get3A_280 = tpu.vector_load %arg8[%get3A_279] {strides = array<i32>} : memref<10000xi32, #tpu.memory_space<vmem>>, vector<16xi32>,
      %get3A_281 = vector.shape_cast %get3A_280 : vector<16xi32> to vector<16xi32>
      %swap3A_282 = arith.constant 224 : index
      %swap3A_283 = tpu.vector_load %arg11[%swap3A_282] {strides = array<i32>} : memref<400xi32, #tpu.memory_space<vmem>>, vector<16xi32>,
      %swap3A_284 = vector.shape_cast %swap3A_283 : vector<16xi32> to vector<16xi32>
      %swap3A_285 = vector.shape_cast %get3A_281 : vector<16xi32> to vector<16xi32>
      tpu.vector_store %arg11[%swap3A_282], %swap3A_285 {strides = array<i32>} : memref<400xi32, #tpu.memory_space<vmem>>, vector<16xi32>,
      %add3A_286 = arith.constant 240 : i32
      %add3A_287 = arith.addi %mul3A_17, %add3A_286 : i32
      %get3A_288 = arith.index_cast %add3A_287 : i32 to index
      %get3A_289 = tpu.vector_load %arg7[%get3A_288] {strides = array<i32>} : memref<10000xi32, #tpu.memory_space<vmem>>, vector<16xi32>,
      %get3A_290 = vector.shape_cast %get3A_289 : vector<16xi32> to vector<16xi32>
      %swap3A_291 = arith.constant 240 : index
      %swap3A_292 = tpu.vector_load %arg10[%swap3A_291] {strides = array<i32>} : memref<400xi32, #tpu.memory_space<vmem>>, vector<16xi32>,
      %swap3A_293 = vector.shape_cast %swap3A_292 : vector<16xi32> to vector<16xi32>
      %swap3A_294 = vector.shape_cast %get3A_290 : vector<16xi32> to vector<16xi32>
      tpu.vector_store %arg10[%swap3A_291], %swap3A_294 {strides = array<i32>} : memref<400xi32, #tpu.memory_space<vmem>>, vector<16xi32>,
      %add3A_295 = arith.constant 240 : i32
      %add3A_296 = arith.addi %mul3A_17, %add3A_295 : i32
      %get3A_297 = arith.index_cast %add3A_296 : i32 to index
      %get3A_298 = tpu.vector_load %arg8[%get3A_297] {strides = array<i32>} : memref<10000xi32, #tpu.memory_space<vmem>>, vector<16xi32>,
      %get3A_299 = vector.shape_cast %get3A_298 : vector<16xi32> to vector<16xi32>
      %swap3A_300 = arith.constant 240 : index
      %swap3A_301 = tpu.vector_load %arg11[%swap3A_300] {strides = array<i32>} : memref<400xi32, #tpu.memory_space<vmem>>, vector<16xi32>,
      %swap3A_302 = vector.shape_cast %swap3A_301 : vector<16xi32> to vector<16xi32>
      %swap3A_303 = vector.shape_cast %get3A_299 : vector<16xi32> to vector<16xi32>
      tpu.vector_store %arg11[%swap3A_300], %swap3A_303 {strides = array<i32>} : memref<400xi32, #tpu.memory_space<vmem>>, vector<16xi32>,
      %add3A_304 = arith.constant 256 : i32
      %add3A_305 = arith.addi %mul3A_17, %add3A_304 : i32
      %get3A_306 = arith.index_cast %add3A_305 : i32 to index
      %get3A_307 = tpu.vector_load %arg7[%get3A_306] {strides = array<i32>} : memref<10000xi32, #tpu.memory_space<vmem>>, vector<16xi32>,
      %get3A_308 = vector.shape_cast %get3A_307 : vector<16xi32> to vector<16xi32>
      %swap3A_309 = arith.constant 256 : index
      %swap3A_310 = tpu.vector_load %arg10[%swap3A_309] {strides = array<i32>} : memref<400xi32, #tpu.memory_space<vmem>>, vector<16xi32>,
      %swap3A_311 = vector.shape_cast %swap3A_310 : vector<16xi32> to vector<16xi32>
      %swap3A_312 = vector.shape_cast %get3A_308 : vector<16xi32> to vector<16xi32>
      tpu.vector_store %arg10[%swap3A_309], %swap3A_312 {strides = array<i32>} : memref<400xi32, #tpu.memory_space<vmem>>, vector<16xi32>,
      %add3A_313 = arith.constant 256 : i32
      %add3A_314 = arith.addi %mul3A_17, %add3A_313 : i32
      %get3A_315 = arith.index_cast %add3A_314 : i32 to index
      %get3A_316 = tpu.vector_load %arg8[%get3A_315] {strides = array<i32>} : memref<10000xi32, #tpu.memory_space<vmem>>, vector<16xi32>,
      %get3A_317 = vector.shape_cast %get3A_316 : vector<16xi32> to vector<16xi32>
      %swap3A_318 = arith.constant 256 : index
      %swap3A_319 = tpu.vector_load %arg11[%swap3A_318] {strides = array<i32>} : memref<400xi32, #tpu.memory_space<vmem>>, vector<16xi32>,
      %swap3A_320 = vector.shape_cast %swap3A_319 : vector<16xi32> to vector<16xi32>
      %swap3A_321 = vector.shape_cast %get3A_317 : vector<16xi32> to vector<16xi32>
      tpu.vector_store %arg11[%swap3A_318], %swap3A_321 {strides = array<i32>} : memref<400xi32, #tpu.memory_space<vmem>>, vector<16xi32>,
      %add3A_322 = arith.constant 272 : i32
      %add3A_323 = arith.addi %mul3A_17, %add3A_322 : i32
      %get3A_324 = arith.index_cast %add3A_323 : i32 to index
      %get3A_325 = tpu.vector_load %arg7[%get3A_324] {strides = array<i32>} : memref<10000xi32, #tpu.memory_space<vmem>>, vector<16xi32>,
      %get3A_326 = vector.shape_cast %get3A_325 : vector<16xi32> to vector<16xi32>
      %swap3A_327 = arith.constant 272 : index
      %swap3A_328 = tpu.vector_load %arg10[%swap3A_327] {strides = array<i32>} : memref<400xi32, #tpu.memory_space<vmem>>, vector<16xi32>,
      %swap3A_329 = vector.shape_cast %swap3A_328 : vector<16xi32> to vector<16xi32>
      %swap3A_330 = vector.shape_cast %get3A_326 : vector<16xi32> to vector<16xi32>
      tpu.vector_store %arg10[%swap3A_327], %swap3A_330 {strides = array<i32>} : memref<400xi32, #tpu.memory_space<vmem>>, vector<16xi32>,
      %add3A_331 = arith.constant 272 : i32
      %add3A_332 = arith.addi %mul3A_17, %add3A_331 : i32
      %get3A_333 = arith.index_cast %add3A_332 : i32 to index
      %get3A_334 = tpu.vector_load %arg8[%get3A_333] {strides = array<i32>} : memref<10000xi32, #tpu.memory_space<vmem>>, vector<16xi32>,
      %get3A_335 = vector.shape_cast %get3A_334 : vector<16xi32> to vector<16xi32>
      %swap3A_336 = arith.constant 272 : index
      %swap3A_337 = tpu.vector_load %arg11[%swap3A_336] {strides = array<i32>} : memref<400xi32, #tpu.memory_space<vmem>>, vector<16xi32>,
      %swap3A_338 = vector.shape_cast %swap3A_337 : vector<16xi32> to vector<16xi32>
      %swap3A_339 = vector.shape_cast %get3A_335 : vector<16xi32> to vector<16xi32>
      tpu.vector_store %arg11[%swap3A_336], %swap3A_339 {strides = array<i32>} : memref<400xi32, #tpu.memory_space<vmem>>, vector<16xi32>,
      %add3A_340 = arith.constant 288 : i32
      %add3A_341 = arith.addi %mul3A_17, %add3A_340 : i32
      %get3A_342 = arith.index_cast %add3A_341 : i32 to index
      %get3A_343 = tpu.vector_load %arg7[%get3A_342] {strides = array<i32>} : memref<10000xi32, #tpu.memory_space<vmem>>, vector<16xi32>,
      %get3A_344 = vector.shape_cast %get3A_343 : vector<16xi32> to vector<16xi32>
      %swap3A_345 = arith.constant 288 : index
      %swap3A_346 = tpu.vector_load %arg10[%swap3A_345] {strides = array<i32>} : memref<400xi32, #tpu.memory_space<vmem>>, vector<16xi32>,
      %swap3A_347 = vector.shape_cast %swap3A_346 : vector<16xi32> to vector<16xi32>
      %swap3A_348 = vector.shape_cast %get3A_344 : vector<16xi32> to vector<16xi32>
      tpu.vector_store %arg10[%swap3A_345], %swap3A_348 {strides = array<i32>} : memref<400xi32, #tpu.memory_space<vmem>>, vector<16xi32>,
      %add3A_349 = arith.constant 288 : i32
      %add3A_350 = arith.addi %mul3A_17, %add3A_349 : i32
      %get3A_351 = arith.index_cast %add3A_350 : i32 to index
      %get3A_352 = tpu.vector_load %arg8[%get3A_351] {strides = array<i32>} : memref<10000xi32, #tpu.memory_space<vmem>>, vector<16xi32>,
      %get3A_353 = vector.shape_cast %get3A_352 : vector<16xi32> to vector<16xi32>
      %swap3A_354 = arith.constant 288 : index
      %swap3A_355 = tpu.vector_load %arg11[%swap3A_354] {strides = array<i32>} : memref<400xi32, #tpu.memory_space<vmem>>, vector<16xi32>,
      %swap3A_356 = vector.shape_cast %swap3A_355 : vector<16xi32> to vector<16xi32>
      %swap3A_357 = vector.shape_cast %get3A_353 : vector<16xi32> to vector<16xi32>
      tpu.vector_store %arg11[%swap3A_354], %swap3A_357 {strides = array<i32>} : memref<400xi32, #tpu.memory_space<vmem>>, vector<16xi32>,
      %add3A_358 = arith.constant 304 : i32
      %add3A_359 = arith.addi %mul3A_17, %add3A_358 : i32
      %get3A_360 = arith.index_cast %add3A_359 : i32 to index
      %get3A_361 = tpu.vector_load %arg7[%get3A_360] {strides = array<i32>} : memref<10000xi32, #tpu.memory_space<vmem>>, vector<16xi32>,
      %get3A_362 = vector.shape_cast %get3A_361 : vector<16xi32> to vector<16xi32>
      %swap3A_363 = arith.constant 304 : index
      %swap3A_364 = tpu.vector_load %arg10[%swap3A_363] {strides = array<i32>} : memref<400xi32, #tpu.memory_space<vmem>>, vector<16xi32>,
      %swap3A_365 = vector.shape_cast %swap3A_364 : vector<16xi32> to vector<16xi32>
      %swap3A_366 = vector.shape_cast %get3A_362 : vector<16xi32> to vector<16xi32>
      tpu.vector_store %arg10[%swap3A_363], %swap3A_366 {strides = array<i32>} : memref<400xi32, #tpu.memory_space<vmem>>, vector<16xi32>,
      %add3A_367 = arith.constant 304 : i32
      %add3A_368 = arith.addi %mul3A_17, %add3A_367 : i32
      %get3A_369 = arith.index_cast %add3A_368 : i32 to index
      %get3A_370 = tpu.vector_load %arg8[%get3A_369] {strides = array<i32>} : memref<10000xi32, #tpu.memory_space<vmem>>, vector<16xi32>,
      %get3A_371 = vector.shape_cast %get3A_370 : vector<16xi32> to vector<16xi32>
      %swap3A_372 = arith.constant 304 : index
      %swap3A_373 = tpu.vector_load %arg11[%swap3A_372] {strides = array<i32>} : memref<400xi32, #tpu.memory_space<vmem>>, vector<16xi32>,
      %swap3A_374 = vector.shape_cast %swap3A_373 : vector<16xi32> to vector<16xi32>
      %swap3A_375 = vector.shape_cast %get3A_371 : vector<16xi32> to vector<16xi32>
      tpu.vector_store %arg11[%swap3A_372], %swap3A_375 {strides = array<i32>} : memref<400xi32, #tpu.memory_space<vmem>>, vector<16xi32>,
      %add3A_376 = arith.constant 320 : i32
      %add3A_377 = arith.addi %mul3A_17, %add3A_376 : i32
      %get3A_378 = arith.index_cast %add3A_377 : i32 to index
      %get3A_379 = tpu.vector_load %arg7[%get3A_378] {strides = array<i32>} : memref<10000xi32, #tpu.memory_space<vmem>>, vector<16xi32>,
      %get3A_380 = vector.shape_cast %get3A_379 : vector<16xi32> to vector<16xi32>
      %swap3A_381 = arith.constant 320 : index
      %swap3A_382 = tpu.vector_load %arg10[%swap3A_381] {strides = array<i32>} : memref<400xi32, #tpu.memory_space<vmem>>, vector<16xi32>,
      %swap3A_383 = vector.shape_cast %swap3A_382 : vector<16xi32> to vector<16xi32>
      %swap3A_384 = vector.shape_cast %get3A_380 : vector<16xi32> to vector<16xi32>
      tpu.vector_store %arg10[%swap3A_381], %swap3A_384 {strides = array<i32>} : memref<400xi32, #tpu.memory_space<vmem>>, vector<16xi32>,
      %add3A_385 = arith.constant 320 : i32
      %add3A_386 = arith.addi %mul3A_17, %add3A_385 : i32
      %get3A_387 = arith.index_cast %add3A_386 : i32 to index
      %get3A_388 = tpu.vector_load %arg8[%get3A_387] {strides = array<i32>} : memref<10000xi32, #tpu.memory_space<vmem>>, vector<16xi32>,
      %get3A_389 = vector.shape_cast %get3A_388 : vector<16xi32> to vector<16xi32>
      %swap3A_390 = arith.constant 320 : index
      %swap3A_391 = tpu.vector_load %arg11[%swap3A_390] {strides = array<i32>} : memref<400xi32, #tpu.memory_space<vmem>>, vector<16xi32>,
      %swap3A_392 = vector.shape_cast %swap3A_391 : vector<16xi32> to vector<16xi32>
      %swap3A_393 = vector.shape_cast %get3A_389 : vector<16xi32> to vector<16xi32>
      tpu.vector_store %arg11[%swap3A_390], %swap3A_393 {strides = array<i32>} : memref<400xi32, #tpu.memory_space<vmem>>, vector<16xi32>,
      %add3A_394 = arith.constant 336 : i32
      %add3A_395 = arith.addi %mul3A_17, %add3A_394 : i32
      %get3A_396 = arith.index_cast %add3A_395 : i32 to index
      %get3A_397 = tpu.vector_load %arg7[%get3A_396] {strides = array<i32>} : memref<10000xi32, #tpu.memory_space<vmem>>, vector<16xi32>,
      %get3A_398 = vector.shape_cast %get3A_397 : vector<16xi32> to vector<16xi32>
      %swap3A_399 = arith.constant 336 : index
      %swap3A_400 = tpu.vector_load %arg10[%swap3A_399] {strides = array<i32>} : memref<400xi32, #tpu.memory_space<vmem>>, vector<16xi32>,
      %swap3A_401 = vector.shape_cast %swap3A_400 : vector<16xi32> to vector<16xi32>
      %swap3A_402 = vector.shape_cast %get3A_398 : vector<16xi32> to vector<16xi32>
      tpu.vector_store %arg10[%swap3A_399], %swap3A_402 {strides = array<i32>} : memref<400xi32, #tpu.memory_space<vmem>>, vector<16xi32>,
      %add3A_403 = arith.constant 336 : i32
      %add3A_404 = arith.addi %mul3A_17, %add3A_403 : i32
      %get3A_405 = arith.index_cast %add3A_404 : i32 to index
      %get3A_406 = tpu.vector_load %arg8[%get3A_405] {strides = array<i32>} : memref<10000xi32, #tpu.memory_space<vmem>>, vector<16xi32>,
      %get3A_407 = vector.shape_cast %get3A_406 : vector<16xi32> to vector<16xi32>
      %swap3A_408 = arith.constant 336 : index
      %swap3A_409 = tpu.vector_load %arg11[%swap3A_408] {strides = array<i32>} : memref<400xi32, #tpu.memory_space<vmem>>, vector<16xi32>,
      %swap3A_410 = vector.shape_cast %swap3A_409 : vector<16xi32> to vector<16xi32>
      %swap3A_411 = vector.shape_cast %get3A_407 : vector<16xi32> to vector<16xi32>
      tpu.vector_store %arg11[%swap3A_408], %swap3A_411 {strides = array<i32>} : memref<400xi32, #tpu.memory_space<vmem>>, vector<16xi32>,
      %add3A_412 = arith.constant 352 : i32
      %add3A_413 = arith.addi %mul3A_17, %add3A_412 : i32
      %get3A_414 = arith.index_cast %add3A_413 : i32 to index
      %get3A_415 = tpu.vector_load %arg7[%get3A_414] {strides = array<i32>} : memref<10000xi32, #tpu.memory_space<vmem>>, vector<16xi32>,
      %get3A_416 = vector.shape_cast %get3A_415 : vector<16xi32> to vector<16xi32>
      %swap3A_417 = arith.constant 352 : index
      %swap3A_418 = tpu.vector_load %arg10[%swap3A_417] {strides = array<i32>} : memref<400xi32, #tpu.memory_space<vmem>>, vector<16xi32>,
      %swap3A_419 = vector.shape_cast %swap3A_418 : vector<16xi32> to vector<16xi32>
      %swap3A_420 = vector.shape_cast %get3A_416 : vector<16xi32> to vector<16xi32>
      tpu.vector_store %arg10[%swap3A_417], %swap3A_420 {strides = array<i32>} : memref<400xi32, #tpu.memory_space<vmem>>, vector<16xi32>,
      %add3A_421 = arith.constant 352 : i32
      %add3A_422 = arith.addi %mul3A_17, %add3A_421 : i32
      %get3A_423 = arith.index_cast %add3A_422 : i32 to index
      %get3A_424 = tpu.vector_load %arg8[%get3A_423] {strides = array<i32>} : memref<10000xi32, #tpu.memory_space<vmem>>, vector<16xi32>,
      %get3A_425 = vector.shape_cast %get3A_424 : vector<16xi32> to vector<16xi32>
      %swap3A_426 = arith.constant 352 : index
      %swap3A_427 = tpu.vector_load %arg11[%swap3A_426] {strides = array<i32>} : memref<400xi32, #tpu.memory_space<vmem>>, vector<16xi32>,
      %swap3A_428 = vector.shape_cast %swap3A_427 : vector<16xi32> to vector<16xi32>
      %swap3A_429 = vector.shape_cast %get3A_425 : vector<16xi32> to vector<16xi32>
      tpu.vector_store %arg11[%swap3A_426], %swap3A_429 {strides = array<i32>} : memref<400xi32, #tpu.memory_space<vmem>>, vector<16xi32>,
      %add3A_430 = arith.constant 368 : i32
      %add3A_431 = arith.addi %mul3A_17, %add3A_430 : i32
      %get3A_432 = arith.index_cast %add3A_431 : i32 to index
      %get3A_433 = tpu.vector_load %arg7[%get3A_432] {strides = array<i32>} : memref<10000xi32, #tpu.memory_space<vmem>>, vector<16xi32>,
      %get3A_434 = vector.shape_cast %get3A_433 : vector<16xi32> to vector<16xi32>
      %swap3A_435 = arith.constant 368 : index
      %swap3A_436 = tpu.vector_load %arg10[%swap3A_435] {strides = array<i32>} : memref<400xi32, #tpu.memory_space<vmem>>, vector<16xi32>,
      %swap3A_437 = vector.shape_cast %swap3A_436 : vector<16xi32> to vector<16xi32>
      %swap3A_438 = vector.shape_cast %get3A_434 : vector<16xi32> to vector<16xi32>
      tpu.vector_store %arg10[%swap3A_435], %swap3A_438 {strides = array<i32>} : memref<400xi32, #tpu.memory_space<vmem>>, vector<16xi32>,
      %add3A_439 = arith.constant 368 : i32
      %add3A_440 = arith.addi %mul3A_17, %add3A_439 : i32
      %get3A_441 = arith.index_cast %add3A_440 : i32 to index
      %get3A_442 = tpu.vector_load %arg8[%get3A_441] {strides = array<i32>} : memref<10000xi32, #tpu.memory_space<vmem>>, vector<16xi32>,
      %get3A_443 = vector.shape_cast %get3A_442 : vector<16xi32> to vector<16xi32>
      %swap3A_444 = arith.constant 368 : index
      %swap3A_445 = tpu.vector_load %arg11[%swap3A_444] {strides = array<i32>} : memref<400xi32, #tpu.memory_space<vmem>>, vector<16xi32>,
      %swap3A_446 = vector.shape_cast %swap3A_445 : vector<16xi32> to vector<16xi32>
      %swap3A_447 = vector.shape_cast %get3A_443 : vector<16xi32> to vector<16xi32>
      tpu.vector_store %arg11[%swap3A_444], %swap3A_447 {strides = array<i32>} : memref<400xi32, #tpu.memory_space<vmem>>, vector<16xi32>,
      %add3A_448 = arith.constant 384 : i32
      %add3A_449 = arith.addi %mul3A_17, %add3A_448 : i32
      %get3A_450 = arith.index_cast %add3A_449 : i32 to index
      %get3A_451 = tpu.vector_load %arg7[%get3A_450] {strides = array<i32>} : memref<10000xi32, #tpu.memory_space<vmem>>, vector<16xi32>,
      %get3A_452 = vector.shape_cast %get3A_451 : vector<16xi32> to vector<16xi32>
      %swap3A_453 = arith.constant 384 : index
      %swap3A_454 = tpu.vector_load %arg10[%swap3A_453] {strides = array<i32>} : memref<400xi32, #tpu.memory_space<vmem>>, vector<16xi32>,
      %swap3A_455 = vector.shape_cast %swap3A_454 : vector<16xi32> to vector<16xi32>
      %swap3A_456 = vector.shape_cast %get3A_452 : vector<16xi32> to vector<16xi32>
      tpu.vector_store %arg10[%swap3A_453], %swap3A_456 {strides = array<i32>} : memref<400xi32, #tpu.memory_space<vmem>>, vector<16xi32>,
      %add3A_457 = arith.constant 384 : i32
      %add3A_458 = arith.addi %mul3A_17, %add3A_457 : i32
      %get3A_459 = arith.index_cast %add3A_458 : i32 to index
      %get3A_460 = tpu.vector_load %arg8[%get3A_459] {strides = array<i32>} : memref<10000xi32, #tpu.memory_space<vmem>>, vector<16xi32>,
      %get3A_461 = vector.shape_cast %get3A_460 : vector<16xi32> to vector<16xi32>
      %swap3A_462 = arith.constant 384 : index
      %swap3A_463 = tpu.vector_load %arg11[%swap3A_462] {strides = array<i32>} : memref<400xi32, #tpu.memory_space<vmem>>, vector<16xi32>,
      %swap3A_464 = vector.shape_cast %swap3A_463 : vector<16xi32> to vector<16xi32>
      %swap3A_465 = vector.shape_cast %get3A_461 : vector<16xi32> to vector<16xi32>
      tpu.vector_store %arg11[%swap3A_462], %swap3A_465 {strides = array<i32>} : memref<400xi32, #tpu.memory_space<vmem>>, vector<16xi32>,
      %dma_start3A = arith.constant 0 : i32
      %dma_start3A_466 = arith.constant 0 : i32
      %dma_start3A_467 = tpu.memref_slice %arg2[%dma_start3A, %dma_start3A_466] : memref<10000x32xf32, #tpu.memory_space<hbm>> -> memref<10000x32xf32, #tpu.memory_space<hbm>>
      tpu.enqueue_indirect_dma source(%dma_start3A_467 : memref<10000x32xf32, #tpu.memory_space<hbm>>) target(%arg12 : memref<400x32xf32, #tpu.memory_space<vmem>>) offsets(%arg10 : memref<400xi32, #tpu.memory_space<vmem>>) semaphore(%arg16 : memref<!tpu.dma_semaphore, #tpu.memory_space<semaphore_mem>>)
      %dma_wait3A = arith.constant 0 : i32
      %dma_wait3A_468 = arith.constant 0 : i32
      %dma_wait3A_469 = tpu.memref_slice %arg2[%dma_wait3A, %dma_wait3A_468] : memref<10000x32xf32, #tpu.memory_space<hbm>> -> memref<10000x32xf32, #tpu.memory_space<hbm>>
      tpu.wait_indirect_dma semaphore(%arg16 : memref<!tpu.dma_semaphore, #tpu.memory_space<semaphore_mem>>) src(%dma_wait3A_469 : memref<10000x32xf32, #tpu.memory_space<hbm>>) dst(%arg12 : memref<400x32xf32, #tpu.memory_space<vmem>>)
      %scan3A_470 = arith.constant 0 : i32
      %scan3A_471 = arith.constant 25 : i32
      %scan3A_472 = arith.addi %scan3A_470, %scan3A_471 : i32
      %scan3A_473 = arith.constant 1 : i32
      scf.for %scan3A_475 = %scan3A_470 to %scan3A_472 step %scan3A_473  : i32 {
        %mul3A_476 = arith.constant 16 : i32
        %mul3A_477 = arith.muli %scan3A_475, %mul3A_476 : i32
        %add3A_478 = arith.addi %mul3A_17, %mul3A_477 : i32
        %get3A_479 = arith.index_cast %add3A_478 : i32 to index
        %get3A_480 = tpu.vector_load %arg9[%get3A_479] {strides = array<i32>} : memref<10000xf32, #tpu.memory_space<vmem>>, vector<16xf32>,
        %get3A_481 = vector.shape_cast %get3A_480 : vector<16xf32> to vector<16xf32>
        %max3A = arith.constant 0.000000e+00 : f32
        %max3A_482 = vector.broadcast %max3A : f32 to vector<16xf32>
        %max3A_483 = arith.maximumf %get3A_481, %max3A_482 : vector<16xf32>
        %min3A = arith.constant 1.000000e+00 : f32
        %min3A_484 = vector.broadcast %min3A : f32 to vector<16xf32>
        %min3A_485 = arith.minimumf %max3A_483, %min3A_484 : vector<16xf32>
        %mul3A_486 = arith.constant 16 : i32
        %mul3A_487 = arith.muli %scan3A_475, %mul3A_486 : i32
        %add3A_488 = arith.constant 0 : i32
        %add3A_489 = arith.addi %mul3A_487, %add3A_488 : i32
        %get3A_490 = arith.index_cast %add3A_489 : i32 to index
        %get3A_491 = arith.constant 0 : index
        %get3A_492 = tpu.vector_load %arg12[%get3A_490, %get3A_491] {strides = array<i32>} : memref<400x32xf32, #tpu.memory_space<vmem>>, vector<1x16xf32>,
        %get3A_493 = vector.shape_cast %get3A_492 : vector<1x16xf32> to vector<16xf32>
        %get3A_494 = arith.index_cast %add3A_489 : i32 to index
        %get3A_495 = arith.constant 16 : index
        %get3A_496 = tpu.vector_load %arg12[%get3A_494, %get3A_495] {strides = array<i32>} : memref<400x32xf32, #tpu.memory_space<vmem>>, vector<1x16xf32>,
        %get3A_497 = vector.shape_cast %get3A_496 : vector<1x16xf32> to vector<16xf32>
        %slice3A = vector.extract_strided_slice %min3A_485 {offsets = [0], sizes = [1], strides = [1]} : vector<16xf32> to vector<1xf32>
        %squeeze3A = vector.extract %slice3A[0] : f32 from vector<1xf32>
        %sub3A = arith.subf %get3A_497, %get3A_493 : vector<16xf32>
        %mul3A_498 = vector.broadcast %squeeze3A : f32 to vector<16xf32>
        %mul3A_499 = arith.mulf %mul3A_498, %sub3A : vector<16xf32>
        %add3A_500 = arith.addf %get3A_493, %mul3A_499 : vector<16xf32>
        %swap3A_501 = arith.index_cast %add3A_489 : i32 to index
        %swap3A_502 = arith.constant 0 : index
        %swap3A_503 = tpu.vector_load %arg13[%swap3A_501, %swap3A_502] {strides = array<i32>} : memref<400x16xf32, #tpu.memory_space<vmem>>, vector<1x16xf32>,
        %swap3A_504 = vector.shape_cast %swap3A_503 : vector<1x16xf32> to vector<16xf32>
        %swap3A_505 = vector.shape_cast %add3A_500 : vector<16xf32> to vector<1x16xf32>
        tpu.vector_store %arg13[%swap3A_501, %swap3A_502], %swap3A_505 {strides = array<i32>} : memref<400x16xf32, #tpu.memory_space<vmem>>, vector<1x16xf32>,
        %mul3A_506 = arith.constant 16 : i32
        %mul3A_507 = arith.muli %scan3A_475, %mul3A_506 : i32
        %add3A_508 = arith.constant 1 : i32
        %add3A_509 = arith.addi %mul3A_507, %add3A_508 : i32
        %get3A_510 = arith.index_cast %add3A_509 : i32 to index
        %get3A_511 = arith.constant 0 : index
        %get3A_512 = tpu.vector_load %arg12[%get3A_510, %get3A_511] {strides = array<i32>} : memref<400x32xf32, #tpu.memory_space<vmem>>, vector<1x16xf32>,
        %get3A_513 = vector.shape_cast %get3A_512 : vector<1x16xf32> to vector<16xf32>
        %get3A_514 = arith.index_cast %add3A_509 : i32 to index
        %get3A_515 = arith.constant 16 : index
        %get3A_516 = tpu.vector_load %arg12[%get3A_514, %get3A_515] {strides = array<i32>} : memref<400x32xf32, #tpu.memory_space<vmem>>, vector<1x16xf32>,
        %get3A_517 = vector.shape_cast %get3A_516 : vector<1x16xf32> to vector<16xf32>
        %slice3A_518 = vector.extract_strided_slice %min3A_485 {offsets = [1], sizes = [1], strides = [1]} : vector<16xf32> to vector<1xf32>
        %squeeze3A_519 = vector.extract %slice3A_518[0] : f32 from vector<1xf32>
        %sub3A_520 = arith.subf %get3A_517, %get3A_513 : vector<16xf32>
        %mul3A_521 = vector.broadcast %squeeze3A_519 : f32 to vector<16xf32>
        %mul3A_522 = arith.mulf %mul3A_521, %sub3A_520 : vector<16xf32>
        %add3A_523 = arith.addf %get3A_513, %mul3A_522 : vector<16xf32>
        %swap3A_524 = arith.index_cast %add3A_509 : i32 to index
        %swap3A_525 = arith.constant 0 : index
        %swap3A_526 = tpu.vector_load %arg13[%swap3A_524, %swap3A_525] {strides = array<i32>} : memref<400x16xf32, #tpu.memory_space<vmem>>, vector<1x16xf32>,
        %swap3A_527 = vector.shape_cast %swap3A_526 : vector<1x16xf32> to vector<16xf32>
        %swap3A_528 = vector.shape_cast %add3A_523 : vector<16xf32> to vector<1x16xf32>
        tpu.vector_store %arg13[%swap3A_524, %swap3A_525], %swap3A_528 {strides = array<i32>} : memref<400x16xf32, #tpu.memory_space<vmem>>, vector<1x16xf32>,
        %mul3A_529 = arith.constant 16 : i32
        %mul3A_530 = arith.muli %scan3A_475, %mul3A_529 : i32
        %add3A_531 = arith.constant 2 : i32
        %add3A_532 = arith.addi %mul3A_530, %add3A_531 : i32
        %get3A_533 = arith.index_cast %add3A_532 : i32 to index
        %get3A_534 = arith.constant 0 : index
        %get3A_535 = tpu.vector_load %arg12[%get3A_533, %get3A_534] {strides = array<i32>} : memref<400x32xf32, #tpu.memory_space<vmem>>, vector<1x16xf32>,
        %get3A_536 = vector.shape_cast %get3A_535 : vector<1x16xf32> to vector<16xf32>
        %get3A_537 = arith.index_cast %add3A_532 : i32 to index
        %get3A_538 = arith.constant 16 : index
        %get3A_539 = tpu.vector_load %arg12[%get3A_537, %get3A_538] {strides = array<i32>} : memref<400x32xf32, #tpu.memory_space<vmem>>, vector<1x16xf32>,
        %get3A_540 = vector.shape_cast %get3A_539 : vector<1x16xf32> to vector<16xf32>
        %slice3A_541 = vector.extract_strided_slice %min3A_485 {offsets = [2], sizes = [1], strides = [1]} : vector<16xf32> to vector<1xf32>
        %squeeze3A_542 = vector.extract %slice3A_541[0] : f32 from vector<1xf32>
        %sub3A_543 = arith.subf %get3A_540, %get3A_536 : vector<16xf32>
        %mul3A_544 = vector.broadcast %squeeze3A_542 : f32 to vector<16xf32>
        %mul3A_545 = arith.mulf %mul3A_544, %sub3A_543 : vector<16xf32>
        %add3A_546 = arith.addf %get3A_536, %mul3A_545 : vector<16xf32>
        %swap3A_547 = arith.index_cast %add3A_532 : i32 to index
        %swap3A_548 = arith.constant 0 : index
        %swap3A_549 = tpu.vector_load %arg13[%swap3A_547, %swap3A_548] {strides = array<i32>} : memref<400x16xf32, #tpu.memory_space<vmem>>, vector<1x16xf32>,
        %swap3A_550 = vector.shape_cast %swap3A_549 : vector<1x16xf32> to vector<16xf32>
        %swap3A_551 = vector.shape_cast %add3A_546 : vector<16xf32> to vector<1x16xf32>
        tpu.vector_store %arg13[%swap3A_547, %swap3A_548], %swap3A_551 {strides = array<i32>} : memref<400x16xf32, #tpu.memory_space<vmem>>, vector<1x16xf32>,
        %mul3A_552 = arith.constant 16 : i32
        %mul3A_553 = arith.muli %scan3A_475, %mul3A_552 : i32
        %add3A_554 = arith.constant 3 : i32
        %add3A_555 = arith.addi %mul3A_553, %add3A_554 : i32
        %get3A_556 = arith.index_cast %add3A_555 : i32 to index
        %get3A_557 = arith.constant 0 : index
        %get3A_558 = tpu.vector_load %arg12[%get3A_556, %get3A_557] {strides = array<i32>} : memref<400x32xf32, #tpu.memory_space<vmem>>, vector<1x16xf32>,
        %get3A_559 = vector.shape_cast %get3A_558 : vector<1x16xf32> to vector<16xf32>
        %get3A_560 = arith.index_cast %add3A_555 : i32 to index
        %get3A_561 = arith.constant 16 : index
        %get3A_562 = tpu.vector_load %arg12[%get3A_560, %get3A_561] {strides = array<i32>} : memref<400x32xf32, #tpu.memory_space<vmem>>, vector<1x16xf32>,
        %get3A_563 = vector.shape_cast %get3A_562 : vector<1x16xf32> to vector<16xf32>
        %slice3A_564 = vector.extract_strided_slice %min3A_485 {offsets = [3], sizes = [1], strides = [1]} : vector<16xf32> to vector<1xf32>
        %squeeze3A_565 = vector.extract %slice3A_564[0] : f32 from vector<1xf32>
        %sub3A_566 = arith.subf %get3A_563, %get3A_559 : vector<16xf32>
        %mul3A_567 = vector.broadcast %squeeze3A_565 : f32 to vector<16xf32>
        %mul3A_568 = arith.mulf %mul3A_567, %sub3A_566 : vector<16xf32>
        %add3A_569 = arith.addf %get3A_559, %mul3A_568 : vector<16xf32>
        %swap3A_570 = arith.index_cast %add3A_555 : i32 to index
        %swap3A_571 = arith.constant 0 : index
        %swap3A_572 = tpu.vector_load %arg13[%swap3A_570, %swap3A_571] {strides = array<i32>} : memref<400x16xf32, #tpu.memory_space<vmem>>, vector<1x16xf32>,
        %swap3A_573 = vector.shape_cast %swap3A_572 : vector<1x16xf32> to vector<16xf32>
        %swap3A_574 = vector.shape_cast %add3A_569 : vector<16xf32> to vector<1x16xf32>
        tpu.vector_store %arg13[%swap3A_570, %swap3A_571], %swap3A_574 {strides = array<i32>} : memref<400x16xf32, #tpu.memory_space<vmem>>, vector<1x16xf32>,
        %mul3A_575 = arith.constant 16 : i32
        %mul3A_576 = arith.muli %scan3A_475, %mul3A_575 : i32
        %add3A_577 = arith.constant 4 : i32
        %add3A_578 = arith.addi %mul3A_576, %add3A_577 : i32
        %get3A_579 = arith.index_cast %add3A_578 : i32 to index
        %get3A_580 = arith.constant 0 : index
        %get3A_581 = tpu.vector_load %arg12[%get3A_579, %get3A_580] {strides = array<i32>} : memref<400x32xf32, #tpu.memory_space<vmem>>, vector<1x16xf32>,
        %get3A_582 = vector.shape_cast %get3A_581 : vector<1x16xf32> to vector<16xf32>
        %get3A_583 = arith.index_cast %add3A_578 : i32 to index
        %get3A_584 = arith.constant 16 : index
        %get3A_585 = tpu.vector_load %arg12[%get3A_583, %get3A_584] {strides = array<i32>} : memref<400x32xf32, #tpu.memory_space<vmem>>, vector<1x16xf32>,
        %get3A_586 = vector.shape_cast %get3A_585 : vector<1x16xf32> to vector<16xf32>
        %slice3A_587 = vector.extract_strided_slice %min3A_485 {offsets = [4], sizes = [1], strides = [1]} : vector<16xf32> to vector<1xf32>
        %squeeze3A_588 = vector.extract %slice3A_587[0] : f32 from vector<1xf32>
        %sub3A_589 = arith.subf %get3A_586, %get3A_582 : vector<16xf32>
        %mul3A_590 = vector.broadcast %squeeze3A_588 : f32 to vector<16xf32>
        %mul3A_591 = arith.mulf %mul3A_590, %sub3A_589 : vector<16xf32>
        %add3A_592 = arith.addf %get3A_582, %mul3A_591 : vector<16xf32>
        %swap3A_593 = arith.index_cast %add3A_578 : i32 to index
        %swap3A_594 = arith.constant 0 : index
        %swap3A_595 = tpu.vector_load %arg13[%swap3A_593, %swap3A_594] {strides = array<i32>} : memref<400x16xf32, #tpu.memory_space<vmem>>, vector<1x16xf32>,
        %swap3A_596 = vector.shape_cast %swap3A_595 : vector<1x16xf32> to vector<16xf32>
        %swap3A_597 = vector.shape_cast %add3A_592 : vector<16xf32> to vector<1x16xf32>
        tpu.vector_store %arg13[%swap3A_593, %swap3A_594], %swap3A_597 {strides = array<i32>} : memref<400x16xf32, #tpu.memory_space<vmem>>, vector<1x16xf32>,
        %mul3A_598 = arith.constant 16 : i32
        %mul3A_599 = arith.muli %scan3A_475, %mul3A_598 : i32
        %add3A_600 = arith.constant 5 : i32
        %add3A_601 = arith.addi %mul3A_599, %add3A_600 : i32
        %get3A_602 = arith.index_cast %add3A_601 : i32 to index
        %get3A_603 = arith.constant 0 : index
        %get3A_604 = tpu.vector_load %arg12[%get3A_602, %get3A_603] {strides = array<i32>} : memref<400x32xf32, #tpu.memory_space<vmem>>, vector<1x16xf32>,
        %get3A_605 = vector.shape_cast %get3A_604 : vector<1x16xf32> to vector<16xf32>
        %get3A_606 = arith.index_cast %add3A_601 : i32 to index
        %get3A_607 = arith.constant 16 : index
        %get3A_608 = tpu.vector_load %arg12[%get3A_606, %get3A_607] {strides = array<i32>} : memref<400x32xf32, #tpu.memory_space<vmem>>, vector<1x16xf32>,
        %get3A_609 = vector.shape_cast %get3A_608 : vector<1x16xf32> to vector<16xf32>
        %slice3A_610 = vector.extract_strided_slice %min3A_485 {offsets = [5], sizes = [1], strides = [1]} : vector<16xf32> to vector<1xf32>
        %squeeze3A_611 = vector.extract %slice3A_610[0] : f32 from vector<1xf32>
        %sub3A_612 = arith.subf %get3A_609, %get3A_605 : vector<16xf32>
        %mul3A_613 = vector.broadcast %squeeze3A_611 : f32 to vector<16xf32>
        %mul3A_614 = arith.mulf %mul3A_613, %sub3A_612 : vector<16xf32>
        %add3A_615 = arith.addf %get3A_605, %mul3A_614 : vector<16xf32>
        %swap3A_616 = arith.index_cast %add3A_601 : i32 to index
        %swap3A_617 = arith.constant 0 : index
        %swap3A_618 = tpu.vector_load %arg13[%swap3A_616, %swap3A_617] {strides = array<i32>} : memref<400x16xf32, #tpu.memory_space<vmem>>, vector<1x16xf32>,
        %swap3A_619 = vector.shape_cast %swap3A_618 : vector<1x16xf32> to vector<16xf32>
        %swap3A_620 = vector.shape_cast %add3A_615 : vector<16xf32> to vector<1x16xf32>
        tpu.vector_store %arg13[%swap3A_616, %swap3A_617], %swap3A_620 {strides = array<i32>} : memref<400x16xf32, #tpu.memory_space<vmem>>, vector<1x16xf32>,
        %mul3A_621 = arith.constant 16 : i32
        %mul3A_622 = arith.muli %scan3A_475, %mul3A_621 : i32
        %add3A_623 = arith.constant 6 : i32
        %add3A_624 = arith.addi %mul3A_622, %add3A_623 : i32
        %get3A_625 = arith.index_cast %add3A_624 : i32 to index
        %get3A_626 = arith.constant 0 : index
        %get3A_627 = tpu.vector_load %arg12[%get3A_625, %get3A_626] {strides = array<i32>} : memref<400x32xf32, #tpu.memory_space<vmem>>, vector<1x16xf32>,
        %get3A_628 = vector.shape_cast %get3A_627 : vector<1x16xf32> to vector<16xf32>
        %get3A_629 = arith.index_cast %add3A_624 : i32 to index
        %get3A_630 = arith.constant 16 : index
        %get3A_631 = tpu.vector_load %arg12[%get3A_629, %get3A_630] {strides = array<i32>} : memref<400x32xf32, #tpu.memory_space<vmem>>, vector<1x16xf32>,
        %get3A_632 = vector.shape_cast %get3A_631 : vector<1x16xf32> to vector<16xf32>
        %slice3A_633 = vector.extract_strided_slice %min3A_485 {offsets = [6], sizes = [1], strides = [1]} : vector<16xf32> to vector<1xf32>
        %squeeze3A_634 = vector.extract %slice3A_633[0] : f32 from vector<1xf32>
        %sub3A_635 = arith.subf %get3A_632, %get3A_628 : vector<16xf32>
        %mul3A_636 = vector.broadcast %squeeze3A_634 : f32 to vector<16xf32>
        %mul3A_637 = arith.mulf %mul3A_636, %sub3A_635 : vector<16xf32>
        %add3A_638 = arith.addf %get3A_628, %mul3A_637 : vector<16xf32>
        %swap3A_639 = arith.index_cast %add3A_624 : i32 to index
        %swap3A_640 = arith.constant 0 : index
        %swap3A_641 = tpu.vector_load %arg13[%swap3A_639, %swap3A_640] {strides = array<i32>} : memref<400x16xf32, #tpu.memory_space<vmem>>, vector<1x16xf32>,
        %swap3A_642 = vector.shape_cast %swap3A_641 : vector<1x16xf32> to vector<16xf32>
        %swap3A_643 = vector.shape_cast %add3A_638 : vector<16xf32> to vector<1x16xf32>
        tpu.vector_store %arg13[%swap3A_639, %swap3A_640], %swap3A_643 {strides = array<i32>} : memref<400x16xf32, #tpu.memory_space<vmem>>, vector<1x16xf32>,
        %mul3A_644 = arith.constant 16 : i32
        %mul3A_645 = arith.muli %scan3A_475, %mul3A_644 : i32
        %add3A_646 = arith.constant 7 : i32
        %add3A_647 = arith.addi %mul3A_645, %add3A_646 : i32
        %get3A_648 = arith.index_cast %add3A_647 : i32 to index
        %get3A_649 = arith.constant 0 : index
        %get3A_650 = tpu.vector_load %arg12[%get3A_648, %get3A_649] {strides = array<i32>} : memref<400x32xf32, #tpu.memory_space<vmem>>, vector<1x16xf32>,
        %get3A_651 = vector.shape_cast %get3A_650 : vector<1x16xf32> to vector<16xf32>
        %get3A_652 = arith.index_cast %add3A_647 : i32 to index
        %get3A_653 = arith.constant 16 : index
        %get3A_654 = tpu.vector_load %arg12[%get3A_652, %get3A_653] {strides = array<i32>} : memref<400x32xf32, #tpu.memory_space<vmem>>, vector<1x16xf32>,
        %get3A_655 = vector.shape_cast %get3A_654 : vector<1x16xf32> to vector<16xf32>
        %slice3A_656 = vector.extract_strided_slice %min3A_485 {offsets = [7], sizes = [1], strides = [1]} : vector<16xf32> to vector<1xf32>
        %squeeze3A_657 = vector.extract %slice3A_656[0] : f32 from vector<1xf32>
        %sub3A_658 = arith.subf %get3A_655, %get3A_651 : vector<16xf32>
        %mul3A_659 = vector.broadcast %squeeze3A_657 : f32 to vector<16xf32>
        %mul3A_660 = arith.mulf %mul3A_659, %sub3A_658 : vector<16xf32>
        %add3A_661 = arith.addf %get3A_651, %mul3A_660 : vector<16xf32>
        %swap3A_662 = arith.index_cast %add3A_647 : i32 to index
        %swap3A_663 = arith.constant 0 : index
        %swap3A_664 = tpu.vector_load %arg13[%swap3A_662, %swap3A_663] {strides = array<i32>} : memref<400x16xf32, #tpu.memory_space<vmem>>, vector<1x16xf32>,
        %swap3A_665 = vector.shape_cast %swap3A_664 : vector<1x16xf32> to vector<16xf32>
        %swap3A_666 = vector.shape_cast %add3A_661 : vector<16xf32> to vector<1x16xf32>
        tpu.vector_store %arg13[%swap3A_662, %swap3A_663], %swap3A_666 {strides = array<i32>} : memref<400x16xf32, #tpu.memory_space<vmem>>, vector<1x16xf32>,
        %mul3A_667 = arith.constant 16 : i32
        %mul3A_668 = arith.muli %scan3A_475, %mul3A_667 : i32
        %add3A_669 = arith.constant 8 : i32
        %add3A_670 = arith.addi %mul3A_668, %add3A_669 : i32
        %get3A_671 = arith.index_cast %add3A_670 : i32 to index
        %get3A_672 = arith.constant 0 : index
        %get3A_673 = tpu.vector_load %arg12[%get3A_671, %get3A_672] {strides = array<i32>} : memref<400x32xf32, #tpu.memory_space<vmem>>, vector<1x16xf32>,
        %get3A_674 = vector.shape_cast %get3A_673 : vector<1x16xf32> to vector<16xf32>
        %get3A_675 = arith.index_cast %add3A_670 : i32 to index
        %get3A_676 = arith.constant 16 : index
        %get3A_677 = tpu.vector_load %arg12[%get3A_675, %get3A_676] {strides = array<i32>} : memref<400x32xf32, #tpu.memory_space<vmem>>, vector<1x16xf32>,
        %get3A_678 = vector.shape_cast %get3A_677 : vector<1x16xf32> to vector<16xf32>
        %slice3A_679 = vector.extract_strided_slice %min3A_485 {offsets = [8], sizes = [1], strides = [1]} : vector<16xf32> to vector<1xf32>
        %squeeze3A_680 = vector.extract %slice3A_679[0] : f32 from vector<1xf32>
        %sub3A_681 = arith.subf %get3A_678, %get3A_674 : vector<16xf32>
        %mul3A_682 = vector.broadcast %squeeze3A_680 : f32 to vector<16xf32>
        %mul3A_683 = arith.mulf %mul3A_682, %sub3A_681 : vector<16xf32>
        %add3A_684 = arith.addf %get3A_674, %mul3A_683 : vector<16xf32>
        %swap3A_685 = arith.index_cast %add3A_670 : i32 to index
        %swap3A_686 = arith.constant 0 : index
        %swap3A_687 = tpu.vector_load %arg13[%swap3A_685, %swap3A_686] {strides = array<i32>} : memref<400x16xf32, #tpu.memory_space<vmem>>, vector<1x16xf32>,
        %swap3A_688 = vector.shape_cast %swap3A_687 : vector<1x16xf32> to vector<16xf32>
        %swap3A_689 = vector.shape_cast %add3A_684 : vector<16xf32> to vector<1x16xf32>
        tpu.vector_store %arg13[%swap3A_685, %swap3A_686], %swap3A_689 {strides = array<i32>} : memref<400x16xf32, #tpu.memory_space<vmem>>, vector<1x16xf32>,
        %mul3A_690 = arith.constant 16 : i32
        %mul3A_691 = arith.muli %scan3A_475, %mul3A_690 : i32
        %add3A_692 = arith.constant 9 : i32
        %add3A_693 = arith.addi %mul3A_691, %add3A_692 : i32
        %get3A_694 = arith.index_cast %add3A_693 : i32 to index
        %get3A_695 = arith.constant 0 : index
        %get3A_696 = tpu.vector_load %arg12[%get3A_694, %get3A_695] {strides = array<i32>} : memref<400x32xf32, #tpu.memory_space<vmem>>, vector<1x16xf32>,
        %get3A_697 = vector.shape_cast %get3A_696 : vector<1x16xf32> to vector<16xf32>
        %get3A_698 = arith.index_cast %add3A_693 : i32 to index
        %get3A_699 = arith.constant 16 : index
        %get3A_700 = tpu.vector_load %arg12[%get3A_698, %get3A_699] {strides = array<i32>} : memref<400x32xf32, #tpu.memory_space<vmem>>, vector<1x16xf32>,
        %get3A_701 = vector.shape_cast %get3A_700 : vector<1x16xf32> to vector<16xf32>
        %slice3A_702 = vector.extract_strided_slice %min3A_485 {offsets = [9], sizes = [1], strides = [1]} : vector<16xf32> to vector<1xf32>
        %squeeze3A_703 = vector.extract %slice3A_702[0] : f32 from vector<1xf32>
        %sub3A_704 = arith.subf %get3A_701, %get3A_697 : vector<16xf32>
        %mul3A_705 = vector.broadcast %squeeze3A_703 : f32 to vector<16xf32>
        %mul3A_706 = arith.mulf %mul3A_705, %sub3A_704 : vector<16xf32>
        %add3A_707 = arith.addf %get3A_697, %mul3A_706 : vector<16xf32>
        %swap3A_708 = arith.index_cast %add3A_693 : i32 to index
        %swap3A_709 = arith.constant 0 : index
        %swap3A_710 = tpu.vector_load %arg13[%swap3A_708, %swap3A_709] {strides = array<i32>} : memref<400x16xf32, #tpu.memory_space<vmem>>, vector<1x16xf32>,
        %swap3A_711 = vector.shape_cast %swap3A_710 : vector<1x16xf32> to vector<16xf32>
        %swap3A_712 = vector.shape_cast %add3A_707 : vector<16xf32> to vector<1x16xf32>
        tpu.vector_store %arg13[%swap3A_708, %swap3A_709], %swap3A_712 {strides = array<i32>} : memref<400x16xf32, #tpu.memory_space<vmem>>, vector<1x16xf32>,
        %mul3A_713 = arith.constant 16 : i32
        %mul3A_714 = arith.muli %scan3A_475, %mul3A_713 : i32
        %add3A_715 = arith.constant 10 : i32
        %add3A_716 = arith.addi %mul3A_714, %add3A_715 : i32
        %get3A_717 = arith.index_cast %add3A_716 : i32 to index
        %get3A_718 = arith.constant 0 : index
        %get3A_719 = tpu.vector_load %arg12[%get3A_717, %get3A_718] {strides = array<i32>} : memref<400x32xf32, #tpu.memory_space<vmem>>, vector<1x16xf32>,
        %get3A_720 = vector.shape_cast %get3A_719 : vector<1x16xf32> to vector<16xf32>
        %get3A_721 = arith.index_cast %add3A_716 : i32 to index
        %get3A_722 = arith.constant 16 : index
        %get3A_723 = tpu.vector_load %arg12[%get3A_721, %get3A_722] {strides = array<i32>} : memref<400x32xf32, #tpu.memory_space<vmem>>, vector<1x16xf32>,
        %get3A_724 = vector.shape_cast %get3A_723 : vector<1x16xf32> to vector<16xf32>
        %slice3A_725 = vector.extract_strided_slice %min3A_485 {offsets = [10], sizes = [1], strides = [1]} : vector<16xf32> to vector<1xf32>
        %squeeze3A_726 = vector.extract %slice3A_725[0] : f32 from vector<1xf32>
        %sub3A_727 = arith.subf %get3A_724, %get3A_720 : vector<16xf32>
        %mul3A_728 = vector.broadcast %squeeze3A_726 : f32 to vector<16xf32>
        %mul3A_729 = arith.mulf %mul3A_728, %sub3A_727 : vector<16xf32>
        %add3A_730 = arith.addf %get3A_720, %mul3A_729 : vector<16xf32>
        %swap3A_731 = arith.index_cast %add3A_716 : i32 to index
        %swap3A_732 = arith.constant 0 : index
        %swap3A_733 = tpu.vector_load %arg13[%swap3A_731, %swap3A_732] {strides = array<i32>} : memref<400x16xf32, #tpu.memory_space<vmem>>, vector<1x16xf32>,
        %swap3A_734 = vector.shape_cast %swap3A_733 : vector<1x16xf32> to vector<16xf32>
        %swap3A_735 = vector.shape_cast %add3A_730 : vector<16xf32> to vector<1x16xf32>
        tpu.vector_store %arg13[%swap3A_731, %swap3A_732], %swap3A_735 {strides = array<i32>} : memref<400x16xf32, #tpu.memory_space<vmem>>, vector<1x16xf32>,
        %mul3A_736 = arith.constant 16 : i32
        %mul3A_737 = arith.muli %scan3A_475, %mul3A_736 : i32
        %add3A_738 = arith.constant 11 : i32
        %add3A_739 = arith.addi %mul3A_737, %add3A_738 : i32
        %get3A_740 = arith.index_cast %add3A_739 : i32 to index
        %get3A_741 = arith.constant 0 : index
        %get3A_742 = tpu.vector_load %arg12[%get3A_740, %get3A_741] {strides = array<i32>} : memref<400x32xf32, #tpu.memory_space<vmem>>, vector<1x16xf32>,
        %get3A_743 = vector.shape_cast %get3A_742 : vector<1x16xf32> to vector<16xf32>
        %get3A_744 = arith.index_cast %add3A_739 : i32 to index
        %get3A_745 = arith.constant 16 : index
        %get3A_746 = tpu.vector_load %arg12[%get3A_744, %get3A_745] {strides = array<i32>} : memref<400x32xf32, #tpu.memory_space<vmem>>, vector<1x16xf32>,
        %get3A_747 = vector.shape_cast %get3A_746 : vector<1x16xf32> to vector<16xf32>
        %slice3A_748 = vector.extract_strided_slice %min3A_485 {offsets = [11], sizes = [1], strides = [1]} : vector<16xf32> to vector<1xf32>
        %squeeze3A_749 = vector.extract %slice3A_748[0] : f32 from vector<1xf32>
        %sub3A_750 = arith.subf %get3A_747, %get3A_743 : vector<16xf32>
        %mul3A_751 = vector.broadcast %squeeze3A_749 : f32 to vector<16xf32>
        %mul3A_752 = arith.mulf %mul3A_751, %sub3A_750 : vector<16xf32>
        %add3A_753 = arith.addf %get3A_743, %mul3A_752 : vector<16xf32>
        %swap3A_754 = arith.index_cast %add3A_739 : i32 to index
        %swap3A_755 = arith.constant 0 : index
        %swap3A_756 = tpu.vector_load %arg13[%swap3A_754, %swap3A_755] {strides = array<i32>} : memref<400x16xf32, #tpu.memory_space<vmem>>, vector<1x16xf32>,
        %swap3A_757 = vector.shape_cast %swap3A_756 : vector<1x16xf32> to vector<16xf32>
        %swap3A_758 = vector.shape_cast %add3A_753 : vector<16xf32> to vector<1x16xf32>
        tpu.vector_store %arg13[%swap3A_754, %swap3A_755], %swap3A_758 {strides = array<i32>} : memref<400x16xf32, #tpu.memory_space<vmem>>, vector<1x16xf32>,
        %mul3A_759 = arith.constant 16 : i32
        %mul3A_760 = arith.muli %scan3A_475, %mul3A_759 : i32
        %add3A_761 = arith.constant 12 : i32
        %add3A_762 = arith.addi %mul3A_760, %add3A_761 : i32
        %get3A_763 = arith.index_cast %add3A_762 : i32 to index
        %get3A_764 = arith.constant 0 : index
        %get3A_765 = tpu.vector_load %arg12[%get3A_763, %get3A_764] {strides = array<i32>} : memref<400x32xf32, #tpu.memory_space<vmem>>, vector<1x16xf32>,
        %get3A_766 = vector.shape_cast %get3A_765 : vector<1x16xf32> to vector<16xf32>
        %get3A_767 = arith.index_cast %add3A_762 : i32 to index
        %get3A_768 = arith.constant 16 : index
        %get3A_769 = tpu.vector_load %arg12[%get3A_767, %get3A_768] {strides = array<i32>} : memref<400x32xf32, #tpu.memory_space<vmem>>, vector<1x16xf32>,
        %get3A_770 = vector.shape_cast %get3A_769 : vector<1x16xf32> to vector<16xf32>
        %slice3A_771 = vector.extract_strided_slice %min3A_485 {offsets = [12], sizes = [1], strides = [1]} : vector<16xf32> to vector<1xf32>
        %squeeze3A_772 = vector.extract %slice3A_771[0] : f32 from vector<1xf32>
        %sub3A_773 = arith.subf %get3A_770, %get3A_766 : vector<16xf32>
        %mul3A_774 = vector.broadcast %squeeze3A_772 : f32 to vector<16xf32>
        %mul3A_775 = arith.mulf %mul3A_774, %sub3A_773 : vector<16xf32>
        %add3A_776 = arith.addf %get3A_766, %mul3A_775 : vector<16xf32>
        %swap3A_777 = arith.index_cast %add3A_762 : i32 to index
        %swap3A_778 = arith.constant 0 : index
        %swap3A_779 = tpu.vector_load %arg13[%swap3A_777, %swap3A_778] {strides = array<i32>} : memref<400x16xf32, #tpu.memory_space<vmem>>, vector<1x16xf32>,
        %swap3A_780 = vector.shape_cast %swap3A_779 : vector<1x16xf32> to vector<16xf32>
        %swap3A_781 = vector.shape_cast %add3A_776 : vector<16xf32> to vector<1x16xf32>
        tpu.vector_store %arg13[%swap3A_777, %swap3A_778], %swap3A_781 {strides = array<i32>} : memref<400x16xf32, #tpu.memory_space<vmem>>, vector<1x16xf32>,
        %mul3A_782 = arith.constant 16 : i32
        %mul3A_783 = arith.muli %scan3A_475, %mul3A_782 : i32
        %add3A_784 = arith.constant 13 : i32
        %add3A_785 = arith.addi %mul3A_783, %add3A_784 : i32
        %get3A_786 = arith.index_cast %add3A_785 : i32 to index
        %get3A_787 = arith.constant 0 : index
        %get3A_788 = tpu.vector_load %arg12[%get3A_786, %get3A_787] {strides = array<i32>} : memref<400x32xf32, #tpu.memory_space<vmem>>, vector<1x16xf32>,
        %get3A_789 = vector.shape_cast %get3A_788 : vector<1x16xf32> to vector<16xf32>
        %get3A_790 = arith.index_cast %add3A_785 : i32 to index
        %get3A_791 = arith.constant 16 : index
        %get3A_792 = tpu.vector_load %arg12[%get3A_790, %get3A_791] {strides = array<i32>} : memref<400x32xf32, #tpu.memory_space<vmem>>, vector<1x16xf32>,
        %get3A_793 = vector.shape_cast %get3A_792 : vector<1x16xf32> to vector<16xf32>
        %slice3A_794 = vector.extract_strided_slice %min3A_485 {offsets = [13], sizes = [1], strides = [1]} : vector<16xf32> to vector<1xf32>
        %squeeze3A_795 = vector.extract %slice3A_794[0] : f32 from vector<1xf32>
        %sub3A_796 = arith.subf %get3A_793, %get3A_789 : vector<16xf32>
        %mul3A_797 = vector.broadcast %squeeze3A_795 : f32 to vector<16xf32>
        %mul3A_798 = arith.mulf %mul3A_797, %sub3A_796 : vector<16xf32>
        %add3A_799 = arith.addf %get3A_789, %mul3A_798 : vector<16xf32>
        %swap3A_800 = arith.index_cast %add3A_785 : i32 to index
        %swap3A_801 = arith.constant 0 : index
        %swap3A_802 = tpu.vector_load %arg13[%swap3A_800, %swap3A_801] {strides = array<i32>} : memref<400x16xf32, #tpu.memory_space<vmem>>, vector<1x16xf32>,
        %swap3A_803 = vector.shape_cast %swap3A_802 : vector<1x16xf32> to vector<16xf32>
        %swap3A_804 = vector.shape_cast %add3A_799 : vector<16xf32> to vector<1x16xf32>
        tpu.vector_store %arg13[%swap3A_800, %swap3A_801], %swap3A_804 {strides = array<i32>} : memref<400x16xf32, #tpu.memory_space<vmem>>, vector<1x16xf32>,
        %mul3A_805 = arith.constant 16 : i32
        %mul3A_806 = arith.muli %scan3A_475, %mul3A_805 : i32
        %add3A_807 = arith.constant 14 : i32
        %add3A_808 = arith.addi %mul3A_806, %add3A_807 : i32
        %get3A_809 = arith.index_cast %add3A_808 : i32 to index
        %get3A_810 = arith.constant 0 : index
        %get3A_811 = tpu.vector_load %arg12[%get3A_809, %get3A_810] {strides = array<i32>} : memref<400x32xf32, #tpu.memory_space<vmem>>, vector<1x16xf32>,
        %get3A_812 = vector.shape_cast %get3A_811 : vector<1x16xf32> to vector<16xf32>
        %get3A_813 = arith.index_cast %add3A_808 : i32 to index
        %get3A_814 = arith.constant 16 : index
        %get3A_815 = tpu.vector_load %arg12[%get3A_813, %get3A_814] {strides = array<i32>} : memref<400x32xf32, #tpu.memory_space<vmem>>, vector<1x16xf32>,
        %get3A_816 = vector.shape_cast %get3A_815 : vector<1x16xf32> to vector<16xf32>
        %slice3A_817 = vector.extract_strided_slice %min3A_485 {offsets = [14], sizes = [1], strides = [1]} : vector<16xf32> to vector<1xf32>
        %squeeze3A_818 = vector.extract %slice3A_817[0] : f32 from vector<1xf32>
        %sub3A_819 = arith.subf %get3A_816, %get3A_812 : vector<16xf32>
        %mul3A_820 = vector.broadcast %squeeze3A_818 : f32 to vector<16xf32>
        %mul3A_821 = arith.mulf %mul3A_820, %sub3A_819 : vector<16xf32>
        %add3A_822 = arith.addf %get3A_812, %mul3A_821 : vector<16xf32>
        %swap3A_823 = arith.index_cast %add3A_808 : i32 to index
        %swap3A_824 = arith.constant 0 : index
        %swap3A_825 = tpu.vector_load %arg13[%swap3A_823, %swap3A_824] {strides = array<i32>} : memref<400x16xf32, #tpu.memory_space<vmem>>, vector<1x16xf32>,
        %swap3A_826 = vector.shape_cast %swap3A_825 : vector<1x16xf32> to vector<16xf32>
        %swap3A_827 = vector.shape_cast %add3A_822 : vector<16xf32> to vector<1x16xf32>
        tpu.vector_store %arg13[%swap3A_823, %swap3A_824], %swap3A_827 {strides = array<i32>} : memref<400x16xf32, #tpu.memory_space<vmem>>, vector<1x16xf32>,
        %mul3A_828 = arith.constant 16 : i32
        %mul3A_829 = arith.muli %scan3A_475, %mul3A_828 : i32
        %add3A_830 = arith.constant 15 : i32
        %add3A_831 = arith.addi %mul3A_829, %add3A_830 : i32
        %get3A_832 = arith.index_cast %add3A_831 : i32 to index
        %get3A_833 = arith.constant 0 : index
        %get3A_834 = tpu.vector_load %arg12[%get3A_832, %get3A_833] {strides = array<i32>} : memref<400x32xf32, #tpu.memory_space<vmem>>, vector<1x16xf32>,
        %get3A_835 = vector.shape_cast %get3A_834 : vector<1x16xf32> to vector<16xf32>
        %get3A_836 = arith.index_cast %add3A_831 : i32 to index
        %get3A_837 = arith.constant 16 : index
        %get3A_838 = tpu.vector_load %arg12[%get3A_836, %get3A_837] {strides = array<i32>} : memref<400x32xf32, #tpu.memory_space<vmem>>, vector<1x16xf32>,
        %get3A_839 = vector.shape_cast %get3A_838 : vector<1x16xf32> to vector<16xf32>
        %slice3A_840 = vector.extract_strided_slice %min3A_485 {offsets = [15], sizes = [1], strides = [1]} : vector<16xf32> to vector<1xf32>
        %squeeze3A_841 = vector.extract %slice3A_840[0] : f32 from vector<1xf32>
        %sub3A_842 = arith.subf %get3A_839, %get3A_835 : vector<16xf32>
        %mul3A_843 = vector.broadcast %squeeze3A_841 : f32 to vector<16xf32>
        %mul3A_844 = arith.mulf %mul3A_843, %sub3A_842 : vector<16xf32>
        %add3A_845 = arith.addf %get3A_835, %mul3A_844 : vector<16xf32>
        %swap3A_846 = arith.index_cast %add3A_831 : i32 to index
        %swap3A_847 = arith.constant 0 : index
        %swap3A_848 = tpu.vector_load %arg13[%swap3A_846, %swap3A_847] {strides = array<i32>} : memref<400x16xf32, #tpu.memory_space<vmem>>, vector<1x16xf32>,
        %swap3A_849 = vector.shape_cast %swap3A_848 : vector<1x16xf32> to vector<16xf32>
        %swap3A_850 = vector.shape_cast %add3A_845 : vector<16xf32> to vector<1x16xf32>
        tpu.vector_store %arg13[%swap3A_846, %swap3A_847], %swap3A_850 {strides = array<i32>} : memref<400x16xf32, #tpu.memory_space<vmem>>, vector<1x16xf32>,
      }
      %scan3A_474 = arith.constant 25 : i32
      "tpu.region"() ({
        %run_scoped3A = tpu.sem_alloc : memref<!tpu.dma_semaphore, #tpu.memory_space<semaphore_mem>>
        %dma_start3A_475 = arith.constant 0 : i32
        %dma_start3A_476 = arith.constant 0 : i32
        %dma_start3A_477 = tpu.memref_slice %arg15[%dma_start3A_475, %dma_start3A_476] : memref<10000x16xf32, #tpu.memory_space<vmem_shared>> -> memref<10000x16xf32, #tpu.memory_space<vmem_shared>>
        tpu.enqueue_indirect_dma source(%arg13 : memref<400x16xf32, #tpu.memory_space<vmem>>) target(%dma_start3A_477 : memref<10000x16xf32, #tpu.memory_space<vmem_shared>>) offsets(%arg11 : memref<400xi32, #tpu.memory_space<vmem>>) semaphore(%run_scoped3A : memref<!tpu.dma_semaphore, #tpu.memory_space<semaphore_mem>>) {add = true}
        %dma_wait3A_478 = arith.constant 0 : i32
        %dma_wait3A_479 = arith.constant 0 : i32
        %dma_wait3A_480 = tpu.memref_slice %arg15[%dma_wait3A_478, %dma_wait3A_479] : memref<10000x16xf32, #tpu.memory_space<vmem_shared>> -> memref<10000x16xf32, #tpu.memory_space<vmem_shared>>
        tpu.wait_indirect_dma semaphore(%run_scoped3A : memref<!tpu.dma_semaphore, #tpu.memory_space<semaphore_mem>>) src(%arg13 : memref<400x16xf32, #tpu.memory_space<vmem>>) dst(%dma_wait3A_480 : memref<10000x16xf32, #tpu.memory_space<vmem_shared>>)
        tpu.yield
      }) : () -> ()
    }
    %scan3A_8 = arith.constant 25 : i32
    %barrier3A_9 = arith.constant 0 : index
    tpu.barrier barrier_id(%barrier3A_9)
    %lt3A_10 = arith.constant 5 : i32
    %lt3A_11 = arith.cmpi slt, %arg1, %lt3A_10 : i32
    %convert_element_type3A_12 = arith.extui %lt3A_11 : i1 to i32
    %cond3A_13 = arith.constant 0 : i32
    %cond3A_14 = arith.cmpi ne, %convert_element_type3A_12, %cond3A_13 : i32
    scf.if %cond3A_14 {
      %mul3A_15 = arith.constant 2000 : i32
      %mul3A_16 = arith.muli %arg1, %mul3A_15 : i32
      %mul3A_17 = arith.constant 10000 : i32
      %mul3A_18 = arith.muli %arg0, %mul3A_17 : i32
      %add3A_19 = arith.addi %mul3A_18, %mul3A_16 : i32
      "tpu.region"() ({
        %run_scoped3A = tpu.sem_alloc : memref<!tpu.dma_semaphore, #tpu.memory_space<semaphore_mem>>
        %dma_start3A = arith.constant 0 : i32
        %dma_start3A_20 = tpu.memref_slice %arg6[%add3A_19, %dma_start3A] : memref<20000x16xf32, #tpu.memory_space<hbm>> -> memref<2000x16xf32, #tpu.memory_space<hbm>>
        %dma_start3A_21 = arith.constant 0 : i32
        %dma_start3A_22 = tpu.memref_slice %arg15[%mul3A_16, %dma_start3A_21] : memref<10000x16xf32, #tpu.memory_space<vmem_shared>> -> memref<2000x16xf32, #tpu.memory_space<vmem_shared>>
        tpu.enqueue_dma source(%dma_start3A_22 : memref<2000x16xf32, #tpu.memory_space<vmem_shared>>) target(%dma_start3A_20 : memref<2000x16xf32, #tpu.memory_space<hbm>>) target_semaphore(%run_scoped3A : memref<!tpu.dma_semaphore, #tpu.memory_space<semaphore_mem>>)
        %dma_wait3A = arith.constant 0 : i32
        %dma_wait3A_23 = tpu.memref_slice %arg6[%add3A_19, %dma_wait3A] : memref<20000x16xf32, #tpu.memory_space<hbm>> -> memref<2000x16xf32, #tpu.memory_space<hbm>>
        %dma_wait3A_24 = arith.constant 0 : i32
        %dma_wait3A_25 = tpu.memref_slice %arg15[%mul3A_16, %dma_wait3A_24] : memref<10000x16xf32, #tpu.memory_space<vmem_shared>> -> memref<2000x16xf32, #tpu.memory_space<vmem_shared>>
        tpu.wait_dma2 semaphore(%run_scoped3A : memref<!tpu.dma_semaphore, #tpu.memory_space<semaphore_mem>>) src(%dma_wait3A_25 : memref<2000x16xf32, #tpu.memory_space<vmem_shared>>) dst(%dma_wait3A_23 : memref<2000x16xf32, #tpu.memory_space<hbm>>)
        tpu.yield
      }) : () -> ()
    } else {
    }
    return
  }
}

module attributes {stable_mosaic.version = 14 : i64} {
  func.func @_prep_kernel(%arg0: i32, %arg1: memref<2000x128xf32, #tpu.memory_space<vmem>>, %arg2: memref<128x16xf32, #tpu.memory_space<vmem>>, %arg3: memref<128x16xf32, #tpu.memory_space<vmem>>, %arg4: memref<128x16xf32, #tpu.memory_space<vmem>>, %arg5: memref<1x16xf32, #tpu.memory_space<vmem>>, %arg6: memref<2000x32xf32, #tpu.memory_space<vmem>>, %arg7: memref<2000x16xf32, #tpu.memory_space<vmem>>) attributes {dimension_semantics = [#tpu.dimension_semantics<arbitrary>], iteration_bounds = array<i64: 5>, scalar_prefetch = 0 : i64, scratch_operands = 0 : i64, tpu.core_type = #tpu.core_type<tc>, window_params = [{transform_indices = @transform_0, window_bounds = array<i64: 2000, 128>}, {pipeline_mode = #tpu.pipeline_mode<synchronous>, transform_indices = @transform_1, window_bounds = array<i64: 128, 16>}, {pipeline_mode = #tpu.pipeline_mode<synchronous>, transform_indices = @transform_2, window_bounds = array<i64: 128, 16>}, {pipeline_mode = #tpu.pipeline_mode<synchronous>, transform_indices = @transform_3, window_bounds = array<i64: 128, 16>}, {pipeline_mode = #tpu.pipeline_mode<synchronous>, transform_indices = @transform_4, window_bounds = array<i64: 1, 16>}, {transform_indices = @transform_5, window_bounds = array<i64: 2000, 32>}, {transform_indices = @transform_6, window_bounds = array<i64: 2000, 16>}]} {
    %get3A = arith.constant 0 : index
    %get3A_0 = arith.constant 0 : index
    %get3A_1 = vector.load %arg1[%get3A, %get3A_0] : memref<2000x128xf32, #tpu.memory_space<vmem>>, vector<2000x128xf32>
    %get3A_2 = arith.constant 0 : index
    %get3A_3 = arith.constant 0 : index
    %get3A_4 = vector.load %arg2[%get3A_2, %get3A_3] : memref<128x16xf32, #tpu.memory_space<vmem>>, vector<128x16xf32>
    %dot_general3A = arith.constant dense<0.000000e+00> : vector<2000x16xf32>
    %dot_general3A_5 = tpu.matmul %get3A_1, %get3A_4, %dot_general3A {dimension_numbers = #tpu.dot_dimension_numbers<[1], [0], [0], [1], [0, 0, 1, 1], [], []>, transpose_lhs_hint = false} : vector<2000x128xf32>, vector<128x16xf32>, vector<2000x16xf32> -> vector<2000x16xf32>
    %swap3A = arith.constant 0 : index
    %swap3A_6 = arith.constant 0 : index
    %swap3A_7 = vector.load %arg6[%swap3A, %swap3A_6] : memref<2000x32xf32, #tpu.memory_space<vmem>>, vector<2000x16xf32>
    tpu.vector_store %arg6[%swap3A, %swap3A_6], %dot_general3A_5 {strides = array<i32>} : memref<2000x32xf32, #tpu.memory_space<vmem>>, vector<2000x16xf32>,
    %get3A_8 = arith.constant 0 : index
    %get3A_9 = arith.constant 0 : index
    %get3A_10 = vector.load %arg3[%get3A_8, %get3A_9] : memref<128x16xf32, #tpu.memory_space<vmem>>, vector<128x16xf32>
    %dot_general3A_11 = arith.constant dense<0.000000e+00> : vector<2000x16xf32>
    %dot_general3A_12 = tpu.matmul %get3A_1, %get3A_10, %dot_general3A_11 {dimension_numbers = #tpu.dot_dimension_numbers<[1], [0], [0], [1], [0, 0, 1, 1], [], []>, transpose_lhs_hint = false} : vector<2000x128xf32>, vector<128x16xf32>, vector<2000x16xf32> -> vector<2000x16xf32>
    %swap3A_13 = arith.constant 0 : index
    %swap3A_14 = arith.constant 16 : index
    %swap3A_15 = vector.load %arg6[%swap3A_13, %swap3A_14] : memref<2000x32xf32, #tpu.memory_space<vmem>>, vector<2000x16xf32>
    tpu.vector_store %arg6[%swap3A_13, %swap3A_14], %dot_general3A_12 {strides = array<i32>} : memref<2000x32xf32, #tpu.memory_space<vmem>>, vector<2000x16xf32>,
    %get3A_16 = arith.constant 0 : index
    %get3A_17 = arith.constant 0 : index
    %get3A_18 = vector.load %arg4[%get3A_16, %get3A_17] : memref<128x16xf32, #tpu.memory_space<vmem>>, vector<128x16xf32>
    %dot_general3A_19 = arith.constant dense<0.000000e+00> : vector<2000x16xf32>
    %dot_general3A_20 = tpu.matmul %get3A_1, %get3A_18, %dot_general3A_19 {dimension_numbers = #tpu.dot_dimension_numbers<[1], [0], [0], [1], [0, 0, 1, 1], [], []>, transpose_lhs_hint = false} : vector<2000x128xf32>, vector<128x16xf32>, vector<2000x16xf32> -> vector<2000x16xf32>
    %get3A_21 = arith.constant 0 : index
    %get3A_22 = arith.constant 0 : index
    %get3A_23 = vector.load %arg5[%get3A_21, %get3A_22] : memref<1x16xf32, #tpu.memory_space<vmem>>, vector<1x16xf32>
    %add3A = vector.broadcast %get3A_23 : vector<1x16xf32> to vector<2000x16xf32>
    %add3A_24 = arith.addf %dot_general3A_20, %add3A : vector<2000x16xf32>
    %swap3A_25 = arith.constant 0 : index
    %swap3A_26 = arith.constant 0 : index
    %swap3A_27 = vector.load %arg7[%swap3A_25, %swap3A_26] : memref<2000x16xf32, #tpu.memory_space<vmem>>, vector<2000x16xf32>
    tpu.vector_store %arg7[%swap3A_25, %swap3A_26], %add3A_24 {strides = array<i32>} : memref<2000x16xf32, #tpu.memory_space<vmem>>, vector<2000x16xf32>,
    return
  }
  func.func @transform_0(%arg0: i32) -> (i32, i32) {
    %c0_i32 = arith.constant 0 : i32
    %c0_i32_0 = arith.constant 0 : i32
    return %arg0, %c0_i32 : i32, i32
  }
  func.func @transform_1(%arg0: i32) -> (i32, i32) {
    %c0_i32 = arith.constant 0 : i32
    %c0_i32_0 = arith.constant 0 : i32
    %c0_i32_1 = arith.constant 0 : i32
    return %c0_i32, %c0_i32_0 : i32, i32
  }
  func.func @transform_2(%arg0: i32) -> (i32, i32) {
    %c0_i32 = arith.constant 0 : i32
    %c0_i32_0 = arith.constant 0 : i32
    %c0_i32_1 = arith.constant 0 : i32
    return %c0_i32, %c0_i32_0 : i32, i32
  }
  func.func @transform_3(%arg0: i32) -> (i32, i32) {
    %c0_i32 = arith.constant 0 : i32
    %c0_i32_0 = arith.constant 0 : i32
    %c0_i32_1 = arith.constant 0 : i32
    return %c0_i32, %c0_i32_0 : i32, i32
  }
  func.func @transform_4(%arg0: i32) -> (i32, i32) {
    %c0_i32 = arith.constant 0 : i32
    %c0_i32_0 = arith.constant 0 : i32
    %c0_i32_1 = arith.constant 0 : i32
    return %c0_i32, %c0_i32_0 : i32, i32
  }
  func.func @transform_5(%arg0: i32) -> (i32, i32) {
    %c0_i32 = arith.constant 0 : i32
    %c0_i32_0 = arith.constant 0 : i32
    return %arg0, %c0_i32 : i32, i32
  }
  func.func @transform_6(%arg0: i32) -> (i32, i32) {
    %c0_i32 = arith.constant 0 : i32
    %c0_i32_0 = arith.constant 0 : i32
    return %arg0, %c0_i32 : i32, i32
  }
}

module attributes {stable_mosaic.version = 14 : i64} {
  func.func @_mid_kernel(%arg0: i32, %arg1: memref<2x2000x16xf32, #tpu.memory_space<vmem>>, %arg2: memref<2x2000x1xf32, #tpu.memory_space<vmem>>, %arg3: memref<2000x16xf32, #tpu.memory_space<vmem>>, %arg4: memref<16x16xf32, #tpu.memory_space<vmem>>, %arg5: memref<16x16xf32, #tpu.memory_space<vmem>>, %arg6: memref<16x16xf32, #tpu.memory_space<vmem>>, %arg7: memref<1x16xf32, #tpu.memory_space<vmem>>, %arg8: memref<2000x32xf32, #tpu.memory_space<vmem>>, %arg9: memref<2000x16xf32, #tpu.memory_space<vmem>>) attributes {dimension_semantics = [#tpu.dimension_semantics<arbitrary>], iteration_bounds = array<i64: 5>, scalar_prefetch = 0 : i64, scratch_operands = 0 : i64, tpu.core_type = #tpu.core_type<tc>, window_params = [{transform_indices = @transform_0, window_bounds = array<i64: 2, 2000, 16>}, {transform_indices = @transform_1, window_bounds = array<i64: 2, 2000, 1>}, {transform_indices = @transform_2, window_bounds = array<i64: 2000, 16>}, {pipeline_mode = #tpu.pipeline_mode<synchronous>, transform_indices = @transform_3, window_bounds = array<i64: 16, 16>}, {pipeline_mode = #tpu.pipeline_mode<synchronous>, transform_indices = @transform_4, window_bounds = array<i64: 16, 16>}, {pipeline_mode = #tpu.pipeline_mode<synchronous>, transform_indices = @transform_5, window_bounds = array<i64: 16, 16>}, {pipeline_mode = #tpu.pipeline_mode<synchronous>, transform_indices = @transform_6, window_bounds = array<i64: 1, 16>}, {transform_indices = @transform_7, window_bounds = array<i64: 2000, 32>}, {transform_indices = @transform_8, window_bounds = array<i64: 2000, 16>}]} {
    %get3A = arith.constant 0 : index
    %get3A_0 = arith.constant 0 : index
    %get3A_1 = arith.constant 0 : index
    %get3A_2 = vector.load %arg1[%get3A, %get3A_0, %get3A_1] : memref<2x2000x16xf32, #tpu.memory_space<vmem>>, vector<1x2000x16xf32>
    %get3A_3 = vector.shape_cast %get3A_2 : vector<1x2000x16xf32> to vector<2000x16xf32>
    %get3A_4 = arith.constant 1 : index
    %get3A_5 = arith.constant 0 : index
    %get3A_6 = arith.constant 0 : index
    %get3A_7 = vector.load %arg1[%get3A_4, %get3A_5, %get3A_6] : memref<2x2000x16xf32, #tpu.memory_space<vmem>>, vector<1x2000x16xf32>
    %get3A_8 = vector.shape_cast %get3A_7 : vector<1x2000x16xf32> to vector<2000x16xf32>
    %add3A = arith.addf %get3A_3, %get3A_8 : vector<2000x16xf32>
    %get3A_9 = arith.constant 0 : index
    %get3A_10 = arith.constant 0 : index
    %get3A_11 = arith.constant 0 : index
    %get3A_12 = vector.load %arg2[%get3A_9, %get3A_10, %get3A_11] : memref<2x2000x1xf32, #tpu.memory_space<vmem>>, vector<1x2000x1xf32>
    %get3A_13 = vector.shape_cast %get3A_12 : vector<1x2000x1xf32> to vector<2000x1xf32>
    %get3A_14 = arith.constant 1 : index
    %get3A_15 = arith.constant 0 : index
    %get3A_16 = arith.constant 0 : index
    %get3A_17 = vector.load %arg2[%get3A_14, %get3A_15, %get3A_16] : memref<2x2000x1xf32, #tpu.memory_space<vmem>>, vector<1x2000x1xf32>
    %get3A_18 = vector.shape_cast %get3A_17 : vector<1x2000x1xf32> to vector<2000x1xf32>
    %add3A_19 = arith.addf %get3A_13, %get3A_18 : vector<2000x1xf32>
    %max3A = arith.constant 1.000000e+00 : f32
    %max3A_20 = vector.broadcast %max3A : f32 to vector<2000x1xf32>
    %max3A_21 = arith.maximumf %add3A_19, %max3A_20 : vector<2000x1xf32>
    %div3A = vector.broadcast %max3A_21 : vector<2000x1xf32> to vector<2000x16xf32>
    %div3A_22 = arith.divf %add3A, %div3A : vector<2000x16xf32>
    %get3A_23 = arith.constant 0 : index
    %get3A_24 = arith.constant 0 : index
    %get3A_25 = vector.load %arg3[%get3A_23, %get3A_24] : memref<2000x16xf32, #tpu.memory_space<vmem>>, vector<2000x16xf32>
    %add3A_26 = arith.addf %div3A_22, %get3A_25 : vector<2000x16xf32>
    %gt3A = arith.constant 0.000000e+00 : f32
    %gt3A_27 = vector.broadcast %gt3A : f32 to vector<2000x16xf32>
    %gt3A_28 = arith.cmpf ogt, %add3A_26, %gt3A_27 : vector<2000x16xf32>
    %exp3A = math.exp %add3A_26 : vector<2000x16xf32>
    %sub3A = arith.constant 1.000000e+00 : f32
    %sub3A_29 = vector.broadcast %sub3A : f32 to vector<2000x16xf32>
    %sub3A_30 = arith.subf %exp3A, %sub3A_29 : vector<2000x16xf32>
    %select_n3A = arith.select %gt3A_28, %add3A_26, %sub3A_30 : vector<2000x16xi1>, vector<2000x16xf32>
    %get3A_31 = arith.constant 0 : index
    %get3A_32 = arith.constant 0 : index
    %get3A_33 = vector.load %arg4[%get3A_31, %get3A_32] : memref<16x16xf32, #tpu.memory_space<vmem>>, vector<16x16xf32>
    %dot_general3A = arith.constant dense<0.000000e+00> : vector<2000x16xf32>
    %dot_general3A_34 = tpu.matmul %select_n3A, %get3A_33, %dot_general3A {dimension_numbers = #tpu.dot_dimension_numbers<[1], [0], [0], [1], [0, 0, 1, 1], [], []>, transpose_lhs_hint = false} : vector<2000x16xf32>, vector<16x16xf32>, vector<2000x16xf32> -> vector<2000x16xf32>
    %swap3A = arith.constant 0 : index
    %swap3A_35 = arith.constant 0 : index
    %swap3A_36 = vector.load %arg8[%swap3A, %swap3A_35] : memref<2000x32xf32, #tpu.memory_space<vmem>>, vector<2000x16xf32>
    tpu.vector_store %arg8[%swap3A, %swap3A_35], %dot_general3A_34 {strides = array<i32>} : memref<2000x32xf32, #tpu.memory_space<vmem>>, vector<2000x16xf32>,
    %get3A_37 = arith.constant 0 : index
    %get3A_38 = arith.constant 0 : index
    %get3A_39 = vector.load %arg5[%get3A_37, %get3A_38] : memref<16x16xf32, #tpu.memory_space<vmem>>, vector<16x16xf32>
    %dot_general3A_40 = arith.constant dense<0.000000e+00> : vector<2000x16xf32>
    %dot_general3A_41 = tpu.matmul %select_n3A, %get3A_39, %dot_general3A_40 {dimension_numbers = #tpu.dot_dimension_numbers<[1], [0], [0], [1], [0, 0, 1, 1], [], []>, transpose_lhs_hint = false} : vector<2000x16xf32>, vector<16x16xf32>, vector<2000x16xf32> -> vector<2000x16xf32>
    %swap3A_42 = arith.constant 0 : index
    %swap3A_43 = arith.constant 16 : index
    %swap3A_44 = vector.load %arg8[%swap3A_42, %swap3A_43] : memref<2000x32xf32, #tpu.memory_space<vmem>>, vector<2000x16xf32>
    tpu.vector_store %arg8[%swap3A_42, %swap3A_43], %dot_general3A_41 {strides = array<i32>} : memref<2000x32xf32, #tpu.memory_space<vmem>>, vector<2000x16xf32>,
    %get3A_45 = arith.constant 0 : index
    %get3A_46 = arith.constant 0 : index
    %get3A_47 = vector.load %arg6[%get3A_45, %get3A_46] : memref<16x16xf32, #tpu.memory_space<vmem>>, vector<16x16xf32>
    %dot_general3A_48 = arith.constant dense<0.000000e+00> : vector<2000x16xf32>
    %dot_general3A_49 = tpu.matmul %select_n3A, %get3A_47, %dot_general3A_48 {dimension_numbers = #tpu.dot_dimension_numbers<[1], [0], [0], [1], [0, 0, 1, 1], [], []>, transpose_lhs_hint = false} : vector<2000x16xf32>, vector<16x16xf32>, vector<2000x16xf32> -> vector<2000x16xf32>
    %get3A_50 = arith.constant 0 : index
    %get3A_51 = arith.constant 0 : index
    %get3A_52 = vector.load %arg7[%get3A_50, %get3A_51] : memref<1x16xf32, #tpu.memory_space<vmem>>, vector<1x16xf32>
    %add3A_53 = vector.broadcast %get3A_52 : vector<1x16xf32> to vector<2000x16xf32>
    %add3A_54 = arith.addf %dot_general3A_49, %add3A_53 : vector<2000x16xf32>
    %swap3A_55 = arith.constant 0 : index
    %swap3A_56 = arith.constant 0 : index
    %swap3A_57 = vector.load %arg9[%swap3A_55, %swap3A_56] : memref<2000x16xf32, #tpu.memory_space<vmem>>, vector<2000x16xf32>
    tpu.vector_store %arg9[%swap3A_55, %swap3A_56], %add3A_54 {strides = array<i32>} : memref<2000x16xf32, #tpu.memory_space<vmem>>, vector<2000x16xf32>,
    return
  }
  func.func @transform_0(%arg0: i32) -> (i32, i32, i32) {
    %c0_i32 = arith.constant 0 : i32
    %c0_i32_0 = arith.constant 0 : i32
    %c0_i32_1 = arith.constant 0 : i32
    return %c0_i32, %arg0, %c0_i32_0 : i32, i32, i32
  }
  func.func @transform_1(%arg0: i32) -> (i32, i32, i32) {
    %c0_i32 = arith.constant 0 : i32
    %c0_i32_0 = arith.constant 0 : i32
    %c0_i32_1 = arith.constant 0 : i32
    return %c0_i32, %arg0, %c0_i32_0 : i32, i32, i32
  }
  func.func @transform_2(%arg0: i32) -> (i32, i32) {
    %c0_i32 = arith.constant 0 : i32
    %c0_i32_0 = arith.constant 0 : i32
    return %arg0, %c0_i32 : i32, i32
  }
  func.func @transform_3(%arg0: i32) -> (i32, i32) {
    %c0_i32 = arith.constant 0 : i32
    %c0_i32_0 = arith.constant 0 : i32
    %c0_i32_1 = arith.constant 0 : i32
    return %c0_i32, %c0_i32_0 : i32, i32
  }
  func.func @transform_4(%arg0: i32) -> (i32, i32) {
    %c0_i32 = arith.constant 0 : i32
    %c0_i32_0 = arith.constant 0 : i32
    %c0_i32_1 = arith.constant 0 : i32
    return %c0_i32, %c0_i32_0 : i32, i32
  }
  func.func @transform_5(%arg0: i32) -> (i32, i32) {
    %c0_i32 = arith.constant 0 : i32
    %c0_i32_0 = arith.constant 0 : i32
    %c0_i32_1 = arith.constant 0 : i32
    return %c0_i32, %c0_i32_0 : i32, i32
  }
  func.func @transform_6(%arg0: i32) -> (i32, i32) {
    %c0_i32 = arith.constant 0 : i32
    %c0_i32_0 = arith.constant 0 : i32
    %c0_i32_1 = arith.constant 0 : i32
    return %c0_i32, %c0_i32_0 : i32, i32
  }
  func.func @transform_7(%arg0: i32) -> (i32, i32) {
    %c0_i32 = arith.constant 0 : i32
    %c0_i32_0 = arith.constant 0 : i32
    return %arg0, %c0_i32 : i32, i32
  }
  func.func @transform_8(%arg0: i32) -> (i32, i32) {
    %c0_i32 = arith.constant 0 : i32
    %c0_i32_0 = arith.constant 0 : i32
    return %arg0, %c0_i32 : i32, i32
  }
}

module attributes {stable_mosaic.version = 14 : i64} {
  func.func @_final_kernel(%arg0: i32, %arg1: memref<2x2000x16xf32, #tpu.memory_space<vmem>>, %arg2: memref<2x2000x1xf32, #tpu.memory_space<vmem>>, %arg3: memref<2000x16xf32, #tpu.memory_space<vmem>>, %arg4: memref<2000x16xf32, #tpu.memory_space<vmem>>) attributes {dimension_semantics = [#tpu.dimension_semantics<arbitrary>], iteration_bounds = array<i64: 5>, scalar_prefetch = 0 : i64, scratch_operands = 0 : i64, tpu.core_type = #tpu.core_type<tc>, window_params = [{transform_indices = @transform_0, window_bounds = array<i64: 2, 2000, 16>}, {transform_indices = @transform_1, window_bounds = array<i64: 2, 2000, 1>}, {transform_indices = @transform_2, window_bounds = array<i64: 2000, 16>}, {transform_indices = @transform_3, window_bounds = array<i64: 2000, 16>}]} {
    %get3A = arith.constant 0 : index
    %get3A_0 = arith.constant 0 : index
    %get3A_1 = arith.constant 0 : index
    %get3A_2 = vector.load %arg1[%get3A, %get3A_0, %get3A_1] : memref<2x2000x16xf32, #tpu.memory_space<vmem>>, vector<1x2000x16xf32>
    %get3A_3 = vector.shape_cast %get3A_2 : vector<1x2000x16xf32> to vector<2000x16xf32>
    %get3A_4 = arith.constant 1 : index
    %get3A_5 = arith.constant 0 : index
    %get3A_6 = arith.constant 0 : index
    %get3A_7 = vector.load %arg1[%get3A_4, %get3A_5, %get3A_6] : memref<2x2000x16xf32, #tpu.memory_space<vmem>>, vector<1x2000x16xf32>
    %get3A_8 = vector.shape_cast %get3A_7 : vector<1x2000x16xf32> to vector<2000x16xf32>
    %add3A = arith.addf %get3A_3, %get3A_8 : vector<2000x16xf32>
    %get3A_9 = arith.constant 0 : index
    %get3A_10 = arith.constant 0 : index
    %get3A_11 = arith.constant 0 : index
    %get3A_12 = vector.load %arg2[%get3A_9, %get3A_10, %get3A_11] : memref<2x2000x1xf32, #tpu.memory_space<vmem>>, vector<1x2000x1xf32>
    %get3A_13 = vector.shape_cast %get3A_12 : vector<1x2000x1xf32> to vector<2000x1xf32>
    %get3A_14 = arith.constant 1 : index
    %get3A_15 = arith.constant 0 : index
    %get3A_16 = arith.constant 0 : index
    %get3A_17 = vector.load %arg2[%get3A_14, %get3A_15, %get3A_16] : memref<2x2000x1xf32, #tpu.memory_space<vmem>>, vector<1x2000x1xf32>
    %get3A_18 = vector.shape_cast %get3A_17 : vector<1x2000x1xf32> to vector<2000x1xf32>
    %add3A_19 = arith.addf %get3A_13, %get3A_18 : vector<2000x1xf32>
    %max3A = arith.constant 1.000000e+00 : f32
    %max3A_20 = vector.broadcast %max3A : f32 to vector<2000x1xf32>
    %max3A_21 = arith.maximumf %add3A_19, %max3A_20 : vector<2000x1xf32>
    %div3A = vector.broadcast %max3A_21 : vector<2000x1xf32> to vector<2000x16xf32>
    %div3A_22 = arith.divf %add3A, %div3A : vector<2000x16xf32>
    %get3A_23 = arith.constant 0 : index
    %get3A_24 = arith.constant 0 : index
    %get3A_25 = vector.load %arg3[%get3A_23, %get3A_24] : memref<2000x16xf32, #tpu.memory_space<vmem>>, vector<2000x16xf32>
    %add3A_26 = arith.addf %div3A_22, %get3A_25 : vector<2000x16xf32>
    %iota3A = tpu.iota {dimensions = array<i32: 1>} : vector<2000x16xi32>
    %ge3A = arith.constant 7 : i32
    %ge3A_27 = vector.broadcast %ge3A : i32 to vector<2000x16xi32>
    %ge3A_28 = arith.cmpi sge, %iota3A, %ge3A_27 : vector<2000x16xi32>
    %jit3A = arith.constant -1.000000e+30 : f32
    %broadcast_in_dim3A = vector.broadcast %jit3A : f32 to vector<2000x16xf32>
    %select_n3A = arith.select %ge3A_28, %broadcast_in_dim3A, %add3A_26 : vector<2000x16xi1>, vector<2000x16xf32>
    %reduce_max3A = arith.constant dense<0xFF800000> : vector<2000xf32>
    %reduce_max3A_29 = vector.multi_reduction <maximumf>, %select_n3A, %reduce_max3A [1] : vector<2000x16xf32> to vector<2000xf32>
    %broadcast_in_dim3A_30 = vector.shape_cast %reduce_max3A_29 : vector<2000xf32> to vector<2000x1xf32>
    %sub3A = vector.broadcast %broadcast_in_dim3A_30 : vector<2000x1xf32> to vector<2000x16xf32>
    %sub3A_31 = arith.subf %select_n3A, %sub3A : vector<2000x16xf32>
    %exp3A = math.exp %sub3A_31 : vector<2000x16xf32>
    %reduce_sum3A = arith.constant dense<0.000000e+00> : vector<2000xf32>
    %reduce_sum3A_32 = vector.multi_reduction <add>, %exp3A, %reduce_sum3A [1] : vector<2000x16xf32> to vector<2000xf32>
    %broadcast_in_dim3A_33 = vector.shape_cast %reduce_sum3A_32 : vector<2000xf32> to vector<2000x1xf32>
    %log3A = math.log %broadcast_in_dim3A_33 : vector<2000x1xf32>
    %sub3A_34 = vector.broadcast %broadcast_in_dim3A_30 : vector<2000x1xf32> to vector<2000x16xf32>
    %sub3A_35 = arith.subf %select_n3A, %sub3A_34 : vector<2000x16xf32>
    %sub3A_36 = vector.broadcast %log3A : vector<2000x1xf32> to vector<2000x16xf32>
    %sub3A_37 = arith.subf %sub3A_35, %sub3A_36 : vector<2000x16xf32>
    %swap3A = arith.constant 0 : index
    %swap3A_38 = arith.constant 0 : index
    %swap3A_39 = vector.load %arg4[%swap3A, %swap3A_38] : memref<2000x16xf32, #tpu.memory_space<vmem>>, vector<2000x16xf32>
    tpu.vector_store %arg4[%swap3A, %swap3A_38], %sub3A_37 {strides = array<i32>} : memref<2000x16xf32, #tpu.memory_space<vmem>>, vector<2000x16xf32>,
    return
  }
  func.func @transform_0(%arg0: i32) -> (i32, i32, i32) {
    %c0_i32 = arith.constant 0 : i32
    %c0_i32_0 = arith.constant 0 : i32
    %c0_i32_1 = arith.constant 0 : i32
    return %c0_i32, %arg0, %c0_i32_0 : i32, i32, i32
  }
  func.func @transform_1(%arg0: i32) -> (i32, i32, i32) {
    %c0_i32 = arith.constant 0 : i32
    %c0_i32_0 = arith.constant 0 : i32
    %c0_i32_1 = arith.constant 0 : i32
    return %c0_i32, %arg0, %c0_i32_0 : i32, i32, i32
  }
  func.func @transform_2(%arg0: i32) -> (i32, i32) {
    %c0_i32 = arith.constant 0 : i32
    %c0_i32_0 = arith.constant 0 : i32
    return %arg0, %c0_i32 : i32, i32
  }
  func.func @transform_3(%arg0: i32) -> (i32, i32) {
    %c0_i32 = arith.constant 0 : i32
    %c0_i32_0 = arith.constant 0 : i32
    return %arg0, %c0_i32 : i32, i32
  }
}

</mosaic_0001>

<sc_bundles>
// kernel: kernel.10.cloned.1.call-start
scs
__scs_entry_jumppad:
0x0: {  	(pc) =	sbr.rel $0x88, $3  }
0x1: {  	(tag) =	ssettag $0x0;
	lr =	simm.s32 $0x1  }
0x2: {  	[smem:$0x3F98] =	sst lr;
	_ =	strace $0xD0000000  }
0x3: {  	_ = 	snop  }
0x4: {  	_ = 	snop  }
0x5: {  	_ = 	snop  }
0x6: {  	_ = 	snop  }
0x7: {  	_ = 	snop  }
__scs_overlays_trampoline_lowered:
0x8: {  	[smem:$0x3FA7] =	sst s0  }
0x9: {  	[smem:$0x3FA8] =	sst s1  }
0xa: {  	[smem:$0x3FA9] =	sst s2  }
0xb: {  	[smem:$0x3FAA] =	sst s3  }
0xc: {  	[smem:$0x3FAB] =	sst s4  }
0xd: {  	[smem:$0x3FAC] =	sst s5  }
0xe: {  	[smem:$0x3FAD] =	sst s6  }
0xf: {  	[smem:$0x3FAE] =	sst s7  }
0x10: {  	[smem:$0x3FAF] =	sst s8  }
0x11: {  	[smem:$0x3FB0] =	sst s9;
	s0 =	simm.s32 @!p0 $0x0  }
0x12: {  	s1 =	sld [smem:$0x3F96];
	s0 =	simm.s32 @p0 $0x1  }
0x13: {  	[smem:$0x3FB1] =	sst s0;
	s0 =	simm.s32 @!p1 $0x0  }
0x14: {  	s2 =	sld [smem:$0x3F95];
	s0 =	simm.s32 @p1 $0x1  }
0x15: {  	[smem:$0x3FB2] =	sst s0;
	s0 =	simm.s32 @!p2 $0x0  }
0x16: {  	s3 =	sld [smem:$0x3FDB];
	s0 =	simm.s32 @p2 $0x1  }
0x17: {  	s4 =	simm.s32 $0x1BF5;
	[smem:$0x3FB4] =	sst s0  }
0x18: {  	s0 =	sld [smem:$0x3F97];
	_ =	swait.ge [sflag:s4], $0x0  }
0x19: {  	s7 =	sld [smem:$0x3F98]  }
0x1a: {  	s8 =	sadd.s32 $0xFFFFE003, lr  }
0x1b: {  	s9 =	sadd.s32 $0xFFFFFEF7, lr;
	s5 =	simm.s32 $0xFFFFFFFF;
	p2 =	slt.u32 s8, $0xFFFFF086  }
0x1c: {  	p1 =	slt.u32 s9, $0xF7A;
	s5 =	simm.s32 @!p2 $0x0  }
0x1d: {  	s5 =	simm.s32 @p1 $0x1;
	p0 =	seq.s32 s7, s2  }
0x1e: {  	s7 =	smul.u32 @!p0 $0xF7A, s2;
	p2 =	seq.s32 @!p0 s5, $0x0  }
0x1f: {  	s9 =	smul.u32 $0xF7A, s1;
	s8 =	simm.s32 @!p0 $0x1BF5;
	p2 =	por !p2, p0  }
0x20: {  	[sflag:s8] =	ssyncset.s32 @!p0 $0xFFFFF086;
	s6 =	sadd.s32 @!p0 s3, s7;
	s7 =	simm.s32 @!p0 $0x108  }
0x21: {  	s3 =	sadd.s32 s3, s9;
	s6 =	sadd.s32 @!p0 $0x88, s6;
	s7 =	simm.s32 @p2 $0x1082  }
0x22: {  	[simem:s7], [sflag:s8] =	dma.local @!p0 [hbm:s6], $0xF7A  }
0x23: {  	s9 =	sor.u32 $0xD0000000, s2;
	s6 =	simm.s32 $0x108;
	_ =	swait.ge @!p0 [sflag:s8], $0x0  }
0x24: {  	s3 =	sadd.s32 $0x88, s3;
	s6 =	simm.s32 @!p1 $0x1082;
	[sflag:s4] =	ssyncset.s32 $0xFFFFF086  }
0x25: {  	[simem:s6], [sflag:s4] =	dma.local [hbm:s3], $0xF7A  }
0x26: {  	[smem:$0x3F98] =	sst s1;
	(tag) =	ssettag s2;
	_ =	strace s9  }
0x27: {  	s1 =	sld [smem:$0x3FA8]  }
0x28: {  	s2 =	sld [smem:$0x3FA9]  }
0x29: {  	s4 =	sld [smem:$0x3FAB]  }
0x2a: {  	p0 =	seq.s32 s5, $0x0;
	s5 =	sld [smem:$0x3FAC]  }
0x2b: {  	s6 =	sld [smem:$0x3FAD]  }
0x2c: {  	s7 =	sld [smem:$0x3FAE]  }
0x2d: {  	s3 =	simm.s32 $0x108;
	s8 =	sld [smem:$0x3FAF]  }
0x2e: {  	s3 =	simm.s32 @!p0 $0x1082;
	s9 =	sld [smem:$0x3FB0]  }
0x2f: {  	lr =	sadd.s32 s0, s3;
	s0 =	sld [smem:$0x3FA7]  }
0x30: {  	s3 =	sld [smem:$0x3FAA]  }
0x31: {  	[smem:$0x3FB3] =	sst s10  }
0x32: {  	s10 =	sld [smem:$0x3FB1];
	_ =	sdelay $0x3  }
0x33: {  	p0 =	seq.s32 s10, $0x1;
	s10 =	sld [smem:$0x3FB3];
	_ =	sdelay $0x3  }
0x34: {  	[smem:$0x3FB3] =	sst s10  }
0x35: {  	s10 =	sld [smem:$0x3FB2];
	_ =	sdelay $0x3  }
0x36: {  	p1 =	seq.s32 s10, $0x1;
	s10 =	sld [smem:$0x3FB3];
	_ =	sdelay $0x3  }
0x37: {  	[smem:$0x3FB3] =	sst s10  }
0x38: {  	s10 =	sld [smem:$0x3FB4]  }
0x39: {  	_ = 	snop;
	(pc) =	sbr.ind lr, $3  }
0x3a: {  	_ = 	snop  }
0x3b: {  	_ = 	snop  }
0x3c: {  	p2 =	seq.s32 s10, $0x1;
	s10 =	sld [smem:$0x3FB3]  }
0x3d: {  	_ =	shalt  }
0x3e: {  	_ =	shalt  }
0x3f: {  	_ =	shalt  }
0x40: {  	_ =	shalt  }
0x41: {  	_ =	shalt  }
0x42: {  	_ =	shalt  }
0x43: {  	_ =	shalt  }
0x44: {  	_ =	shalt  }
0x45: {  	_ =	shalt  }
0x46: {  	_ =	shalt  }
0x47: {  	_ =	shalt  }
0x48: {  	_ =	shalt  }
0x49: {  	_ =	shalt  }
0x4a: {  	_ =	shalt  }
0x4b: {  	_ =	shalt  }
0x4c: {  	_ =	shalt  }
0x4d: {  	_ =	shalt  }
0x4e: {  	_ =	shalt  }
0x4f: {  	_ =	shalt  }
0x50: {  	_ =	shalt  }
0x51: {  	_ =	shalt  }
0x52: {  	_ =	shalt  }
0x53: {  	_ =	shalt  }
0x54: {  	_ =	shalt  }
0x55: {  	_ =	shalt  }
0x56: {  	_ =	shalt  }
0x57: {  	_ =	shalt  }
0x58: {  	_ =	shalt  }
0x59: {  	_ =	shalt  }
0x5a: {  	_ =	shalt  }
0x5b: {  	_ =	shalt  }
0x5c: {  	_ =	shalt  }
0x5d: {  	_ =	shalt  }
0x5e: {  	_ =	shalt  }
0x5f: {  	_ =	shalt  }
0x60: {  	_ =	shalt  }
0x61: {  	_ =	shalt  }
0x62: {  	_ =	shalt  }
0x63: {  	_ =	shalt  }
0x64: {  	_ =	shalt  }
0x65: {  	_ =	shalt  }
0x66: {  	_ =	shalt  }
0x67: {  	_ =	shalt  }
0x68: {  	_ =	shalt  }
0x69: {  	_ =	shalt  }
0x6a: {  	_ =	shalt  }
0x6b: {  	_ =	shalt  }
0x6c: {  	_ =	shalt  }
0x6d: {  	_ =	shalt  }
0x6e: {  	_ =	shalt  }
0x6f: {  	_ =	shalt  }
0x70: {  	_ =	shalt  }
0x71: {  	_ =	shalt  }
0x72: {  	_ =	shalt  }
0x73: {  	_ =	shalt  }
0x74: {  	_ =	shalt  }
0x75: {  	_ =	shalt  }
0x76: {  	_ =	shalt  }
0x77: {  	_ =	shalt  }
0x78: {  	_ =	shalt  }
0x79: {  	_ =	shalt  }
0x7a: {  	_ =	shalt  }
0x7b: {  	_ =	shalt  }
0x7c: {  	_ =	shalt  }
0x7d: {  	_ =	shalt  }
0x7e: {  	_ =	shalt  }
0x7f: {  	_ =	shalt  }
0x80: {  	_ =	shalt  }
0x81: {  	_ =	shalt  }
0x82: {  	_ =	shalt  }
0x83: {  	_ =	shalt  }
0x84: {  	_ =	shalt  }
0x85: {  	_ =	shalt  }
0x86: {  	_ =	shalt  }
0x87: {  	_ =	shalt  }
.Lfunc_end0:
.L_simem_size_0:
called_computation.1_lowered:
.L_overlay_start_0:
0x88: {  	s2 =	sld [smem:$0x3FD9]  }
0x89: {  	s3 =	sld [smem:$0x3FFE];
	_ =	sdelay $0x1  }
0x8a: {  	s1 =	srdreg.scid  }
0x8b: {  	s0 =	sand.u32 $0x1, s1  }
0x8c: {  	s16 =	sshll.u32 s0, $0xA;
	s2 =	sadd.s32 s3, s2  }
0x8d: {  	s2 =	sadd.s32 s2, s16  }
0x8e: {  	[smem:$0x3FBF] =	sst s2  }
0x8f: {  	_ = 	snop  }
0x90: {  	(tm) =	ssettm $0x1  }
0x91: {  	s17 =	sld [smem:$0x3FFB];
	_ =	sdelay $0x3  }
0x92: {  	_ =	strace s17  }
0x93: {  	s2 =	sld [smem:$0x3FFC];
	_ =	sdelay $0x3  }
0x94: {  	_ =	strace s2  }
0x95: {  	s2 =	sld [smem:$0x3FFD];
	_ =	sdelay $0x3  }
0x96: {  	_ =	strace s2  }
0x97: {  	_ =	strace $0x8FFFFFFF  }
0x98: {  	s18 =	sld [smem:$0x3FDB];
	_ =	sdelay $0x1  }
0x99: {  	s19 =	simm.s32 $_scs_section_size  }
0x9a: {  	s4 =	simm.s32 $_size__tile_overlayer_lowered;
	s5 =	simm.s32 $_tile_overlayer_lowered  }
0x9b: {  	s22 =	simm.s32 $0x1BFF;
	s21 =	sshll.u32 s5, $0x1;
	s2 =	sadd.s32 s19, s18  }
0x9c: {  	s6 =	simm.s32 $0x0;
	s20 =	sshll.u32 s4, $0x1;
	s4 =	sadd.s32 s21, s2  }
0x9d: {  	[timem:s6], [sflag:s22] =	dma.local [hbm:s4], s20  }
0x9e: {  	_ =	swait.ge [sflag:s22], s20  }
0x9f: {  	s3 =	ssub.s32 $0x0, s20;
	[sflag:s22] =	ssyncset.done $0x0  }
0xa0: {  	[sflag:s22] =	ssyncadd.s32 s3;
	_ =	sdelay $0x1  }
0xa1: {  	s23 =	simm.s32 $0x1B8B  }
0xa2: {  	_ =	swait.ge [sflag:s23], $0x1  }
0xa3: {  	[sflag:s23] =	ssyncset.done $0x0  }
0xa4: {  	s25 =	simm.s32 $0x1B8E;
	s24 =	sld [smem:$0x3FFE];
	[sflag:s23] =	ssyncadd.s32 $0xFFFFFFFF  }
0xa5: {  	s26 =	simm.s32 $execute0_lowered;
	[smem:$0x3FD2] =	sst s25  }
0xa6: {  	s4 =	sshll.u32 s26, $0x1;
	_ =	strace $0x80000049;
	[dreg:$0x1] =	wrdreg $0xFFFFFFFF  }
0xa7: {  	s28 =	simm.s32 $_size_execute0_lowered;
	s2 =	sadd.s32 s2, s4;
	[dreg:$0x0] =	wrdreg $0x0  }
0xa8: {  	s4 =	sshll.u32 s28, $0x1;
	[dreg:$0x2] =	wrdreg s2  }
0xa9: {  	[dreg:$0x3] =	wrdreg s4  }
0xaa: {  	[dreg:$0x4] =	wrdreg $0xC0  }
0xab: {  	_ =	task [dreg:s6], $0x5FFFF  }
0xac: {  	[dreg:$0x1] =	wrdreg $0xFFFFFFFF  }
0xad: {  	[dreg:$0x0] =	wrdreg $0x60  }
0xae: {  	[dreg:$0x2] =	wrdreg s24  }
0xaf: {  	[dreg:$0x3] =	wrdreg $0x140500  }
0xb0: {  	[dreg:$0x4] =	wrdreg $0x9  }
0xb1: {  	_ =	task.clear_ibuf [dreg:s6], $0x5FFFF;
	_ =	strace $0x90000049  }
0xb2: {  	s29 =	simm.s32 $0x9;
	_ =	strace $0x8000004B  }
0xb3: {  	_ =	swait.ge [sflag:s29], $0x1  }
0xb4: {  	[sflag:s29] =	ssyncadd.s32 $0xFFFFFFFF  }
0xb5: {  	_ =	strace $0x9000004B  }
0xb6: {  	_ =	sfence  }
0xb7: {  	s30 =	sld [smem:$0x0];
	_ =	sdelay $0x2  }
0xb8: {  	s31 =	sshll.u32 s1, $0xD;
	s1 =	sshrl.u32 s1, $0x2  }
0xb9: {  	s3 =	sand.u32 $0x4000, s31;
	s1 =	sadd.s32 s1, s30  }
0xba: {  	s0 =	sor.u32 s3, s0;
	s1 =	sshll.u32 s1, $0x11  }
0xbb: {  	s0 =	sor.u32 s1, s0  }
0xbc: {  	s0 =	sadd.s32 $0x8F2B, s0  }
0xbd: {  	[sflag:s0] =	ssyncadd.remote.s32 $0x1  }
0xbe: {  	_ =	sfence.sel $0xFFFF  }
0xbf: {  	[dreg:$0x0] =	wrdreg $0xFFFFFFFF;
	(pc) =	sbr.abs _section_cstart, $3  }
0xc0: {  	[dreg:$0x1] =	wrdreg $0xFFFFFFFF  }
0xc1: {  	_ =	task.clear_ibuf [dreg:s6], $0x2FFFF;
	_ =	strace $0x9FFFFFFF  }
0xc2: {  	(tm) =	ssettm $0x7FFFFFFF  }
0xc3: {  	_ =	shalt  }
tec
execute0_lowered:
.L_overlay_start_1:
0x0: {  	(tag) =	ssettag $0x1  }
0x1: {  	s0 =	srdreg.scid;
	s6 =	rddreg [dreg:$0x0]  }
0x2: {  	s2 =	rddreg [dreg:$0x1];
	s3 =	simm.s32 $0x0;
	s13 =	simm.s32 $0x4E20  }
0x3: {  	s14 =	simm.s32 $0xC350;
	s15 =	simm.s32 $0x190;
	s16 =	simm.s32 $0x7530  }
0x4: {  	s17 =	simm.s32 $0x7850;
	s18 =	simm.s32 $0x1;
	s19 =	simm.s32 $0x76C0  }
0x5: {  	s20 =	simm.s32 $0xAA50;
	s5 =	sand.u32 $0x1, s0;
	s0 =	stileid.u32  }
0x6: {  	s21 =	simm.s32 $0x0;
	[smem:$0x7FF] =	sst s3;
	s8 =	smul.u32 $0x4E20, s5  }
0x7: {  	s1 =	sshll.u32 s5, $0x4;
	s9 =	smul.u32 $0xFA0, s0;
	s5 =	ssub.s32 $0x2, s5  }
0x8: {  	s10 =	smul.u32 $0x1F400, s0;
	p0 =	sgt.u32 s0, $0x4;
	s4 =	sor.u32 s0, s1  }
0x9: {  	s1 =	rddreg [dreg:$0x2];
	_ =	strace $0x8000004A;
	s30 =	sshrl.u32 s5, $0x1  }
0xa: {  	s7 =	smul.u32 $0x4E2, s4;
	s4 =	sadd.s32 $0x14C00, s6;
	s8 =	sadd.s32 s9, s8  }
0xb: {  	s12 =	ssub.s32 s5, s30;
	s31 =	sshrl.u32 s10, $0x2;
	s11 =	sadd.s32 s8, s6  }
0xc: {  	s8 =	sadd.s32 s31, s2;
	s10 =	smax.u32 s12, $0x1;
	s12 =	simm.s32 $0x2710  }
0xd: {  	s7 =	sadd.s32 s7, s6;
	s9 =	sadd.s32 $0x28800, s11;
	s11 =	simm.s32 $0x2  }
0xe: {  	v0 =	vimm.f32 $0.0e+00;
	s5 =	sadd.s32 $0xAE00, s7;
	s6 =	sadd.s32 $0x1000, s7;
	s7 =	sadd.s32 $0x1EA00, s7  }
.LBB2_1:
0xf: {  	[tilespmem:s3], [sflag:$0x2] =	stream.linear.gather [hbm4b:s5+s3], $0x2710, $0x38;
	[tilespmem:$0x16760] =	vst v63  }
0x10: {  	_ =	swait.ge [sflag:s11], $0x2710  }
0x11: {  	[sflag:s11] =	ssyncset.done $0x0  }
0x12: {  	[sflag:s11] =	ssyncadd.s32 $0xFFFFD8F0  }
0x13: {  	[tilespmem:s12], [sflag:$0x2] =	stream.linear.gather [hbm4b:s6+s3], $0x2710, $0x38;
	[tilespmem:$0x16760] =	vst v63  }
0x14: {  	_ =	swait.ge [sflag:s11], $0x2710  }
0x15: {  	[sflag:s11] =	ssyncset.done $0x0  }
.Ltmp0:
0x16: {  	[sflag:s11] =	ssyncadd.s32 $0xFFFFD8F0;
	(pc) =	sbr.rel @p0 .LBB2_5-.Ltmp0, $4  }
0x17: {  	[tilespmem:s13], [sflag:$0x2] =	stream.linear.gather [hbm4b:s7+s3], $0x2710, $0x38;
	[tilespmem:$0x16760] =	vst v63  }
0x18: {  	_ =	swait.ge [sflag:s11], $0x2710  }
0x19: {  	[sflag:s11] =	ssyncset.done $0x0  }
0x1a: {  	[sflag:s11] =	ssyncadd.s32 $0xFFFFD8F0  }
0x1b: {  	s22 =	simm.s32 $0x40;
	s23 =	simm.s32 $0x0  }
.LBB2_3:
0x1c: {  	p1 =	sne.s32 s22, $0x1F3C0;
	[tilespmem:s23+$0xC350] =	vst v0;
	s23 =	smov.u32 s22;
	s22 =	sadd.s32 $0x40, s22  }
.Ltmp1:
0x1d: {  	(pc) =	sbr.rel @p1 .LBB2_3-.Ltmp1, $2  }
0x1e: {  	_ =	sdelay $0x2  }
0x1f: {  	s23 =	sshra.s32 s23, $0x2  }
0x20: {  	[tilespmem:s23+$0xC350] =	vst v0  }
0x21: {  	[spmem:s8] =	stream.linear.scatter [tilespmem:s14], [sflag:$0x2], $0x7D00, $0x38;
	[tilespmem:$0x16760] =	vst v63  }
0x22: {  	_ =	swait.ge [sflag:s11], $0x7D00  }
0x23: {  	[sflag:s11] =	ssyncset.done $0x0  }
0x24: {  	[sflag:s11] =	ssyncadd.s32 $0xFFFF8300  }
.LBB2_5:
0x25: {  	[bflag:$0x0] =	sbarrier.arrive $0xFFFF;
	s22 =	simm.s32 $0x0;
	s23 =	simm.s32 $0x4E20  }
.LBB2_6:
0x26: {  	s24 =	smul.u32 $0x190, s22;
	_ =	sdelay $0x1  }
0x27: {  	v1 =	vld [tilespmem:s24+$0x0];
	_ =	sdelay $0x4  }
0x28: {  	[tilespmem:$0x7530] =	vst v1  }
0x29: {  	v1 =	vld [tilespmem:s24+$0x2710];
	_ =	sdelay $0x4  }
0x2a: {  	[tilespmem:$0x76C0] =	vst v1  }
0x2b: {  	v1 =	vld [tilespmem:s24+$0x10];
	_ =	sdelay $0x4  }
0x2c: {  	[tilespmem:$0x7540] =	vst v1  }
0x2d: {  	v1 =	vld [tilespmem:s24+$0x2720];
	_ =	sdelay $0x4  }
0x2e: {  	[tilespmem:$0x76D0] =	vst v1  }
0x2f: {  	v1 =	vld [tilespmem:s24+$0x20];
	_ =	sdelay $0x4  }
0x30: {  	[tilespmem:$0x7550] =	vst v1  }
0x31: {  	v1 =	vld [tilespmem:s24+$0x2730];
	_ =	sdelay $0x4  }
0x32: {  	[tilespmem:$0x76E0] =	vst v1  }
0x33: {  	v1 =	vld [tilespmem:s24+$0x30];
	_ =	sdelay $0x4  }
0x34: {  	[tilespmem:$0x7560] =	vst v1  }
0x35: {  	v1 =	vld [tilespmem:s24+$0x2740];
	_ =	sdelay $0x4  }
0x36: {  	[tilespmem:$0x76F0] =	vst v1  }
0x37: {  	v1 =	vld [tilespmem:s24+$0x40];
	_ =	sdelay $0x4  }
0x38: {  	[tilespmem:$0x7570] =	vst v1  }
0x39: {  	v1 =	vld [tilespmem:s24+$0x2750];
	_ =	sdelay $0x4  }
0x3a: {  	[tilespmem:$0x7700] =	vst v1  }
0x3b: {  	v1 =	vld [tilespmem:s24+$0x50];
	_ =	sdelay $0x4  }
0x3c: {  	[tilespmem:$0x7580] =	vst v1  }
0x3d: {  	v1 =	vld [tilespmem:s24+$0x2760];
	_ =	sdelay $0x4  }
0x3e: {  	[tilespmem:$0x7710] =	vst v1  }
0x3f: {  	v1 =	vld [tilespmem:s24+$0x60];
	_ =	sdelay $0x4  }
0x40: {  	[tilespmem:$0x7590] =	vst v1  }
0x41: {  	v1 =	vld [tilespmem:s24+$0x2770];
	_ =	sdelay $0x4  }
0x42: {  	[tilespmem:$0x7720] =	vst v1  }
0x43: {  	v1 =	vld [tilespmem:s24+$0x70];
	_ =	sdelay $0x4  }
0x44: {  	[tilespmem:$0x75A0] =	vst v1  }
0x45: {  	v1 =	vld [tilespmem:s24+$0x2780];
	_ =	sdelay $0x4  }
0x46: {  	[tilespmem:$0x7730] =	vst v1  }
0x47: {  	v1 =	vld [tilespmem:s24+$0x80];
	_ =	sdelay $0x4  }
0x48: {  	[tilespmem:$0x75B0] =	vst v1  }
0x49: {  	v1 =	vld [tilespmem:s24+$0x2790];
	_ =	sdelay $0x4  }
0x4a: {  	[tilespmem:$0x7740] =	vst v1  }
0x4b: {  	v1 =	vld [tilespmem:s24+$0x90];
	_ =	sdelay $0x4  }
0x4c: {  	[tilespmem:$0x75C0] =	vst v1  }
0x4d: {  	v1 =	vld [tilespmem:s24+$0x27A0];
	_ =	sdelay $0x4  }
0x4e: {  	[tilespmem:$0x7750] =	vst v1  }
0x4f: {  	v1 =	vld [tilespmem:s24+$0xA0];
	_ =	sdelay $0x4  }
0x50: {  	[tilespmem:$0x75D0] =	vst v1  }
0x51: {  	v1 =	vld [tilespmem:s24+$0x27B0];
	_ =	sdelay $0x4  }
0x52: {  	[tilespmem:$0x7760] =	vst v1  }
0x53: {  	v1 =	vld [tilespmem:s24+$0xB0];
	_ =	sdelay $0x4  }
0x54: {  	[tilespmem:$0x75E0] =	vst v1  }
0x55: {  	v1 =	vld [tilespmem:s24+$0x27C0];
	_ =	sdelay $0x4  }
0x56: {  	[tilespmem:$0x7770] =	vst v1  }
0x57: {  	v1 =	vld [tilespmem:s24+$0xC0];
	_ =	sdelay $0x4  }
0x58: {  	[tilespmem:$0x75F0] =	vst v1  }
0x59: {  	v1 =	vld [tilespmem:s24+$0x27D0];
	_ =	sdelay $0x4  }
0x5a: {  	[tilespmem:$0x7780] =	vst v1  }
0x5b: {  	v1 =	vld [tilespmem:s24+$0xD0];
	_ =	sdelay $0x4  }
0x5c: {  	[tilespmem:$0x7600] =	vst v1  }
0x5d: {  	v1 =	vld [tilespmem:s24+$0x27E0];
	_ =	sdelay $0x4  }
0x5e: {  	[tilespmem:$0x7790] =	vst v1  }
0x5f: {  	v1 =	vld [tilespmem:s24+$0xE0];
	_ =	sdelay $0x4  }
0x60: {  	[tilespmem:$0x7610] =	vst v1  }
0x61: {  	v1 =	vld [tilespmem:s24+$0x27F0];
	_ =	sdelay $0x4  }
0x62: {  	[tilespmem:$0x77A0] =	vst v1  }
0x63: {  	v1 =	vld [tilespmem:s24+$0xF0];
	_ =	sdelay $0x4  }
0x64: {  	[tilespmem:$0x7620] =	vst v1  }
0x65: {  	v1 =	vld [tilespmem:s24+$0x2800];
	_ =	sdelay $0x4  }
0x66: {  	[tilespmem:$0x77B0] =	vst v1  }
0x67: {  	v1 =	vld [tilespmem:s24+$0x100];
	_ =	sdelay $0x4  }
0x68: {  	[tilespmem:$0x7630] =	vst v1  }
0x69: {  	v1 =	vld [tilespmem:s24+$0x2810];
	_ =	sdelay $0x4  }
0x6a: {  	[tilespmem:$0x77C0] =	vst v1  }
0x6b: {  	v1 =	vld [tilespmem:s24+$0x110];
	_ =	sdelay $0x4  }
0x6c: {  	[tilespmem:$0x7640] =	vst v1  }
0x6d: {  	v1 =	vld [tilespmem:s24+$0x2820];
	_ =	sdelay $0x4  }
0x6e: {  	[tilespmem:$0x77D0] =	vst v1  }
0x6f: {  	v1 =	vld [tilespmem:s24+$0x120];
	_ =	sdelay $0x4  }
0x70: {  	[tilespmem:$0x7650] =	vst v1  }
0x71: {  	v1 =	vld [tilespmem:s24+$0x2830];
	_ =	sdelay $0x4  }
0x72: {  	[tilespmem:$0x77E0] =	vst v1  }
0x73: {  	v1 =	vld [tilespmem:s24+$0x130];
	_ =	sdelay $0x4  }
0x74: {  	[tilespmem:$0x7660] =	vst v1  }
0x75: {  	v1 =	vld [tilespmem:s24+$0x2840];
	_ =	sdelay $0x4  }
0x76: {  	[tilespmem:$0x77F0] =	vst v1  }
0x77: {  	v1 =	vld [tilespmem:s24+$0x140];
	_ =	sdelay $0x4  }
0x78: {  	[tilespmem:$0x7670] =	vst v1  }
0x79: {  	v1 =	vld [tilespmem:s24+$0x2850];
	_ =	sdelay $0x4  }
0x7a: {  	[tilespmem:$0x7800] =	vst v1  }
0x7b: {  	v1 =	vld [tilespmem:s24+$0x150];
	_ =	sdelay $0x4  }
0x7c: {  	[tilespmem:$0x7680] =	vst v1  }
0x7d: {  	v1 =	vld [tilespmem:s24+$0x2860];
	_ =	sdelay $0x4  }
0x7e: {  	[tilespmem:$0x7810] =	vst v1  }
0x7f: {  	v1 =	vld [tilespmem:s24+$0x160];
	_ =	sdelay $0x4  }
0x80: {  	[tilespmem:$0x7690] =	vst v1  }
0x81: {  	v1 =	vld [tilespmem:s24+$0x2870];
	_ =	sdelay $0x4  }
0x82: {  	[tilespmem:$0x7820] =	vst v1  }
0x83: {  	v1 =	vld [tilespmem:s24+$0x170];
	_ =	sdelay $0x4  }
0x84: {  	[tilespmem:$0x76A0] =	vst v1  }
0x85: {  	v1 =	vld [tilespmem:s24+$0x2880];
	_ =	sdelay $0x4  }
0x86: {  	[tilespmem:$0x7830] =	vst v1  }
0x87: {  	v1 =	vld [tilespmem:s24+$0x180];
	_ =	sdelay $0x4  }
0x88: {  	[tilespmem:$0x76B0] =	vst v1  }
0x89: {  	v1 =	vld [tilespmem:s24+$0x2890];
	_ =	sdelay $0x4  }
0x8a: {  	[tilespmem:$0x7840] =	vst v1;
	v1 =	vmov s23  }
0x8b: {  	[tilespmem:s17], [sflag:$0x1] =	stream.indirect.gather [hbm4b:s4+s15], $0x20, s16, s15, $0xb8;
	[tilespmem:$0x16760] =	vst v63  }
0x8c: {  	_ =	swait.ge [sflag:s18], $0x3200  }
0x8d: {  	[sflag:s18] =	ssyncset.done $0x0  }
0x8e: {  	s25 =	simm.s32 $0x0;
	[sflag:s18] =	ssyncadd.s32 $0xFFFFCE00  }
0x8f: {  	s24 =	simm.s32 $0x7950;
	v2 =	vld.idx.msk [tilespmem:v1+s25+$0x0 ss:$0x1], $0xffff  }
0x90: {  	v3 =	vld [tilespmem:s24+$0xFFFFFF10]  }
0x91: {  	v4 =	vld [tilespmem:s24+$0xFFFFFF00];
	_ =	sdelay $0x2  }
0x92: {  	v2 =	vmax.f32 v2, $0.0e+00  }
0x93: {  	v2 =	vmin.f32 v2, $1.000000000e+00  }
0x94: {  	v3 =	vsub.f32 v3, v4;
	v5 =	vbroadcast v2, $0x0;
	_ =	sdelay $0x1  }
0x95: {  	v3 =	vmul.f32 v3, v5;
	_ =	sdelay $0x1  }
0x96: {  	v3 =	vadd.f32 v3, v4  }
0x97: {  	s25 =	simm.s32 $0xAAD0  }
0x98: {  	[tilespmem:s25+$0xFFFFFF80] =	vst v3  }
0x99: {  	v3 =	vld [tilespmem:s24+$0xFFFFFF20]  }
0x9a: {  	v4 =	vld [tilespmem:s24+$0xFFFFFF30];
	_ =	sdelay $0x4  }
0x9b: {  	v5 =	vbroadcast v2, $0x1;
	v4 =	vsub.f32 v4, v3;
	_ =	sdelay $0x1  }
0x9c: {  	v4 =	vmul.f32 v4, v5;
	_ =	sdelay $0x1  }
0x9d: {  	v3 =	vadd.f32 v4, v3;
	_ =	sdelay $0x1  }
0x9e: {  	[tilespmem:s25+$0xFFFFFF90] =	vst v3  }
0x9f: {  	v3 =	vld [tilespmem:s24+$0xFFFFFF40]  }
0xa0: {  	v4 =	vld [tilespmem:s24+$0xFFFFFF50];
	_ =	sdelay $0x4  }
0xa1: {  	v5 =	vbroadcast v2, $0x2;
	v4 =	vsub.f32 v4, v3;
	_ =	sdelay $0x1  }
0xa2: {  	v4 =	vmul.f32 v4, v5;
	_ =	sdelay $0x1  }
0xa3: {  	v3 =	vadd.f32 v4, v3;
	_ =	sdelay $0x1  }
0xa4: {  	[tilespmem:s25+$0xFFFFFFA0] =	vst v3  }
0xa5: {  	v3 =	vld [tilespmem:s24+$0xFFFFFF60]  }
0xa6: {  	v4 =	vld [tilespmem:s24+$0xFFFFFF70];
	_ =	sdelay $0x4  }
0xa7: {  	v5 =	vbroadcast v2, $0x3;
	v4 =	vsub.f32 v4, v3;
	_ =	sdelay $0x1  }
0xa8: {  	v4 =	vmul.f32 v4, v5;
	_ =	sdelay $0x1  }
0xa9: {  	v3 =	vadd.f32 v4, v3;
	_ =	sdelay $0x1  }
0xaa: {  	[tilespmem:s25+$0xFFFFFFB0] =	vst v3  }
0xab: {  	v3 =	vld [tilespmem:s24+$0xFFFFFF80]  }
0xac: {  	v4 =	vld [tilespmem:s24+$0xFFFFFF90];
	_ =	sdelay $0x4  }
0xad: {  	v5 =	vbroadcast v2, $0x4;
	v4 =	vsub.f32 v4, v3;
	_ =	sdelay $0x1  }
0xae: {  	v4 =	vmul.f32 v4, v5;
	_ =	sdelay $0x1  }
0xaf: {  	v3 =	vadd.f32 v4, v3;
	_ =	sdelay $0x1  }
0xb0: {  	[tilespmem:s25+$0xFFFFFFC0] =	vst v3  }
0xb1: {  	v3 =	vld [tilespmem:s24+$0xFFFFFFA0]  }
0xb2: {  	v4 =	vld [tilespmem:s24+$0xFFFFFFB0];
	_ =	sdelay $0x4  }
0xb3: {  	v5 =	vbroadcast v2, $0x5;
	v4 =	vsub.f32 v4, v3;
	_ =	sdelay $0x1  }
0xb4: {  	v4 =	vmul.f32 v4, v5;
	_ =	sdelay $0x1  }
0xb5: {  	v3 =	vadd.f32 v4, v3;
	_ =	sdelay $0x1  }
0xb6: {  	[tilespmem:s25+$0xFFFFFFD0] =	vst v3  }
0xb7: {  	v3 =	vld [tilespmem:s24+$0xFFFFFFC0]  }
0xb8: {  	v4 =	vld [tilespmem:s24+$0xFFFFFFD0];
	_ =	sdelay $0x4  }
0xb9: {  	v5 =	vbroadcast v2, $0x6;
	v4 =	vsub.f32 v4, v3;
	_ =	sdelay $0x1  }
0xba: {  	v4 =	vmul.f32 v4, v5;
	_ =	sdelay $0x1  }
0xbb: {  	v3 =	vadd.f32 v4, v3;
	_ =	sdelay $0x1  }
0xbc: {  	[tilespmem:s25+$0xFFFFFFE0] =	vst v3  }
0xbd: {  	v3 =	vld [tilespmem:s24+$0xFFFFFFE0]  }
0xbe: {  	v4 =	vld [tilespmem:s24+$0xFFFFFFF0];
	_ =	sdelay $0x4  }
0xbf: {  	v5 =	vbroadcast v2, $0x7;
	v4 =	vsub.f32 v4, v3;
	_ =	sdelay $0x1  }
0xc0: {  	v4 =	vmul.f32 v4, v5;
	_ =	sdelay $0x1  }
0xc1: {  	v3 =	vadd.f32 v4, v3;
	_ =	sdelay $0x1  }
0xc2: {  	[tilespmem:s25+$0xFFFFFFF0] =	vst v3  }
0xc3: {  	v3 =	vld [tilespmem:s24+$0x0]  }
0xc4: {  	v4 =	vld [tilespmem:s24+$0x10];
	_ =	sdelay $0x4  }
0xc5: {  	v5 =	vbroadcast v2, $0x8;
	v4 =	vsub.f32 v4, v3;
	_ =	sdelay $0x1  }
0xc6: {  	v4 =	vmul.f32 v4, v5;
	_ =	sdelay $0x1  }
0xc7: {  	v3 =	vadd.f32 v4, v3;
	_ =	sdelay $0x1  }
0xc8: {  	[tilespmem:s25+$0x0] =	vst v3  }
0xc9: {  	v3 =	vld [tilespmem:s24+$0x20]  }
0xca: {  	v4 =	vld [tilespmem:s24+$0x30];
	_ =	sdelay $0x4  }
0xcb: {  	v5 =	vbroadcast v2, $0x9;
	v4 =	vsub.f32 v4, v3;
	_ =	sdelay $0x1  }
0xcc: {  	v4 =	vmul.f32 v4, v5;
	_ =	sdelay $0x1  }
0xcd: {  	v3 =	vadd.f32 v4, v3;
	_ =	sdelay $0x1  }
0xce: {  	[tilespmem:s25+$0x10] =	vst v3  }
0xcf: {  	v3 =	vld [tilespmem:s24+$0x40]  }
0xd0: {  	v4 =	vld [tilespmem:s24+$0x50];
	_ =	sdelay $0x4  }
0xd1: {  	v5 =	vbroadcast v2, $0xA;
	v4 =	vsub.f32 v4, v3;
	_ =	sdelay $0x1  }
0xd2: {  	v4 =	vmul.f32 v4, v5;
	_ =	sdelay $0x1  }
0xd3: {  	v3 =	vadd.f32 v4, v3;
	_ =	sdelay $0x1  }
0xd4: {  	[tilespmem:s25+$0x20] =	vst v3  }
0xd5: {  	v3 =	vld [tilespmem:s24+$0x60]  }
0xd6: {  	v4 =	vld [tilespmem:s24+$0x70];
	_ =	sdelay $0x4  }
0xd7: {  	v5 =	vbroadcast v2, $0xB;
	v4 =	vsub.f32 v4, v3;
	_ =	sdelay $0x1  }
0xd8: {  	v4 =	vmul.f32 v4, v5;
	_ =	sdelay $0x1  }
0xd9: {  	v3 =	vadd.f32 v4, v3;
	_ =	sdelay $0x1  }
0xda: {  	[tilespmem:s25+$0x30] =	vst v3  }
0xdb: {  	v3 =	vld [tilespmem:s24+$0x80]  }
0xdc: {  	v4 =	vld [tilespmem:s24+$0x90];
	_ =	sdelay $0x4  }
0xdd: {  	v5 =	vbroadcast v2, $0xC;
	v4 =	vsub.f32 v4, v3;
	_ =	sdelay $0x1  }
0xde: {  	v4 =	vmul.f32 v4, v5;
	_ =	sdelay $0x1  }
0xdf: {  	v3 =	vadd.f32 v4, v3;
	_ =	sdelay $0x1  }
0xe0: {  	[tilespmem:s25+$0x40] =	vst v3  }
0xe1: {  	v3 =	vld [tilespmem:s24+$0xA0]  }
0xe2: {  	v4 =	vld [tilespmem:s24+$0xB0];
	_ =	sdelay $0x4  }
0xe3: {  	v5 =	vbroadcast v2, $0xD;
	v4 =	vsub.f32 v4, v3;
	_ =	sdelay $0x1  }
0xe4: {  	v4 =	vmul.f32 v4, v5;
	_ =	sdelay $0x1  }
0xe5: {  	v3 =	vadd.f32 v4, v3;
	_ =	sdelay $0x1  }
0xe6: {  	[tilespmem:s25+$0x50] =	vst v3  }
0xe7: {  	v3 =	vld [tilespmem:s24+$0xC0]  }
0xe8: {  	v4 =	vld [tilespmem:s24+$0xD0];
	_ =	sdelay $0x4  }
0xe9: {  	v5 =	vbroadcast v2, $0xE;
	v4 =	vsub.f32 v4, v3;
	_ =	sdelay $0x1  }
0xea: {  	s28 =	simm.s32 $0x40;
	s26 =	simm.s32 $0xAAD0;
	s29 =	simm.s32 $0x7950;
	v2 =	vbroadcast v2, $0xF;
	v4 =	vmul.f32 v4, v5  }
.LBB2_7:
0xeb: {  	_ = 	snop  }
0xec: {  	p1 =	sne.s32 s28, $0x600;
	s25 =	sadd.s32 $0x100, s25;
	s24 =	sadd.s32 $0x200, s24;
	v3 =	vadd.f32 v4, v3  }
0xed: {  	s30 =	smov.u32 s28;
	s28 =	sadd.s32 $0x40, s28  }
0xee: {  	[tilespmem:s26+$0x60] =	vst v3  }
0xef: {  	v3 =	vld [tilespmem:s29+$0xE0]  }
0xf0: {  	v4 =	vld [tilespmem:s29+$0xF0];
	s29 =	smov.u32 s24;
	_ =	sdelay $0x4  }
0xf1: {  	v4 =	vsub.f32 v4, v3;
	_ =	sdelay $0x1  }
0xf2: {  	v2 =	vmul.f32 v4, v2;
	_ =	sdelay $0x1  }
0xf3: {  	v2 =	vadd.f32 v2, v3;
	_ =	sdelay $0x1  }
0xf4: {  	s30 =	sshra.s32 s30, $0x2;
	[tilespmem:s26+$0x70] =	vst v2;
	s26 =	smov.u32 s25  }
0xf5: {  	v2 =	vld.idx.msk [tilespmem:v1+s30+$0x0 ss:$0x1], $0xffff;
	_ =	sdelay $0x1  }
0xf6: {  	v3 =	vld [tilespmem:s24+$0xFFFFFF10]  }
0xf7: {  	v4 =	vld [tilespmem:s24+$0xFFFFFF00];
	_ =	sdelay $0x2  }
0xf8: {  	v2 =	vmax.f32 v2, $0.0e+00  }
0xf9: {  	v2 =	vmin.f32 v2, $1.000000000e+00  }
0xfa: {  	v5 =	vbroadcast v2, $0x0;
	v3 =	vsub.f32 v3, v4;
	_ =	sdelay $0x1  }
0xfb: {  	v3 =	vmul.f32 v3, v5;
	_ =	sdelay $0x1  }
0xfc: {  	v3 =	vadd.f32 v3, v4;
	_ =	sdelay $0x1  }
0xfd: {  	[tilespmem:s25+$0xFFFFFF80] =	vst v3  }
0xfe: {  	v3 =	vld [tilespmem:s24+$0xFFFFFF20]  }
0xff: {  	v4 =	vld [tilespmem:s24+$0xFFFFFF30];
	_ =	sdelay $0x3  }
0x100: {  	v5 =	vbroadcast v2, $0x1  }
0x101: {  	v4 =	vsub.f32 v4, v3;
	_ =	sdelay $0x1  }
0x102: {  	v4 =	vmul.f32 v4, v5;
	_ =	sdelay $0x1  }
0x103: {  	v3 =	vadd.f32 v4, v3;
	_ =	sdelay $0x1  }
0x104: {  	[tilespmem:s25+$0xFFFFFF90] =	vst v3  }
0x105: {  	v3 =	vld [tilespmem:s24+$0xFFFFFF40]  }
0x106: {  	v4 =	vld [tilespmem:s24+$0xFFFFFF50];
	_ =	sdelay $0x2  }
0x107: {  	v5 =	vbroadcast v2, $0x2;
	_ =	sdelay $0x1  }
0x108: {  	v4 =	vsub.f32 v4, v3;
	_ =	sdelay $0x1  }
0x109: {  	v4 =	vmul.f32 v4, v5;
	_ =	sdelay $0x1  }
0x10a: {  	v3 =	vadd.f32 v4, v3;
	_ =	sdelay $0x1  }
0x10b: {  	[tilespmem:s25+$0xFFFFFFA0] =	vst v3  }
0x10c: {  	v3 =	vld [tilespmem:s24+$0xFFFFFF60]  }
0x10d: {  	v4 =	vld [tilespmem:s24+$0xFFFFFF70];
	_ =	sdelay $0x1  }
0x10e: {  	v5 =	vbroadcast v2, $0x3;
	_ =	sdelay $0x2  }
0x10f: {  	v4 =	vsub.f32 v4, v3;
	_ =	sdelay $0x1  }
0x110: {  	v4 =	vmul.f32 v4, v5;
	_ =	sdelay $0x1  }
0x111: {  	v3 =	vadd.f32 v4, v3;
	_ =	sdelay $0x1  }
0x112: {  	[tilespmem:s25+$0xFFFFFFB0] =	vst v3  }
0x113: {  	v3 =	vld [tilespmem:s24+$0xFFFFFF80]  }
0x114: {  	v4 =	vld [tilespmem:s24+$0xFFFFFF90]  }
0x115: {  	v5 =	vbroadcast v2, $0x4;
	_ =	sdelay $0x3  }
0x116: {  	v4 =	vsub.f32 v4, v3;
	_ =	sdelay $0x1  }
0x117: {  	v4 =	vmul.f32 v4, v5;
	_ =	sdelay $0x1  }
0x118: {  	v3 =	vadd.f32 v4, v3;
	_ =	sdelay $0x1  }
0x119: {  	[tilespmem:s25+$0xFFFFFFC0] =	vst v3  }
0x11a: {  	v3 =	vld [tilespmem:s24+$0xFFFFFFA0]  }
0x11b: {  	v5 =	vbroadcast v2, $0x5;
	v4 =	vld [tilespmem:s24+$0xFFFFFFB0];
	_ =	sdelay $0x4  }
0x11c: {  	v4 =	vsub.f32 v4, v3;
	_ =	sdelay $0x1  }
0x11d: {  	v4 =	vmul.f32 v4, v5;
	_ =	sdelay $0x1  }
0x11e: {  	v3 =	vadd.f32 v4, v3;
	_ =	sdelay $0x1  }
0x11f: {  	[tilespmem:s25+$0xFFFFFFD0] =	vst v3  }
0x120: {  	v4 =	vbroadcast v2, $0x6;
	v3 =	vld [tilespmem:s24+$0xFFFFFFC0]  }
0x121: {  	v5 =	vld [tilespmem:s24+$0xFFFFFFD0];
	_ =	sdelay $0x4  }
0x122: {  	v5 =	vsub.f32 v5, v3;
	_ =	sdelay $0x1  }
0x123: {  	v4 =	vmul.f32 v5, v4;
	_ =	sdelay $0x1  }
0x124: {  	v3 =	vadd.f32 v4, v3;
	_ =	sdelay $0x1  }
0x125: {  	[tilespmem:s25+$0xFFFFFFE0] =	vst v3;
	v3 =	vbroadcast v2, $0x7  }
0x126: {  	v4 =	vld [tilespmem:s24+$0xFFFFFFE0]  }
0x127: {  	v5 =	vld [tilespmem:s24+$0xFFFFFFF0];
	_ =	sdelay $0x4  }
0x128: {  	v5 =	vsub.f32 v5, v4;
	_ =	sdelay $0x1  }
0x129: {  	v3 =	vmul.f32 v5, v3;
	_ =	sdelay $0x1  }
0x12a: {  	v3 =	vadd.f32 v3, v4  }
0x12b: {  	v4 =	vbroadcast v2, $0x8  }
0x12c: {  	[tilespmem:s25+$0xFFFFFFF0] =	vst v3  }
0x12d: {  	v3 =	vld [tilespmem:s24+$0x0]  }
0x12e: {  	v5 =	vld [tilespmem:s24+$0x10];
	_ =	sdelay $0x4  }
0x12f: {  	v5 =	vsub.f32 v5, v3;
	_ =	sdelay $0x1  }
0x130: {  	v4 =	vmul.f32 v5, v4;
	_ =	sdelay $0x1  }
0x131: {  	v3 =	vadd.f32 v4, v3;
	v4 =	vbroadcast v2, $0x9;
	_ =	sdelay $0x1  }
0x132: {  	[tilespmem:s25+$0x0] =	vst v3  }
0x133: {  	v3 =	vld [tilespmem:s24+$0x20]  }
0x134: {  	v5 =	vld [tilespmem:s24+$0x30];
	_ =	sdelay $0x4  }
0x135: {  	v5 =	vsub.f32 v5, v3;
	_ =	sdelay $0x1  }
0x136: {  	v4 =	vmul.f32 v5, v4  }
0x137: {  	v5 =	vbroadcast v2, $0xA  }
0x138: {  	v3 =	vadd.f32 v4, v3;
	_ =	sdelay $0x1  }
0x139: {  	[tilespmem:s25+$0x10] =	vst v3  }
0x13a: {  	v3 =	vld [tilespmem:s24+$0x40]  }
0x13b: {  	v4 =	vld [tilespmem:s24+$0x50];
	_ =	sdelay $0x4  }
0x13c: {  	v4 =	vsub.f32 v4, v3;
	_ =	sdelay $0x1  }
0x13d: {  	v4 =	vmul.f32 v4, v5;
	v5 =	vbroadcast v2, $0xB;
	_ =	sdelay $0x1  }
0x13e: {  	v3 =	vadd.f32 v4, v3;
	_ =	sdelay $0x1  }
0x13f: {  	[tilespmem:s25+$0x20] =	vst v3  }
0x140: {  	v3 =	vld [tilespmem:s24+$0x60]  }
0x141: {  	v4 =	vld [tilespmem:s24+$0x70];
	_ =	sdelay $0x4  }
0x142: {  	v4 =	vsub.f32 v4, v3  }
0x143: {  	v6 =	vbroadcast v2, $0xC  }
0x144: {  	v4 =	vmul.f32 v4, v5;
	_ =	sdelay $0x1  }
0x145: {  	v3 =	vadd.f32 v4, v3;
	_ =	sdelay $0x1  }
0x146: {  	[tilespmem:s25+$0x30] =	vst v3  }
0x147: {  	v3 =	vld [tilespmem:s24+$0x80]  }
0x148: {  	v4 =	vld [tilespmem:s24+$0x90];
	_ =	sdelay $0x4  }
0x149: {  	v5 =	vbroadcast v2, $0xD;
	v4 =	vsub.f32 v4, v3;
	_ =	sdelay $0x1  }
0x14a: {  	v4 =	vmul.f32 v4, v6;
	_ =	sdelay $0x1  }
0x14b: {  	v3 =	vadd.f32 v4, v3;
	_ =	sdelay $0x1  }
0x14c: {  	[tilespmem:s25+$0x40] =	vst v3  }
0x14d: {  	v3 =	vld [tilespmem:s24+$0xA0]  }
0x14e: {  	v4 =	vld [tilespmem:s24+$0xB0];
	_ =	sdelay $0x3  }
0x14f: {  	v6 =	vbroadcast v2, $0xE  }
0x150: {  	v4 =	vsub.f32 v4, v3;
	_ =	sdelay $0x1  }
0x151: {  	v4 =	vmul.f32 v4, v5;
	_ =	sdelay $0x1  }
0x152: {  	v3 =	vadd.f32 v4, v3;
	_ =	sdelay $0x1  }
0x153: {  	[tilespmem:s25+$0x50] =	vst v3  }
0x154: {  	v3 =	vld [tilespmem:s24+$0xC0]  }
0x155: {  	v4 =	vld [tilespmem:s24+$0xD0];
	_ =	sdelay $0x2  }
.Ltmp2:
0x156: {  	v2 =	vbroadcast v2, $0xF;
	(pc) =	sbr.rel @p1 .LBB2_7-.Ltmp2, $3  }
0x157: {  	_ = 	snop  }
0x158: {  	v4 =	vsub.f32 v4, v3;
	_ =	sdelay $0x1  }
0x159: {  	v4 =	vmul.f32 v4, v6  }
0x15a: {  	_ = 	snop  }
0x15b: {  	v1 =	vadd.f32 v4, v3;
	_ =	sdelay $0x1  }
0x15c: {  	[tilespmem:s26+$0x60] =	vst v1  }
0x15d: {  	v1 =	vld [tilespmem:s29+$0xE0]  }
0x15e: {  	v3 =	vld [tilespmem:s29+$0xF0];
	_ =	sdelay $0x4  }
0x15f: {  	v3 =	vsub.f32 v3, v1;
	_ =	sdelay $0x1  }
0x160: {  	v2 =	vmul.f32 v3, v2;
	_ =	sdelay $0x1  }
0x161: {  	s22 =	sadd.s32 $0x1, s22;
	v1 =	vadd.f32 v2, v1  }
0x162: {  	p1 =	sne.s32 s22, $0x19  }
.Ltmp3:
0x163: {  	[tilespmem:s26+$0x70] =	vst v1;
	(pc) =	sbr.rel @p1 .LBB2_6-.Ltmp3, $4  }
0x164: {  	[spmem:s2] =	stream.indirect.scatter.add.f32 [tilespmem:s20], [sflag:$0x2], $0x10, s19, s15, $0xb8;
	[tilespmem:$0x16760] =	vst v63  }
0x165: {  	_ =	swait.ge [sflag:s11], $0x1900  }
0x166: {  	[sflag:s11] =	ssyncset.done $0x0  }
0x167: {  	s23 =	sadd.s32 $0x190, s23;
	[sflag:s11] =	ssyncadd.s32 $0xFFFFE700  }
0x168: {  	s22 =	sshll.u32 @!p0 s0, $0x6;
	[bflag:$0x0] =	sbarrier.arrive $0xFFFF;
	s21 =	sadd.s32 $0x1, s21  }
0x169: {  	s23 =	sshrl.u32 @!p0 s8, $0x3;
	s22 =	sor.u32 @!p0 $0x1C02, s22;
	p1 =	sne.s32 s21, s10  }
0x16a: {  	[hbm:s9], [sflag:s22] =	dma.local @!p0 [spmem:s23], $0xFA0  }
.Ltmp4:
0x16b: {  	_ = 	snop;
	(pc) =	sbr.rel @p1 .LBB2_1-.Ltmp4, $4  }
0x16c: {  	s22 =	simm.s32 @!p0 $0x2  }
0x16d: {  	_ =	swait.ge @!p0 [sflag:s22], $0xFA0  }
0x16e: {  	[sflag:s22] =	ssyncset.done @!p0 $0x0  }
0x16f: {  	[sflag:s22] =	ssyncadd.s32 @!p0 $0xFFFFF060  }
0x170: {  	_ =	sfence.sel $0x180000  }
0x171: {  	[bflag:$0x0] =	sbarrier.arrive $0xFFFF  }
0x172: {  	p0 =	sne.s32 s0, $0x0;
	_ =	strace $0x9000004A  }
0x173: {  	s0 =	sadd.s32 @!p0 $0x100000, s1;
	[bflag:$0x2] =	sbarrier.arrive $0xFFFF  }
0x174: {  	[sflag:s0] =	ssyncadd.tile.s32 @!p0 $0x1;
	_ =	shalt  }
.Lfunc_end2:
_tile_overlayer_lowered:
.L_overlay_start_2:
0x175: {  	(tag) =	ssettag $0x2  }
0x176: {  	s0 =	rddreg [dreg:$0x0];
	s2 =	stileid.u32  }
0x177: {  	s1 =	rddreg [dreg:$0x1];
	p0 =	sne.s32 s2, $0x0  }
0x178: {  	s3 =	rddreg [dreg:$0x2];
	[bflag:$0x3] =	sbarrier.arrive $0xFFFF;
	s2 =	simm.s32 @!p0 $0x1C02  }
0x179: {  	[timem:s3], [sflag:s2] =	dma.local @!p0 [hbm:s0], s1  }
0x17a: {  	s0 =	simm.s32 @!p0 $0x2  }
0x17b: {  	_ =	swait.ge @!p0 [sflag:s0], s1  }
0x17c: {  	s1 =	ssub.s32 @!p0 $0x0, s1;
	[sflag:s0] =	ssyncset.done @!p0 $0x0  }
0x17d: {  	[sflag:s0] =	ssyncadd.s32 @!p0 s1  }
0x17e: {  	[bflag:$0x3] =	sbarrier.arrive $0xFFFF  }
0x17f: {  	_ =	shalt  }

// kernel: kernel.7.cloned.1.call-start
scs
__scs_entry_jumppad:
0x0: {  	(pc) =	sbr.rel $0x88, $3  }
0x1: {  	(tag) =	ssettag $0x0;
	lr =	simm.s32 $0x1  }
0x2: {  	[smem:$0x3F98] =	sst lr;
	_ =	strace $0xD0000000  }
0x3: {  	_ = 	snop  }
0x4: {  	_ = 	snop  }
0x5: {  	_ = 	snop  }
0x6: {  	_ = 	snop  }
0x7: {  	_ = 	snop  }
__scs_overlays_trampoline_lowered:
0x8: {  	[smem:$0x3FA7] =	sst s0  }
0x9: {  	[smem:$0x3FA8] =	sst s1  }
0xa: {  	[smem:$0x3FA9] =	sst s2  }
0xb: {  	[smem:$0x3FAA] =	sst s3  }
0xc: {  	[smem:$0x3FAB] =	sst s4  }
0xd: {  	[smem:$0x3FAC] =	sst s5  }
0xe: {  	[smem:$0x3FAD] =	sst s6  }
0xf: {  	[smem:$0x3FAE] =	sst s7  }
0x10: {  	[smem:$0x3FAF] =	sst s8  }
0x11: {  	[smem:$0x3FB0] =	sst s9;
	s0 =	simm.s32 @!p0 $0x0  }
0x12: {  	s1 =	sld [smem:$0x3F96];
	s0 =	simm.s32 @p0 $0x1  }
0x13: {  	[smem:$0x3FB1] =	sst s0;
	s0 =	simm.s32 @!p1 $0x0  }
0x14: {  	s2 =	sld [smem:$0x3F95];
	s0 =	simm.s32 @p1 $0x1  }
0x15: {  	[smem:$0x3FB2] =	sst s0;
	s0 =	simm.s32 @!p2 $0x0  }
0x16: {  	s3 =	sld [smem:$0x3FDB];
	s0 =	simm.s32 @p2 $0x1  }
0x17: {  	s4 =	simm.s32 $0x1BF5;
	[smem:$0x3FB4] =	sst s0  }
0x18: {  	s0 =	sld [smem:$0x3F97];
	_ =	swait.ge [sflag:s4], $0x0  }
0x19: {  	s7 =	sld [smem:$0x3F98]  }
0x1a: {  	s8 =	sadd.s32 $0xFFFFE003, lr  }
0x1b: {  	s9 =	sadd.s32 $0xFFFFFEF7, lr;
	s5 =	simm.s32 $0xFFFFFFFF;
	p2 =	slt.u32 s8, $0xFFFFF086  }
0x1c: {  	p1 =	slt.u32 s9, $0xF7A;
	s5 =	simm.s32 @!p2 $0x0  }
0x1d: {  	s5 =	simm.s32 @p1 $0x1;
	p0 =	seq.s32 s7, s2  }
0x1e: {  	s7 =	smul.u32 @!p0 $0xF7A, s2;
	p2 =	seq.s32 @!p0 s5, $0x0  }
0x1f: {  	s9 =	smul.u32 $0xF7A, s1;
	s8 =	simm.s32 @!p0 $0x1BF5;
	p2 =	por !p2, p0  }
0x20: {  	[sflag:s8] =	ssyncset.s32 @!p0 $0xFFFFF086;
	s6 =	sadd.s32 @!p0 s3, s7;
	s7 =	simm.s32 @!p0 $0x108  }
0x21: {  	s3 =	sadd.s32 s3, s9;
	s6 =	sadd.s32 @!p0 $0x88, s6;
	s7 =	simm.s32 @p2 $0x1082  }
0x22: {  	[simem:s7], [sflag:s8] =	dma.local @!p0 [hbm:s6], $0xF7A  }
0x23: {  	s9 =	sor.u32 $0xD0000000, s2;
	s6 =	simm.s32 $0x108;
	_ =	swait.ge @!p0 [sflag:s8], $0x0  }
0x24: {  	s3 =	sadd.s32 $0x88, s3;
	s6 =	simm.s32 @!p1 $0x1082;
	[sflag:s4] =	ssyncset.s32 $0xFFFFF086  }
0x25: {  	[simem:s6], [sflag:s4] =	dma.local [hbm:s3], $0xF7A  }
0x26: {  	[smem:$0x3F98] =	sst s1;
	(tag) =	ssettag s2;
	_ =	strace s9  }
0x27: {  	s1 =	sld [smem:$0x3FA8]  }
0x28: {  	s2 =	sld [smem:$0x3FA9]  }
0x29: {  	s4 =	sld [smem:$0x3FAB]  }
0x2a: {  	p0 =	seq.s32 s5, $0x0;
	s5 =	sld [smem:$0x3FAC]  }
0x2b: {  	s6 =	sld [smem:$0x3FAD]  }
0x2c: {  	s7 =	sld [smem:$0x3FAE]  }
0x2d: {  	s3 =	simm.s32 $0x108;
	s8 =	sld [smem:$0x3FAF]  }
0x2e: {  	s3 =	simm.s32 @!p0 $0x1082;
	s9 =	sld [smem:$0x3FB0]  }
0x2f: {  	lr =	sadd.s32 s0, s3;
	s0 =	sld [smem:$0x3FA7]  }
0x30: {  	s3 =	sld [smem:$0x3FAA]  }
0x31: {  	[smem:$0x3FB3] =	sst s10  }
0x32: {  	s10 =	sld [smem:$0x3FB1];
	_ =	sdelay $0x3  }
0x33: {  	p0 =	seq.s32 s10, $0x1;
	s10 =	sld [smem:$0x3FB3];
	_ =	sdelay $0x3  }
0x34: {  	[smem:$0x3FB3] =	sst s10  }
0x35: {  	s10 =	sld [smem:$0x3FB2];
	_ =	sdelay $0x3  }
0x36: {  	p1 =	seq.s32 s10, $0x1;
	s10 =	sld [smem:$0x3FB3];
	_ =	sdelay $0x3  }
0x37: {  	[smem:$0x3FB3] =	sst s10  }
0x38: {  	s10 =	sld [smem:$0x3FB4]  }
0x39: {  	_ = 	snop;
	(pc) =	sbr.ind lr, $3  }
0x3a: {  	_ = 	snop  }
0x3b: {  	_ = 	snop  }
0x3c: {  	p2 =	seq.s32 s10, $0x1;
	s10 =	sld [smem:$0x3FB3]  }
0x3d: {  	_ =	shalt  }
0x3e: {  	_ =	shalt  }
0x3f: {  	_ =	shalt  }
0x40: {  	_ =	shalt  }
0x41: {  	_ =	shalt  }
0x42: {  	_ =	shalt  }
0x43: {  	_ =	shalt  }
0x44: {  	_ =	shalt  }
0x45: {  	_ =	shalt  }
0x46: {  	_ =	shalt  }
0x47: {  	_ =	shalt  }
0x48: {  	_ =	shalt  }
0x49: {  	_ =	shalt  }
0x4a: {  	_ =	shalt  }
0x4b: {  	_ =	shalt  }
0x4c: {  	_ =	shalt  }
0x4d: {  	_ =	shalt  }
0x4e: {  	_ =	shalt  }
0x4f: {  	_ =	shalt  }
0x50: {  	_ =	shalt  }
0x51: {  	_ =	shalt  }
0x52: {  	_ =	shalt  }
0x53: {  	_ =	shalt  }
0x54: {  	_ =	shalt  }
0x55: {  	_ =	shalt  }
0x56: {  	_ =	shalt  }
0x57: {  	_ =	shalt  }
0x58: {  	_ =	shalt  }
0x59: {  	_ =	shalt  }
0x5a: {  	_ =	shalt  }
0x5b: {  	_ =	shalt  }
0x5c: {  	_ =	shalt  }
0x5d: {  	_ =	shalt  }
0x5e: {  	_ =	shalt  }
0x5f: {  	_ =	shalt  }
0x60: {  	_ =	shalt  }
0x61: {  	_ =	shalt  }
0x62: {  	_ =	shalt  }
0x63: {  	_ =	shalt  }
0x64: {  	_ =	shalt  }
0x65: {  	_ =	shalt  }
0x66: {  	_ =	shalt  }
0x67: {  	_ =	shalt  }
0x68: {  	_ =	shalt  }
0x69: {  	_ =	shalt  }
0x6a: {  	_ =	shalt  }
0x6b: {  	_ =	shalt  }
0x6c: {  	_ =	shalt  }
0x6d: {  	_ =	shalt  }
0x6e: {  	_ =	shalt  }
0x6f: {  	_ =	shalt  }
0x70: {  	_ =	shalt  }
0x71: {  	_ =	shalt  }
0x72: {  	_ =	shalt  }
0x73: {  	_ =	shalt  }
0x74: {  	_ =	shalt  }
0x75: {  	_ =	shalt  }
0x76: {  	_ =	shalt  }
0x77: {  	_ =	shalt  }
0x78: {  	_ =	shalt  }
0x79: {  	_ =	shalt  }
0x7a: {  	_ =	shalt  }
0x7b: {  	_ =	shalt  }
0x7c: {  	_ =	shalt  }
0x7d: {  	_ =	shalt  }
0x7e: {  	_ =	shalt  }
0x7f: {  	_ =	shalt  }
0x80: {  	_ =	shalt  }
0x81: {  	_ =	shalt  }
0x82: {  	_ =	shalt  }
0x83: {  	_ =	shalt  }
0x84: {  	_ =	shalt  }
0x85: {  	_ =	shalt  }
0x86: {  	_ =	shalt  }
0x87: {  	_ =	shalt  }
.Lfunc_end0:
.L_simem_size_0:
called_computation_lowered:
.L_overlay_start_0:
0x88: {  	s2 =	sld [smem:$0x3FD9]  }
0x89: {  	s3 =	sld [smem:$0x3FFE];
	_ =	sdelay $0x1  }
0x8a: {  	s1 =	srdreg.scid  }
0x8b: {  	s0 =	sand.u32 $0x1, s1  }
0x8c: {  	s17 =	sshll.u32 s0, $0xA;
	s2 =	sadd.s32 s3, s2  }
0x8d: {  	s2 =	sadd.s32 s2, s17  }
0x8e: {  	[smem:$0x3FBF] =	sst s2  }
0x8f: {  	_ = 	snop  }
0x90: {  	s2 =	sld [smem:$0x3FD0];
	(tm) =	ssettm $0x1  }
0x91: {  	s18 =	sld [smem:$0x3FFB];
	_ =	sdelay $0x3  }
0x92: {  	_ =	strace s18  }
0x93: {  	s3 =	sld [smem:$0x3FFC];
	_ =	sdelay $0x3  }
0x94: {  	_ =	strace s3  }
0x95: {  	s3 =	sld [smem:$0x3FFD];
	_ =	sdelay $0x3  }
0x96: {  	_ =	strace s3  }
0x97: {  	_ =	strace $0x8FFFFFFF  }
0x98: {  	s19 =	sld [smem:$0x3FDB];
	_ =	sdelay $0x1  }
0x99: {  	s4 =	simm.s32 $_scs_section_size  }
0x9a: {  	s5 =	simm.s32 $_size__tile_overlayer_lowered;
	s6 =	simm.s32 $_tile_overlayer_lowered  }
0x9b: {  	s22 =	simm.s32 $0x1BFF;
	s21 =	sshll.u32 s6, $0x1;
	s3 =	sadd.s32 s4, s19  }
0x9c: {  	s7 =	simm.s32 $0x0;
	s20 =	sshll.u32 s5, $0x1;
	s5 =	sadd.s32 s21, s3  }
0x9d: {  	[timem:s7], [sflag:s22] =	dma.local [hbm:s5], s20  }
0x9e: {  	_ =	swait.ge [sflag:s22], s20  }
0x9f: {  	s4 =	ssub.s32 $0x0, s20;
	[sflag:s22] =	ssyncset.done $0x0  }
0xa0: {  	[sflag:s22] =	ssyncadd.s32 s4;
	_ =	sdelay $0x1  }
0xa1: {  	s23 =	simm.s32 $0x1B8B  }
0xa2: {  	_ =	swait.ge [sflag:s23], $0x1  }
0xa3: {  	[sflag:s23] =	ssyncset.done $0x0  }
0xa4: {  	s25 =	simm.s32 $0x1B8E;
	s24 =	sld [smem:$0x3FFE];
	[sflag:s23] =	ssyncadd.s32 $0xFFFFFFFF  }
0xa5: {  	s26 =	simm.s32 $execute0_lowered;
	[smem:$0x3FD2] =	sst s25  }
0xa6: {  	s5 =	sshll.u32 s26, $0x1;
	_ =	strace $0x80000046;
	[dreg:$0x1] =	wrdreg $0xFFFFFFFF  }
0xa7: {  	s28 =	simm.s32 $_size_execute0_lowered;
	s3 =	sadd.s32 s3, s5;
	[dreg:$0x0] =	wrdreg $0x0  }
0xa8: {  	s5 =	sshll.u32 s28, $0x1;
	[dreg:$0x2] =	wrdreg s3  }
0xa9: {  	[dreg:$0x3] =	wrdreg s5  }
0xaa: {  	[dreg:$0x4] =	wrdreg $0xC0  }
0xab: {  	_ =	task [dreg:s7], $0x5FFFF  }
0xac: {  	[dreg:$0x1] =	wrdreg $0xFFFFFFFF  }
0xad: {  	[dreg:$0x0] =	wrdreg $0x60  }
0xae: {  	[dreg:$0x2] =	wrdreg s24  }
0xaf: {  	[dreg:$0x3] =	wrdreg s2  }
0xb0: {  	[dreg:$0x4] =	wrdreg $0x140500  }
0xb1: {  	[dreg:$0x5] =	wrdreg $0x170C00  }
0xb2: {  	[dreg:$0x6] =	wrdreg $0x9  }
0xb3: {  	_ =	task.clear_ibuf [dreg:s7], $0x7FFFF;
	_ =	strace $0x90000046  }
0xb4: {  	s29 =	simm.s32 $0x9;
	_ =	strace $0x80000048  }
0xb5: {  	_ =	swait.ge [sflag:s29], $0x1  }
0xb6: {  	[sflag:s29] =	ssyncadd.s32 $0xFFFFFFFF  }
0xb7: {  	_ =	strace $0x90000048  }
0xb8: {  	_ =	sfence  }
0xb9: {  	s30 =	sld [smem:$0x0];
	_ =	sdelay $0x2  }
0xba: {  	s31 =	sshll.u32 s1, $0xD;
	s1 =	sshrl.u32 s1, $0x2  }
0xbb: {  	s3 =	sand.u32 $0x4000, s31;
	s1 =	sadd.s32 s1, s30  }
0xbc: {  	s0 =	sor.u32 s3, s0;
	s1 =	sshll.u32 s1, $0x11  }
0xbd: {  	s0 =	sor.u32 s1, s0  }
0xbe: {  	s0 =	sadd.s32 $0x8F2B, s0  }
0xbf: {  	[sflag:s0] =	ssyncadd.remote.s32 $0x1  }
0xc0: {  	_ =	sfence.sel $0xFFFF  }
0xc1: {  	[dreg:$0x0] =	wrdreg $0xFFFFFFFF;
	(pc) =	sbr.abs _section_cstart, $3  }
0xc2: {  	[dreg:$0x1] =	wrdreg $0xFFFFFFFF  }
0xc3: {  	_ =	task.clear_ibuf [dreg:s7], $0x2FFFF;
	_ =	strace $0x9FFFFFFF  }
0xc4: {  	(tm) =	ssettm $0x7FFFFFFF  }
0xc5: {  	_ =	shalt  }
tec
execute0_lowered:
.L_overlay_start_1:
0x0: {  	(tag) =	ssettag $0x1  }
0x1: {  	s1 =	rddreg [dreg:$0x0]  }
0x2: {  	s12 =	rddreg [dreg:$0x1]  }
0x3: {  	s2 =	rddreg [dreg:$0x2]  }
0x4: {  	s0 =	srdreg.scid;
	s3 =	rddreg [dreg:$0x3];
	s16 =	simm.s32 $0x4E20  }
0x5: {  	s19 =	simm.s32 $0x190;
	s20 =	simm.s32 $0x7530;
	s9 =	sand.u32 $0x1, s0  }
0x6: {  	s21 =	simm.s32 $0x7850;
	s0 =	stileid.u32;
	s7 =	smul.u32 $0x4E20, s9  }
0x7: {  	s22 =	simm.s32 $0x1;
	s23 =	simm.s32 $0x76C0;
	s8 =	smul.u32 $0xFA0, s0  }
0x8: {  	s24 =	simm.s32 $0xAA50;
	s25 =	simm.s32 $0x16760;
	s11 =	smul.u32 $0x1F400, s0  }
0x9: {  	s4 =	sshll.u32 s9, $0x4;
	s26 =	ssub.s32 $0x2, s9;
	s14 =	smul.u32 $0x1F40, s0  }
0xa: {  	s31 =	smul.u32 $0x4E2, s9;
	p0 =	sgt.u32 s0, $0x4;
	s5 =	sor.u32 s0, s4  }
0xb: {  	s4 =	simm.s32 $0x0;
	s28 =	sshrl.u32 s26, $0x1;
	p1 =	sne.s32 @!p0 s0, $0x0  }
0xc: {  	s6 =	smul.u32 $0x4E2, s5;
	[smem:$0x7FF] =	sst s4;
	s5 =	sadd.s32 $0x14C00, s1  }
0xd: {  	s7 =	sadd.s32 s8, s7;
	s13 =	ssub.s32 s26, s28;
	s29 =	sshrl.u32 s11, $0x2  }
0xe: {  	s30 =	sshrl.u32 s14, $0x2;
	s12 =	sadd.s32 s12, s31;
	s14 =	simm.s32 $0x2  }
0xf: {  	p1 =	por p1, p0;
	s26 =	simm.s32 $0x0;
	_ =	strace $0x80000047  }
0x10: {  	s9 =	sadd.s32 s29, s2;
	s13 =	smax.u32 s13, $0x1;
	s10 =	sadd.s32 s6, s1  }
0x11: {  	s1 =	sadd.s32 s7, s1;
	s6 =	sadd.s32 $0xAE00, s10;
	s7 =	sadd.s32 $0x1000, s10  }
0x12: {  	v0 =	vimm.f32 $0.0e+00;
	v1 =	vimm.f32 $1.000000000e+00;
	s8 =	sadd.s32 $0x1EA00, s10;
	s10 =	sadd.s32 s30, s3;
	s11 =	sadd.s32 $0x28800, s1  }
.LBB2_1:
0x13: {  	[tilespmem:s4], [sflag:$0x2] =	stream.linear.gather [hbm4b:s6+s4], $0x2710, $0x38;
	[tilespmem:$0x17338] =	vst v63  }
0x14: {  	_ =	swait.ge [sflag:s14], $0x2710  }
0x15: {  	[sflag:s14] =	ssyncset.done $0x0  }
0x16: {  	s1 =	simm.s32 $0x2710;
	[sflag:s14] =	ssyncadd.s32 $0xFFFFD8F0  }
0x17: {  	[tilespmem:s1], [sflag:$0x2] =	stream.linear.gather [hbm4b:s7+s4], $0x2710, $0x38;
	[tilespmem:$0x17338] =	vst v63  }
0x18: {  	_ =	swait.ge [sflag:s14], $0x2710  }
0x19: {  	[sflag:s14] =	ssyncset.done $0x0  }
.Ltmp0:
0x1a: {  	[sflag:s14] =	ssyncadd.s32 $0xFFFFD8F0;
	(pc) =	sbr.rel @p0 .LBB2_7-.Ltmp0, $4  }
0x1b: {  	[tilespmem:s16], [sflag:$0x2] =	stream.linear.gather [hbm4b:s8+s4], $0x2710, $0x38;
	[tilespmem:$0x17338] =	vst v63  }
0x1c: {  	_ =	swait.ge [sflag:s14], $0x2710  }
0x1d: {  	[sflag:s14] =	ssyncset.done $0x0  }
0x1e: {  	[sflag:s14] =	ssyncadd.s32 $0xFFFFD8F0  }
0x1f: {  	s1 =	simm.s32 $0x40;
	s17 =	simm.s32 $0x0  }
.LBB2_3:
0x20: {  	p2 =	sne.s32 s1, $0x1F3C0;
	[tilespmem:s17+$0xC350] =	vst v0;
	s17 =	smov.u32 s1;
	s1 =	sadd.s32 $0x40, s1  }
.Ltmp1:
0x21: {  	(pc) =	sbr.rel @p2 .LBB2_3-.Ltmp1, $2  }
0x22: {  	_ =	sdelay $0x2  }
0x23: {  	s17 =	sshra.s32 s17, $0x2  }
0x24: {  	[tilespmem:s17+$0xC350] =	vst v0;
	s1 =	simm.s32 $0xC350  }
0x25: {  	[spmem:s9] =	stream.linear.scatter [tilespmem:s1], [sflag:$0x2], $0x7D00, $0x38;
	[tilespmem:$0x17338] =	vst v63  }
0x26: {  	_ =	swait.ge [sflag:s14], $0x7D00  }
0x27: {  	[sflag:s14] =	ssyncset.done $0x0  }
0x28: {  	s17 =	simm.s32 $0x0;
	s1 =	simm.s32 $0x40;
	[sflag:s14] =	ssyncadd.s32 $0xFFFF8300  }
.LBB2_5:
0x29: {  	p2 =	sne.s32 s1, $0x1F00;
	[tilespmem:s17+$0x168F0] =	vst v0;
	s17 =	smov.u32 s1;
	s1 =	sadd.s32 $0x40, s1  }
.Ltmp2:
0x2a: {  	(pc) =	sbr.rel @p2 .LBB2_5-.Ltmp2, $2  }
0x2b: {  	_ =	sdelay $0x2  }
0x2c: {  	s17 =	sshra.s32 s17, $0x2  }
0x2d: {  	[tilespmem:s17+$0x168F0] =	vst v0;
	s1 =	simm.s32 $0x168F0  }
0x2e: {  	[spmem:s10] =	stream.linear.scatter [tilespmem:s1], [sflag:$0x2], $0x7D0, $0x38;
	[tilespmem:$0x17338] =	vst v63  }
0x2f: {  	_ =	swait.ge [sflag:s14], $0x7D0  }
0x30: {  	[sflag:s14] =	ssyncset.done $0x0  }
0x31: {  	[sflag:s14] =	ssyncadd.s32 $0xFFFFF830  }
.LBB2_7:
0x32: {  	[tilespmem:$0x16760] =	vst v1  }
0x33: {  	[tilespmem:$0x16770] =	vst v1  }
0x34: {  	[tilespmem:$0x16780] =	vst v1  }
0x35: {  	[tilespmem:$0x16790] =	vst v1  }
0x36: {  	[tilespmem:$0x167A0] =	vst v1  }
0x37: {  	[tilespmem:$0x167B0] =	vst v1  }
0x38: {  	[tilespmem:$0x167C0] =	vst v1  }
0x39: {  	[tilespmem:$0x167D0] =	vst v1  }
0x3a: {  	[tilespmem:$0x167E0] =	vst v1  }
0x3b: {  	[tilespmem:$0x167F0] =	vst v1  }
0x3c: {  	[tilespmem:$0x16800] =	vst v1  }
0x3d: {  	[tilespmem:$0x16810] =	vst v1  }
0x3e: {  	[tilespmem:$0x16820] =	vst v1  }
0x3f: {  	[tilespmem:$0x16830] =	vst v1  }
0x40: {  	[tilespmem:$0x16840] =	vst v1  }
0x41: {  	[tilespmem:$0x16850] =	vst v1  }
0x42: {  	[tilespmem:$0x16860] =	vst v1  }
0x43: {  	[tilespmem:$0x16870] =	vst v1  }
0x44: {  	[tilespmem:$0x16880] =	vst v1  }
0x45: {  	[tilespmem:$0x16890] =	vst v1  }
0x46: {  	[tilespmem:$0x168A0] =	vst v1  }
0x47: {  	[tilespmem:$0x168B0] =	vst v1  }
0x48: {  	[tilespmem:$0x168C0] =	vst v1  }
0x49: {  	[tilespmem:$0x168D0] =	vst v1  }
0x4a: {  	[tilespmem:$0x168E0] =	vst v1  }
0x4b: {  	s28 =	simm.s32 $0x0;
	s29 =	simm.s32 $0x4E20;
	[bflag:$0x0] =	sbarrier.arrive $0xFFFF  }
.LBB2_8:
0x4c: {  	s1 =	smul.u32 $0x190, s28;
	_ =	sdelay $0x1  }
0x4d: {  	v2 =	vld [tilespmem:s1+$0x0];
	_ =	sdelay $0x4  }
0x4e: {  	[tilespmem:$0x7530] =	vst v2  }
0x4f: {  	v2 =	vld [tilespmem:s1+$0x2710];
	_ =	sdelay $0x4  }
0x50: {  	[tilespmem:$0x76C0] =	vst v2  }
0x51: {  	v2 =	vld [tilespmem:s1+$0x10];
	_ =	sdelay $0x4  }
0x52: {  	[tilespmem:$0x7540] =	vst v2  }
0x53: {  	v2 =	vld [tilespmem:s1+$0x2720];
	_ =	sdelay $0x4  }
0x54: {  	[tilespmem:$0x76D0] =	vst v2  }
0x55: {  	v2 =	vld [tilespmem:s1+$0x20];
	_ =	sdelay $0x4  }
0x56: {  	[tilespmem:$0x7550] =	vst v2  }
0x57: {  	v2 =	vld [tilespmem:s1+$0x2730];
	_ =	sdelay $0x4  }
0x58: {  	[tilespmem:$0x76E0] =	vst v2  }
0x59: {  	v2 =	vld [tilespmem:s1+$0x30];
	_ =	sdelay $0x4  }
0x5a: {  	[tilespmem:$0x7560] =	vst v2  }
0x5b: {  	v2 =	vld [tilespmem:s1+$0x2740];
	_ =	sdelay $0x4  }
0x5c: {  	[tilespmem:$0x76F0] =	vst v2  }
0x5d: {  	v2 =	vld [tilespmem:s1+$0x40];
	_ =	sdelay $0x4  }
0x5e: {  	[tilespmem:$0x7570] =	vst v2  }
0x5f: {  	v2 =	vld [tilespmem:s1+$0x2750];
	_ =	sdelay $0x4  }
0x60: {  	[tilespmem:$0x7700] =	vst v2  }
0x61: {  	v2 =	vld [tilespmem:s1+$0x50];
	_ =	sdelay $0x4  }
0x62: {  	[tilespmem:$0x7580] =	vst v2  }
0x63: {  	v2 =	vld [tilespmem:s1+$0x2760];
	_ =	sdelay $0x4  }
0x64: {  	[tilespmem:$0x7710] =	vst v2  }
0x65: {  	v2 =	vld [tilespmem:s1+$0x60];
	_ =	sdelay $0x4  }
0x66: {  	[tilespmem:$0x7590] =	vst v2  }
0x67: {  	v2 =	vld [tilespmem:s1+$0x2770];
	_ =	sdelay $0x4  }
0x68: {  	[tilespmem:$0x7720] =	vst v2  }
0x69: {  	v2 =	vld [tilespmem:s1+$0x70];
	_ =	sdelay $0x4  }
0x6a: {  	[tilespmem:$0x75A0] =	vst v2  }
0x6b: {  	v2 =	vld [tilespmem:s1+$0x2780];
	_ =	sdelay $0x4  }
0x6c: {  	[tilespmem:$0x7730] =	vst v2  }
0x6d: {  	v2 =	vld [tilespmem:s1+$0x80];
	_ =	sdelay $0x4  }
0x6e: {  	[tilespmem:$0x75B0] =	vst v2  }
0x6f: {  	v2 =	vld [tilespmem:s1+$0x2790];
	_ =	sdelay $0x4  }
0x70: {  	[tilespmem:$0x7740] =	vst v2  }
0x71: {  	v2 =	vld [tilespmem:s1+$0x90];
	_ =	sdelay $0x4  }
0x72: {  	[tilespmem:$0x75C0] =	vst v2  }
0x73: {  	v2 =	vld [tilespmem:s1+$0x27A0];
	_ =	sdelay $0x4  }
0x74: {  	[tilespmem:$0x7750] =	vst v2  }
0x75: {  	v2 =	vld [tilespmem:s1+$0xA0];
	_ =	sdelay $0x4  }
0x76: {  	[tilespmem:$0x75D0] =	vst v2  }
0x77: {  	v2 =	vld [tilespmem:s1+$0x27B0];
	_ =	sdelay $0x4  }
0x78: {  	[tilespmem:$0x7760] =	vst v2  }
0x79: {  	v2 =	vld [tilespmem:s1+$0xB0];
	_ =	sdelay $0x4  }
0x7a: {  	[tilespmem:$0x75E0] =	vst v2  }
0x7b: {  	v2 =	vld [tilespmem:s1+$0x27C0];
	_ =	sdelay $0x4  }
0x7c: {  	[tilespmem:$0x7770] =	vst v2  }
0x7d: {  	v2 =	vld [tilespmem:s1+$0xC0];
	_ =	sdelay $0x4  }
0x7e: {  	[tilespmem:$0x75F0] =	vst v2  }
0x7f: {  	v2 =	vld [tilespmem:s1+$0x27D0];
	_ =	sdelay $0x4  }
0x80: {  	[tilespmem:$0x7780] =	vst v2  }
0x81: {  	v2 =	vld [tilespmem:s1+$0xD0];
	_ =	sdelay $0x4  }
0x82: {  	[tilespmem:$0x7600] =	vst v2  }
0x83: {  	v2 =	vld [tilespmem:s1+$0x27E0];
	_ =	sdelay $0x4  }
0x84: {  	[tilespmem:$0x7790] =	vst v2  }
0x85: {  	v2 =	vld [tilespmem:s1+$0xE0];
	_ =	sdelay $0x4  }
0x86: {  	[tilespmem:$0x7610] =	vst v2  }
0x87: {  	v2 =	vld [tilespmem:s1+$0x27F0];
	_ =	sdelay $0x4  }
0x88: {  	[tilespmem:$0x77A0] =	vst v2  }
0x89: {  	v2 =	vld [tilespmem:s1+$0xF0];
	_ =	sdelay $0x4  }
0x8a: {  	[tilespmem:$0x7620] =	vst v2  }
0x8b: {  	v2 =	vld [tilespmem:s1+$0x2800];
	_ =	sdelay $0x4  }
0x8c: {  	[tilespmem:$0x77B0] =	vst v2  }
0x8d: {  	v2 =	vld [tilespmem:s1+$0x100];
	_ =	sdelay $0x4  }
0x8e: {  	[tilespmem:$0x7630] =	vst v2  }
0x8f: {  	v2 =	vld [tilespmem:s1+$0x2810];
	_ =	sdelay $0x4  }
0x90: {  	[tilespmem:$0x77C0] =	vst v2  }
0x91: {  	v2 =	vld [tilespmem:s1+$0x110];
	_ =	sdelay $0x4  }
0x92: {  	[tilespmem:$0x7640] =	vst v2  }
0x93: {  	v2 =	vld [tilespmem:s1+$0x2820];
	_ =	sdelay $0x4  }
0x94: {  	[tilespmem:$0x77D0] =	vst v2  }
0x95: {  	v2 =	vld [tilespmem:s1+$0x120];
	_ =	sdelay $0x4  }
0x96: {  	[tilespmem:$0x7650] =	vst v2  }
0x97: {  	v2 =	vld [tilespmem:s1+$0x2830];
	_ =	sdelay $0x4  }
0x98: {  	[tilespmem:$0x77E0] =	vst v2  }
0x99: {  	v2 =	vld [tilespmem:s1+$0x130];
	_ =	sdelay $0x4  }
0x9a: {  	[tilespmem:$0x7660] =	vst v2  }
0x9b: {  	v2 =	vld [tilespmem:s1+$0x2840];
	_ =	sdelay $0x4  }
0x9c: {  	[tilespmem:$0x77F0] =	vst v2  }
0x9d: {  	v2 =	vld [tilespmem:s1+$0x140];
	_ =	sdelay $0x4  }
0x9e: {  	[tilespmem:$0x7670] =	vst v2  }
0x9f: {  	v2 =	vld [tilespmem:s1+$0x2850];
	_ =	sdelay $0x4  }
0xa0: {  	[tilespmem:$0x7800] =	vst v2  }
0xa1: {  	v2 =	vld [tilespmem:s1+$0x150];
	_ =	sdelay $0x4  }
0xa2: {  	[tilespmem:$0x7680] =	vst v2  }
0xa3: {  	v2 =	vld [tilespmem:s1+$0x2860];
	_ =	sdelay $0x4  }
0xa4: {  	[tilespmem:$0x7810] =	vst v2  }
0xa5: {  	v2 =	vld [tilespmem:s1+$0x160];
	_ =	sdelay $0x4  }
0xa6: {  	[tilespmem:$0x7690] =	vst v2  }
0xa7: {  	v2 =	vld [tilespmem:s1+$0x2870];
	_ =	sdelay $0x4  }
0xa8: {  	[tilespmem:$0x7820] =	vst v2  }
0xa9: {  	v2 =	vld [tilespmem:s1+$0x170];
	_ =	sdelay $0x4  }
0xaa: {  	[tilespmem:$0x76A0] =	vst v2  }
0xab: {  	v2 =	vld [tilespmem:s1+$0x2880];
	_ =	sdelay $0x4  }
0xac: {  	[tilespmem:$0x7830] =	vst v2  }
0xad: {  	v2 =	vld [tilespmem:s1+$0x180];
	_ =	sdelay $0x4  }
0xae: {  	[tilespmem:$0x76B0] =	vst v2  }
0xaf: {  	v2 =	vld [tilespmem:s1+$0x2890];
	_ =	sdelay $0x4  }
0xb0: {  	[tilespmem:$0x7840] =	vst v2;
	v2 =	vmov s29  }
0xb1: {  	[tilespmem:s21], [sflag:$0x1] =	stream.indirect.gather [hbm4b:s5+s19], $0x20, s20, s19, $0xb8;
	[tilespmem:$0x17338] =	vst v63  }
0xb2: {  	_ =	swait.ge [sflag:s22], $0x3200  }
0xb3: {  	[sflag:s22] =	ssyncset.done $0x0  }
0xb4: {  	s18 =	simm.s32 $0x0;
	[sflag:s22] =	ssyncadd.s32 $0xFFFFCE00  }
0xb5: {  	s30 =	simm.s32 $0x7950;
	v3 =	vld.idx.msk [tilespmem:v2+s18+$0x0 ss:$0x1], $0xffff  }
0xb6: {  	v4 =	vld [tilespmem:s30+$0xFFFFFF10]  }
0xb7: {  	v5 =	vld [tilespmem:s30+$0xFFFFFF00];
	_ =	sdelay $0x2  }
0xb8: {  	v3 =	vmax.f32 v3, $0.0e+00  }
0xb9: {  	v3 =	vmin.f32 v3, $1.000000000e+00  }
0xba: {  	v4 =	vsub.f32 v4, v5;
	v6 =	vbroadcast v3, $0x0;
	_ =	sdelay $0x1  }
0xbb: {  	v4 =	vmul.f32 v4, v6;
	_ =	sdelay $0x1  }
0xbc: {  	v4 =	vadd.f32 v4, v5  }
0xbd: {  	s31 =	simm.s32 $0xAAD0  }
0xbe: {  	[tilespmem:s31+$0xFFFFFF80] =	vst v4  }
0xbf: {  	v4 =	vld [tilespmem:s30+$0xFFFFFF20]  }
0xc0: {  	v5 =	vld [tilespmem:s30+$0xFFFFFF30];
	_ =	sdelay $0x4  }
0xc1: {  	v6 =	vbroadcast v3, $0x1;
	v5 =	vsub.f32 v5, v4;
	_ =	sdelay $0x1  }
0xc2: {  	v5 =	vmul.f32 v5, v6;
	_ =	sdelay $0x1  }
0xc3: {  	v4 =	vadd.f32 v5, v4;
	_ =	sdelay $0x1  }
0xc4: {  	[tilespmem:s31+$0xFFFFFF90] =	vst v4  }
0xc5: {  	v4 =	vld [tilespmem:s30+$0xFFFFFF40]  }
0xc6: {  	v5 =	vld [tilespmem:s30+$0xFFFFFF50];
	_ =	sdelay $0x4  }
0xc7: {  	v6 =	vbroadcast v3, $0x2;
	v5 =	vsub.f32 v5, v4;
	_ =	sdelay $0x1  }
0xc8: {  	v5 =	vmul.f32 v5, v6;
	_ =	sdelay $0x1  }
0xc9: {  	v4 =	vadd.f32 v5, v4;
	_ =	sdelay $0x1  }
0xca: {  	[tilespmem:s31+$0xFFFFFFA0] =	vst v4  }
0xcb: {  	v4 =	vld [tilespmem:s30+$0xFFFFFF60]  }
0xcc: {  	v5 =	vld [tilespmem:s30+$0xFFFFFF70];
	_ =	sdelay $0x4  }
0xcd: {  	v6 =	vbroadcast v3, $0x3;
	v5 =	vsub.f32 v5, v4;
	_ =	sdelay $0x1  }
0xce: {  	v5 =	vmul.f32 v5, v6;
	_ =	sdelay $0x1  }
0xcf: {  	v4 =	vadd.f32 v5, v4;
	_ =	sdelay $0x1  }
0xd0: {  	[tilespmem:s31+$0xFFFFFFB0] =	vst v4  }
0xd1: {  	v4 =	vld [tilespmem:s30+$0xFFFFFF80]  }
0xd2: {  	v5 =	vld [tilespmem:s30+$0xFFFFFF90];
	_ =	sdelay $0x4  }
0xd3: {  	v6 =	vbroadcast v3, $0x4;
	v5 =	vsub.f32 v5, v4;
	_ =	sdelay $0x1  }
0xd4: {  	v5 =	vmul.f32 v5, v6;
	_ =	sdelay $0x1  }
0xd5: {  	v4 =	vadd.f32 v5, v4;
	_ =	sdelay $0x1  }
0xd6: {  	[tilespmem:s31+$0xFFFFFFC0] =	vst v4  }
0xd7: {  	v4 =	vld [tilespmem:s30+$0xFFFFFFA0]  }
0xd8: {  	v5 =	vld [tilespmem:s30+$0xFFFFFFB0];
	_ =	sdelay $0x4  }
0xd9: {  	v6 =	vbroadcast v3, $0x5;
	v5 =	vsub.f32 v5, v4;
	_ =	sdelay $0x1  }
0xda: {  	v5 =	vmul.f32 v5, v6;
	_ =	sdelay $0x1  }
0xdb: {  	v4 =	vadd.f32 v5, v4;
	_ =	sdelay $0x1  }
0xdc: {  	[tilespmem:s31+$0xFFFFFFD0] =	vst v4  }
0xdd: {  	v4 =	vld [tilespmem:s30+$0xFFFFFFC0]  }
0xde: {  	v5 =	vld [tilespmem:s30+$0xFFFFFFD0];
	_ =	sdelay $0x4  }
0xdf: {  	v6 =	vbroadcast v3, $0x6;
	v5 =	vsub.f32 v5, v4;
	_ =	sdelay $0x1  }
0xe0: {  	v5 =	vmul.f32 v5, v6;
	_ =	sdelay $0x1  }
0xe1: {  	v4 =	vadd.f32 v5, v4;
	_ =	sdelay $0x1  }
0xe2: {  	[tilespmem:s31+$0xFFFFFFE0] =	vst v4  }
0xe3: {  	v4 =	vld [tilespmem:s30+$0xFFFFFFE0]  }
0xe4: {  	v5 =	vld [tilespmem:s30+$0xFFFFFFF0];
	_ =	sdelay $0x4  }
0xe5: {  	v6 =	vbroadcast v3, $0x7;
	v5 =	vsub.f32 v5, v4;
	_ =	sdelay $0x1  }
0xe6: {  	v5 =	vmul.f32 v5, v6;
	_ =	sdelay $0x1  }
0xe7: {  	v4 =	vadd.f32 v5, v4;
	_ =	sdelay $0x1  }
0xe8: {  	[tilespmem:s31+$0xFFFFFFF0] =	vst v4  }
0xe9: {  	v4 =	vld [tilespmem:s30+$0x0]  }
0xea: {  	v5 =	vld [tilespmem:s30+$0x10];
	_ =	sdelay $0x4  }
0xeb: {  	v6 =	vbroadcast v3, $0x8;
	v5 =	vsub.f32 v5, v4;
	_ =	sdelay $0x1  }
0xec: {  	v5 =	vmul.f32 v5, v6;
	_ =	sdelay $0x1  }
0xed: {  	v4 =	vadd.f32 v5, v4;
	_ =	sdelay $0x1  }
0xee: {  	[tilespmem:s31+$0x0] =	vst v4  }
0xef: {  	v4 =	vld [tilespmem:s30+$0x20]  }
0xf0: {  	v5 =	vld [tilespmem:s30+$0x30];
	_ =	sdelay $0x4  }
0xf1: {  	v6 =	vbroadcast v3, $0x9;
	v5 =	vsub.f32 v5, v4;
	_ =	sdelay $0x1  }
0xf2: {  	v5 =	vmul.f32 v5, v6;
	_ =	sdelay $0x1  }
0xf3: {  	v4 =	vadd.f32 v5, v4;
	_ =	sdelay $0x1  }
0xf4: {  	[tilespmem:s31+$0x10] =	vst v4  }
0xf5: {  	v4 =	vld [tilespmem:s30+$0x40]  }
0xf6: {  	v5 =	vld [tilespmem:s30+$0x50];
	_ =	sdelay $0x4  }
0xf7: {  	v6 =	vbroadcast v3, $0xA;
	v5 =	vsub.f32 v5, v4;
	_ =	sdelay $0x1  }
0xf8: {  	v5 =	vmul.f32 v5, v6;
	_ =	sdelay $0x1  }
0xf9: {  	v4 =	vadd.f32 v5, v4;
	_ =	sdelay $0x1  }
0xfa: {  	[tilespmem:s31+$0x20] =	vst v4  }
0xfb: {  	v4 =	vld [tilespmem:s30+$0x60]  }
0xfc: {  	v5 =	vld [tilespmem:s30+$0x70];
	_ =	sdelay $0x4  }
0xfd: {  	v6 =	vbroadcast v3, $0xB;
	v5 =	vsub.f32 v5, v4;
	_ =	sdelay $0x1  }
0xfe: {  	v5 =	vmul.f32 v5, v6;
	_ =	sdelay $0x1  }
0xff: {  	v4 =	vadd.f32 v5, v4;
	_ =	sdelay $0x1  }
0x100: {  	[tilespmem:s31+$0x30] =	vst v4  }
0x101: {  	v4 =	vld [tilespmem:s30+$0x80]  }
0x102: {  	v5 =	vld [tilespmem:s30+$0x90];
	_ =	sdelay $0x4  }
0x103: {  	v6 =	vbroadcast v3, $0xC;
	v5 =	vsub.f32 v5, v4;
	_ =	sdelay $0x1  }
0x104: {  	v5 =	vmul.f32 v5, v6;
	_ =	sdelay $0x1  }
0x105: {  	v4 =	vadd.f32 v5, v4;
	_ =	sdelay $0x1  }
0x106: {  	[tilespmem:s31+$0x40] =	vst v4  }
0x107: {  	v4 =	vld [tilespmem:s30+$0xA0]  }
0x108: {  	v5 =	vld [tilespmem:s30+$0xB0];
	_ =	sdelay $0x4  }
0x109: {  	v6 =	vbroadcast v3, $0xD;
	v5 =	vsub.f32 v5, v4;
	_ =	sdelay $0x1  }
0x10a: {  	v5 =	vmul.f32 v5, v6;
	_ =	sdelay $0x1  }
0x10b: {  	v4 =	vadd.f32 v5, v4;
	_ =	sdelay $0x1  }
0x10c: {  	[tilespmem:s31+$0x50] =	vst v4  }
0x10d: {  	v4 =	vld [tilespmem:s30+$0xC0]  }
0x10e: {  	v5 =	vld [tilespmem:s30+$0xD0];
	_ =	sdelay $0x4  }
0x10f: {  	v6 =	vbroadcast v3, $0xE;
	v5 =	vsub.f32 v5, v4;
	_ =	sdelay $0x1  }
0x110: {  	s17 =	simm.s32 $0x40;
	s1 =	simm.s32 $0xAAD0;
	s18 =	simm.s32 $0x7950;
	v3 =	vbroadcast v3, $0xF;
	v5 =	vmul.f32 v5, v6  }
.LBB2_9:
0x111: {  	_ = 	snop  }
0x112: {  	p2 =	sne.s32 s17, $0x600;
	s31 =	sadd.s32 $0x100, s31;
	s30 =	sadd.s32 $0x200, s30;
	v4 =	vadd.f32 v5, v4  }
0x113: {  	s15 =	smov.u32 s17;
	s17 =	sadd.s32 $0x40, s17  }
0x114: {  	[tilespmem:s1+$0x60] =	vst v4  }
0x115: {  	v4 =	vld [tilespmem:s18+$0xE0]  }
0x116: {  	v5 =	vld [tilespmem:s18+$0xF0];
	s18 =	smov.u32 s30;
	_ =	sdelay $0x4  }
0x117: {  	v5 =	vsub.f32 v5, v4;
	_ =	sdelay $0x1  }
0x118: {  	v3 =	vmul.f32 v5, v3;
	_ =	sdelay $0x1  }
0x119: {  	v3 =	vadd.f32 v3, v4;
	_ =	sdelay $0x1  }
0x11a: {  	s15 =	sshra.s32 s15, $0x2;
	[tilespmem:s1+$0x70] =	vst v3;
	s1 =	smov.u32 s31  }
0x11b: {  	v3 =	vld.idx.msk [tilespmem:v2+s15+$0x0 ss:$0x1], $0xffff;
	_ =	sdelay $0x1  }
0x11c: {  	v4 =	vld [tilespmem:s30+$0xFFFFFF10]  }
0x11d: {  	v5 =	vld [tilespmem:s30+$0xFFFFFF00];
	_ =	sdelay $0x2  }
0x11e: {  	v3 =	vmax.f32 v3, $0.0e+00  }
0x11f: {  	v3 =	vmin.f32 v3, $1.000000000e+00  }
0x120: {  	v6 =	vbroadcast v3, $0x0;
	v4 =	vsub.f32 v4, v5;
	_ =	sdelay $0x1  }
0x121: {  	v4 =	vmul.f32 v4, v6;
	_ =	sdelay $0x1  }
0x122: {  	v4 =	vadd.f32 v4, v5;
	_ =	sdelay $0x1  }
0x123: {  	[tilespmem:s31+$0xFFFFFF80] =	vst v4  }
0x124: {  	v4 =	vld [tilespmem:s30+$0xFFFFFF20]  }
0x125: {  	v5 =	vld [tilespmem:s30+$0xFFFFFF30];
	_ =	sdelay $0x3  }
0x126: {  	v6 =	vbroadcast v3, $0x1  }
0x127: {  	v5 =	vsub.f32 v5, v4;
	_ =	sdelay $0x1  }
0x128: {  	v5 =	vmul.f32 v5, v6;
	_ =	sdelay $0x1  }
0x129: {  	v4 =	vadd.f32 v5, v4;
	_ =	sdelay $0x1  }
0x12a: {  	[tilespmem:s31+$0xFFFFFF90] =	vst v4  }
0x12b: {  	v4 =	vld [tilespmem:s30+$0xFFFFFF40]  }
0x12c: {  	v5 =	vld [tilespmem:s30+$0xFFFFFF50];
	_ =	sdelay $0x2  }
0x12d: {  	v6 =	vbroadcast v3, $0x2;
	_ =	sdelay $0x1  }
0x12e: {  	v5 =	vsub.f32 v5, v4;
	_ =	sdelay $0x1  }
0x12f: {  	v5 =	vmul.f32 v5, v6;
	_ =	sdelay $0x1  }
0x130: {  	v4 =	vadd.f32 v5, v4;
	_ =	sdelay $0x1  }
0x131: {  	[tilespmem:s31+$0xFFFFFFA0] =	vst v4  }
0x132: {  	v4 =	vld [tilespmem:s30+$0xFFFFFF60]  }
0x133: {  	v5 =	vld [tilespmem:s30+$0xFFFFFF70];
	_ =	sdelay $0x1  }
0x134: {  	v6 =	vbroadcast v3, $0x3;
	_ =	sdelay $0x2  }
0x135: {  	v5 =	vsub.f32 v5, v4;
	_ =	sdelay $0x1  }
0x136: {  	v5 =	vmul.f32 v5, v6;
	_ =	sdelay $0x1  }
0x137: {  	v4 =	vadd.f32 v5, v4;
	_ =	sdelay $0x1  }
0x138: {  	[tilespmem:s31+$0xFFFFFFB0] =	vst v4  }
0x139: {  	v4 =	vld [tilespmem:s30+$0xFFFFFF80]  }
0x13a: {  	v5 =	vld [tilespmem:s30+$0xFFFFFF90]  }
0x13b: {  	v6 =	vbroadcast v3, $0x4;
	_ =	sdelay $0x3  }
0x13c: {  	v5 =	vsub.f32 v5, v4;
	_ =	sdelay $0x1  }
0x13d: {  	v5 =	vmul.f32 v5, v6;
	_ =	sdelay $0x1  }
0x13e: {  	v4 =	vadd.f32 v5, v4;
	_ =	sdelay $0x1  }
0x13f: {  	[tilespmem:s31+$0xFFFFFFC0] =	vst v4  }
0x140: {  	v4 =	vld [tilespmem:s30+$0xFFFFFFA0]  }
0x141: {  	v6 =	vbroadcast v3, $0x5;
	v5 =	vld [tilespmem:s30+$0xFFFFFFB0];
	_ =	sdelay $0x4  }
0x142: {  	v5 =	vsub.f32 v5, v4;
	_ =	sdelay $0x1  }
0x143: {  	v5 =	vmul.f32 v5, v6;
	_ =	sdelay $0x1  }
0x144: {  	v4 =	vadd.f32 v5, v4;
	_ =	sdelay $0x1  }
0x145: {  	[tilespmem:s31+$0xFFFFFFD0] =	vst v4  }
0x146: {  	v5 =	vbroadcast v3, $0x6;
	v4 =	vld [tilespmem:s30+$0xFFFFFFC0]  }
0x147: {  	v6 =	vld [tilespmem:s30+$0xFFFFFFD0];
	_ =	sdelay $0x4  }
0x148: {  	v6 =	vsub.f32 v6, v4;
	_ =	sdelay $0x1  }
0x149: {  	v5 =	vmul.f32 v6, v5;
	_ =	sdelay $0x1  }
0x14a: {  	v4 =	vadd.f32 v5, v4;
	_ =	sdelay $0x1  }
0x14b: {  	[tilespmem:s31+$0xFFFFFFE0] =	vst v4;
	v4 =	vbroadcast v3, $0x7  }
0x14c: {  	v5 =	vld [tilespmem:s30+$0xFFFFFFE0]  }
0x14d: {  	v6 =	vld [tilespmem:s30+$0xFFFFFFF0];
	_ =	sdelay $0x4  }
0x14e: {  	v6 =	vsub.f32 v6, v5;
	_ =	sdelay $0x1  }
0x14f: {  	v4 =	vmul.f32 v6, v4;
	_ =	sdelay $0x1  }
0x150: {  	v4 =	vadd.f32 v4, v5  }
0x151: {  	v5 =	vbroadcast v3, $0x8  }
0x152: {  	[tilespmem:s31+$0xFFFFFFF0] =	vst v4  }
0x153: {  	v4 =	vld [tilespmem:s30+$0x0]  }
0x154: {  	v6 =	vld [tilespmem:s30+$0x10];
	_ =	sdelay $0x4  }
0x155: {  	v6 =	vsub.f32 v6, v4;
	_ =	sdelay $0x1  }
0x156: {  	v5 =	vmul.f32 v6, v5;
	_ =	sdelay $0x1  }
0x157: {  	v4 =	vadd.f32 v5, v4;
	v5 =	vbroadcast v3, $0x9;
	_ =	sdelay $0x1  }
0x158: {  	[tilespmem:s31+$0x0] =	vst v4  }
0x159: {  	v4 =	vld [tilespmem:s30+$0x20]  }
0x15a: {  	v6 =	vld [tilespmem:s30+$0x30];
	_ =	sdelay $0x4  }
0x15b: {  	v6 =	vsub.f32 v6, v4;
	_ =	sdelay $0x1  }
0x15c: {  	v5 =	vmul.f32 v6, v5  }
0x15d: {  	v6 =	vbroadcast v3, $0xA  }
0x15e: {  	v4 =	vadd.f32 v5, v4;
	_ =	sdelay $0x1  }
0x15f: {  	[tilespmem:s31+$0x10] =	vst v4  }
0x160: {  	v4 =	vld [tilespmem:s30+$0x40]  }
0x161: {  	v5 =	vld [tilespmem:s30+$0x50];
	_ =	sdelay $0x4  }
0x162: {  	v5 =	vsub.f32 v5, v4;
	_ =	sdelay $0x1  }
0x163: {  	v5 =	vmul.f32 v5, v6;
	v6 =	vbroadcast v3, $0xB;
	_ =	sdelay $0x1  }
0x164: {  	v4 =	vadd.f32 v5, v4;
	_ =	sdelay $0x1  }
0x165: {  	[tilespmem:s31+$0x20] =	vst v4  }
0x166: {  	v4 =	vld [tilespmem:s30+$0x60]  }
0x167: {  	v5 =	vld [tilespmem:s30+$0x70];
	_ =	sdelay $0x4  }
0x168: {  	v5 =	vsub.f32 v5, v4  }
0x169: {  	v7 =	vbroadcast v3, $0xC  }
0x16a: {  	v5 =	vmul.f32 v5, v6;
	_ =	sdelay $0x1  }
0x16b: {  	v4 =	vadd.f32 v5, v4;
	_ =	sdelay $0x1  }
0x16c: {  	[tilespmem:s31+$0x30] =	vst v4  }
0x16d: {  	v4 =	vld [tilespmem:s30+$0x80]  }
0x16e: {  	v5 =	vld [tilespmem:s30+$0x90];
	_ =	sdelay $0x4  }
0x16f: {  	v6 =	vbroadcast v3, $0xD;
	v5 =	vsub.f32 v5, v4;
	_ =	sdelay $0x1  }
0x170: {  	v5 =	vmul.f32 v5, v7;
	_ =	sdelay $0x1  }
0x171: {  	v4 =	vadd.f32 v5, v4;
	_ =	sdelay $0x1  }
0x172: {  	[tilespmem:s31+$0x40] =	vst v4  }
0x173: {  	v4 =	vld [tilespmem:s30+$0xA0]  }
0x174: {  	v5 =	vld [tilespmem:s30+$0xB0];
	_ =	sdelay $0x3  }
0x175: {  	v7 =	vbroadcast v3, $0xE  }
0x176: {  	v5 =	vsub.f32 v5, v4;
	_ =	sdelay $0x1  }
0x177: {  	v5 =	vmul.f32 v5, v6;
	_ =	sdelay $0x1  }
0x178: {  	v4 =	vadd.f32 v5, v4;
	_ =	sdelay $0x1  }
0x179: {  	[tilespmem:s31+$0x50] =	vst v4  }
0x17a: {  	v4 =	vld [tilespmem:s30+$0xC0]  }
0x17b: {  	v5 =	vld [tilespmem:s30+$0xD0];
	_ =	sdelay $0x2  }
.Ltmp3:
0x17c: {  	v3 =	vbroadcast v3, $0xF;
	(pc) =	sbr.rel @p2 .LBB2_9-.Ltmp3, $3  }
0x17d: {  	_ = 	snop  }
0x17e: {  	v5 =	vsub.f32 v5, v4;
	_ =	sdelay $0x1  }
0x17f: {  	v5 =	vmul.f32 v5, v7  }
0x180: {  	_ = 	snop  }
0x181: {  	v2 =	vadd.f32 v5, v4;
	_ =	sdelay $0x1  }
0x182: {  	[tilespmem:s1+$0x60] =	vst v2  }
0x183: {  	v2 =	vld [tilespmem:s18+$0xE0]  }
0x184: {  	v63 =	vld [tilespmem:s18+$0xF0];
	_ =	sdelay $0x4  }
0x185: {  	v4 =	vsub.f32 v63, v2;
	_ =	sdelay $0x1  }
0x186: {  	v3 =	vmul.f32 v4, v3;
	_ =	sdelay $0x1  }
0x187: {  	v2 =	vadd.f32 v3, v2;
	_ =	sdelay $0x1  }
0x188: {  	[tilespmem:s1+$0x70] =	vst v2  }
0x189: {  	[spmem:s2] =	stream.indirect.scatter.add.f32 [tilespmem:s24], [sflag:$0x2], $0x10, s23, s19, $0xb8;
	[tilespmem:$0x17338] =	vst v63  }
0x18a: {  	s28 =	sadd.s32 $0x1, s28;
	_ =	swait.ge [sflag:s14], $0x1900  }
0x18b: {  	p2 =	sne.s32 s28, $0x19;
	[sflag:s14] =	ssyncset.done $0x0  }
.Ltmp4:
0x18c: {  	[sflag:s14] =	ssyncadd.s32 $0xFFFFE700;
	(pc) =	sbr.rel @p2 .LBB2_8-.Ltmp4, $4  }
0x18d: {  	[spmem:s3] =	stream.indirect.scatter.add.f32 [tilespmem:s25], [sflag:$0x2], $0x1, s23, s19, $0xb8;
	[tilespmem:$0x17338] =	vst v63  }
0x18e: {  	_ =	swait.ge [sflag:s14], $0x190  }
0x18f: {  	[sflag:s14] =	ssyncset.done $0x0  }
0x190: {  	s29 =	sadd.s32 $0x190, s29;
	[sflag:s14] =	ssyncadd.s32 $0xFFFFFE70  }
0x191: {  	s1 =	sshll.u32 @!p0 s0, $0x6  }
0x192: {  	[bflag:$0x0] =	sbarrier.arrive $0xFFFF;
	s15 =	sshrl.u32 @!p0 s9, $0x3;
	s1 =	sor.u32 @!p0 $0x1C02, s1  }
0x193: {  	[hbm:s11], [sflag:s1] =	dma.local @!p0 [spmem:s15], $0xFA0  }
0x194: {  	s1 =	simm.s32 @!p0 $0x2  }
0x195: {  	s26 =	sadd.s32 $0x1, s26;
	_ =	swait.ge @!p0 [sflag:s1], $0xFA0  }
0x196: {  	p2 =	sne.s32 s26, s13;
	[sflag:s1] =	ssyncset.done @!p0 $0x0  }
0x197: {  	s15 =	simm.s32 @!p1 $0x1C02;
	[sflag:s1] =	ssyncadd.s32 @!p0 $0xFFFFF060;
	s1 =	sshrl.u32 @!p1 s3, $0x3  }
0x198: {  	[hbm:s12], [sflag:s15] =	dma.local @!p1 [spmem:s1], $0x4E2  }
.Ltmp5:
0x199: {  	_ = 	snop;
	(pc) =	sbr.rel @p2 .LBB2_1-.Ltmp5, $4  }
0x19a: {  	s1 =	simm.s32 @!p1 $0x2  }
0x19b: {  	_ =	swait.ge @!p1 [sflag:s1], $0x4E2  }
0x19c: {  	[sflag:s1] =	ssyncset.done @!p1 $0x0  }
0x19d: {  	[sflag:s1] =	ssyncadd.s32 @!p1 $0xFFFFFB1E  }
0x19e: {  	_ =	sfence.sel $0x180000  }
0x19f: {  	[bflag:$0x0] =	sbarrier.arrive $0xFFFF  }
0x1a0: {  	_ =	strace $0x90000047  }
0x1a1: {  	[bflag:$0x2] =	sbarrier.arrive $0xFFFF  }
0x1a2: {  	p0 =	sne.s32 s0, $0x0;
	s0 =	rddreg [dreg:$0x4]  }
0x1a3: {  	s0 =	sadd.s32 @!p0 $0x100000, s0  }
0x1a4: {  	[sflag:s0] =	ssyncadd.tile.s32 @!p0 $0x1;
	_ =	shalt  }
.Lfunc_end2:
_tile_overlayer_lowered:
.L_overlay_start_2:
0x1a5: {  	(tag) =	ssettag $0x2  }
0x1a6: {  	s0 =	rddreg [dreg:$0x0];
	s2 =	stileid.u32  }
0x1a7: {  	s1 =	rddreg [dreg:$0x1];
	p0 =	sne.s32 s2, $0x0  }
0x1a8: {  	s3 =	rddreg [dreg:$0x2];
	[bflag:$0x3] =	sbarrier.arrive $0xFFFF;
	s2 =	simm.s32 @!p0 $0x1C02  }
0x1a9: {  	[timem:s3], [sflag:s2] =	dma.local @!p0 [hbm:s0], s1  }
0x1aa: {  	s0 =	simm.s32 @!p0 $0x2  }
0x1ab: {  	_ =	swait.ge @!p0 [sflag:s0], s1  }
0x1ac: {  	s1 =	ssub.s32 @!p0 $0x0, s1;
	[sflag:s0] =	ssyncset.done @!p0 $0x0  }
0x1ad: {  	[sflag:s0] =	ssyncadd.s32 @!p0 s1  }
0x1ae: {  	[bflag:$0x3] =	sbarrier.arrive $0xFFFF  }
0x1af: {  	_ =	shalt  }

</sc_bundles>
